<compile_context>
chip_gen: v7x
topology: tpu7x:2x2x1
jax: 0.10.2.dev20260603
libtpu: 0.0.44.dev20260713+nightly
codegen_flags: <defaults>
</compile_context>

<pallas_src>
import functools

import jax
import jax.numpy as jnp
from jax import lax
from jax.experimental import pallas as pl
from jax.experimental.pallas import tpu as pltpu
from jax.experimental.pallas import tpu_sc as plsc

B = 50000
EMB = 64
DFEAT = 128

_INFO = plsc.get_sparse_core_info()
_NC = _INFO.num_cores
_NS = _INFO.num_subcores
_NW = _NC * _NS

CHUNK = 80
_BLK = 2048
_NBLK = -(-B // _BLK)
_BP = _NBLK * _BLK
_USLAB = _BP // _NW
_UCH = _USLAB // CHUNK

_NCHUNKS = B // CHUNK
_MAXC = -(-_NCHUNKS // _NW)
_FULL = _NCHUNKS - (_MAXC - 1) * _NW
_SLAB = _MAXC * CHUNK
_NID_PAD = (_NW - 1) * (_MAXC - 1) * CHUNK + _FULL * CHUNK + _SLAB - B


_NBUF = 6


_UCHUNK = 128
_UFULL = _USLAB // _UCHUNK
_UTAIL = _USLAB - _UFULL * _UCHUNK


def _sc_user_body(emb_hbm, nidu_hbm, xu_hbm, idxu_v, tbuf_v, *bufs_sems):
    bufs, sems = bufs_sems[:_NBUF], bufs_sems[_NBUF:]
    wid = lax.axis_index("s") * _NC + lax.axis_index("c")
    ubase = wid * _USLAB
    pltpu.sync_copy(nidu_hbm.at[pl.ds(ubase, _USLAB)], idxu_v)
    ct = pltpu.async_copy(
        emb_hbm.at[idxu_v.at[pl.ds(_UFULL * _UCHUNK, _UTAIL)]],
        tbuf_v, sems[_NBUF])
    cps = [None] * _NBUF
    for j in range(_UFULL + _NBUF - 1):
        if j < _UFULL:
            cps[j % _NBUF] = pltpu.async_copy(
                emb_hbm.at[idxu_v.at[pl.ds(j * _UCHUNK, _UCHUNK)]],
                bufs[j % _NBUF], sems[j % _NBUF])
        d = j - (_NBUF - 1)
        if 0 <= d < _UFULL:
            cps[d % _NBUF].wait()
            pltpu.sync_copy(bufs[d % _NBUF],
                            xu_hbm.at[pl.ds(ubase + d * _UCHUNK, _UCHUNK)])
    ct.wait()
    pltpu.sync_copy(tbuf_v,
                    xu_hbm.at[pl.ds(ubase + _UFULL * _UCHUNK, _UTAIL)])


def _sc_item_body(feats_hbm, nidi_hbm, rows_hbm, idxi_v, *bufs_sems):
    bufs, sems = bufs_sems[:_NBUF], bufs_sems[_NBUF:]
    wid = lax.axis_index("s") * _NC + lax.axis_index("c")
    nchunks = jnp.where(wid < _FULL, _MAXC, _MAXC - 1)
    ibase = wid * ((_MAXC - 1) * CHUNK) + jnp.minimum(wid, _FULL) * CHUNK
    pltpu.sync_copy(nidi_hbm.at[pl.ds(ibase, _SLAB)], idxi_v)
    cps = [None] * _NBUF
    for j in range(_MAXC + _NBUF - 1):
        if j < _MAXC:
            cps[j % _NBUF] = pltpu.async_copy(
                feats_hbm.at[idxi_v.at[pl.ds(j * CHUNK, CHUNK)]],
                bufs[j % _NBUF], sems[j % _NBUF])
        d = j - (_NBUF - 1)
        if 0 <= d < _MAXC:
            cps[d % _NBUF].wait()

            @pl.when(d < nchunks)
            def _():
                pltpu.sync_copy(
                    bufs[d % _NBUF],
                    rows_hbm.at[pl.ds(ibase + d * CHUNK, CHUNK)])


_MESH = plsc.VectorSubcoreMesh(core_axis_name="c", subcore_axis_name="s")
_PARAMS = pltpu.CompilerParams(use_tc_tiling_on_sc=False)

_sc_user = functools.partial(
    pl.kernel,
    mesh=_MESH,
    out_type=[jax.ShapeDtypeStruct((_BP, EMB), jnp.float32)],
    scratch_types=(
        [pltpu.VMEM((_USLAB,), jnp.int32),
         pltpu.VMEM((_UTAIL, EMB), jnp.float32)]
        + [pltpu.VMEM((_UCHUNK, EMB), jnp.float32)] * _NBUF
        + [pltpu.SemaphoreType.DMA] * (_NBUF + 1)
    ),
    compiler_params=_PARAMS,
)(_sc_user_body)

_sc_item = functools.partial(
    pl.kernel,
    mesh=_MESH,
    out_type=[jax.ShapeDtypeStruct((B, DFEAT), jnp.float32)],
    scratch_types=(
        [pltpu.VMEM((_SLAB,), jnp.int32)]
        + [pltpu.VMEM((CHUNK, DFEAT), jnp.float32)] * _NBUF
        + [pltpu.SemaphoreType.DMA] * _NBUF
    ),
    compiler_params=_PARAMS,
)(_sc_item_body)


def _tc_body(xu_ref, wt_ref, rows_ref, xuT_ref, xiT_ref):
    pt = jnp.transpose(xu_ref[...])
    xuT_ref[...] = jnp.concatenate([pt[:EMB], pt[EMB:]], axis=1)
    xiT_ref[...] = lax.dot_general(
        wt_ref[...], rows_ref[...],
        dimension_numbers=(((1,), (1,)), ((), ())),
        preferred_element_type=jnp.float32)


def _tc_finish(xu_pairs, wt, rows):
    return pl.pallas_call(
        _tc_body,
        grid=(_NBLK,),
        in_specs=[
            pl.BlockSpec((_BLK // 2, 2 * EMB), lambda i: (i, 0)),
            pl.BlockSpec((EMB, DFEAT), lambda i: (0, 0)),
            pl.BlockSpec((_BLK, DFEAT), lambda i: (i, 0)),
        ],
        out_specs=[
            pl.BlockSpec((EMB, _BLK), lambda i: (0, i)),
            pl.BlockSpec((EMB, _BLK), lambda i: (0, i)),
        ],
        out_shape=[
            jax.ShapeDtypeStruct((EMB, B), jnp.float32),
            jax.ShapeDtypeStruct((EMB, B), jnp.float32),
        ],
    )(xu_pairs, wt, rows)


def kernel(emb_user, feats_item, W_item, nid_user, nid_item):
    nid_u = jnp.pad(nid_user.astype(jnp.int32), (0, _BP - B))
    nid_perm = nid_u.reshape(_NBLK, 2, _BLK // 2).transpose(0, 2, 1).reshape(-1)
    nid_i = jnp.pad(nid_item.astype(jnp.int32), (0, _NID_PAD))
    (rows,) = _sc_item(feats_item, nid_i)
    (xu_pairs,) = _sc_user(emb_user, nid_perm)
    xu_pairs = xu_pairs.reshape(_BP // 2, 2 * EMB)
    x_userT, x_itemT = _tc_finish(xu_pairs, W_item.T, rows)
    return (x_userT.T, x_itemT.T)

# --- scband reference (transcript-rebuilt; emitter-appended) ---
"""Pipeline reference for scband-rel-graph-embedding-43800076485314 (READ-ONLY COPY).

The authoritative reference and input builder live on the scoring server;
editing this copy changes nothing except your own understanding.
"""

import jax, jax.numpy as jnp
import numpy as np

NUM_NODES = 100000
EMB = 64
DFEAT = 128
B = 50000

def setup_inputs(seed: int = 0) -> dict:
    key = jax.random.key(seed)
    k1, k2, k3, k4, k5 = jax.random.split(key, 5)
    # in_nodes dict: node ids per ntype
    nid_user = jax.random.randint(k1, (B,), 0, NUM_NODES)
    nid_item = jax.random.randint(k2, (B,), 0, NUM_NODES)
    # ntype 'user' has node_feats None -> learned nn.Embedding, init uniform(-1, 1)
    emb_user = jax.random.uniform(k3, (NUM_NODES, EMB), minval=-1.0, maxval=1.0, dtype=jnp.float32)
    # ntype 'item' has node feats + projection (node_feats_projection=True)
    feats_item = jax.random.normal(k4, (NUM_NODES, DFEAT), dtype=jnp.float32)
    # xavier_uniform init for projection weight [DFEAT, EMB]
    limit = float(np.sqrt(6.0 / (DFEAT + EMB)))
    W_item = jax.random.uniform(k5, (DFEAT, EMB), minval=-limit, maxval=limit, dtype=jnp.float32)
    return {
        "emb_user": emb_user,
        "feats_item": feats_item,
        "W_item": W_item,
        "nid_user": nid_user,
        "nid_item": nid_item,
    }

def reference(emb_user, feats_item, W_item, nid_user, nid_item):
    # x['user'] = self.node_embeddings['user'](nid)  -> embedding gather
    x_user = jnp.take(emb_user, nid_user, axis=0)
    # x['item'] = self._node_feats['item'][nid] @ self.embeddings['item']
    x_item = jnp.take(feats_item, nid_item, axis=0) @ W_item
    return (x_user, x_item)

if __name__ == "__main__":
    import jax
    _d = setup_inputs()
    print(jax.jit(kernel)(*tuple(_d.values())))

</pallas_src>

<mosaic_0001>
#map = affine_map<(d0, d1) -> (0, 0)>
#map1 = affine_map<(d0, d1) -> (0)>
module attributes {stable_mosaic.version = 14 : i64} {
  func.func @_sc_user_body(%arg0: i32, %arg1: i32, %arg2: memref<100000x64xf32, #tpu.memory_space<hbm>>, %arg3: memref<51200xi32, #tpu.memory_space<hbm>>, %arg4: memref<51200x64xf32, #tpu.memory_space<hbm>>, %arg5: memref<1600xi32, #tpu.memory_space<vmem>>, %arg6: memref<64x64xf32, #tpu.memory_space<vmem>>, %arg7: memref<128x64xf32, #tpu.memory_space<vmem>>, %arg8: memref<128x64xf32, #tpu.memory_space<vmem>>, %arg9: memref<128x64xf32, #tpu.memory_space<vmem>>, %arg10: memref<128x64xf32, #tpu.memory_space<vmem>>, %arg11: memref<128x64xf32, #tpu.memory_space<vmem>>, %arg12: memref<128x64xf32, #tpu.memory_space<vmem>>, %arg13: memref<!tpu.dma_semaphore, #tpu.memory_space<semaphore_mem>>, %arg14: memref<!tpu.dma_semaphore, #tpu.memory_space<semaphore_mem>>, %arg15: memref<!tpu.dma_semaphore, #tpu.memory_space<semaphore_mem>>, %arg16: memref<!tpu.dma_semaphore, #tpu.memory_space<semaphore_mem>>, %arg17: memref<!tpu.dma_semaphore, #tpu.memory_space<semaphore_mem>>, %arg18: memref<!tpu.dma_semaphore, #tpu.memory_space<semaphore_mem>>, %arg19: memref<!tpu.dma_semaphore, #tpu.memory_space<semaphore_mem>>) attributes {dimension_semantics = [#tpu.dimension_semantics<core_parallel>, #tpu.dimension_semantics<subcore_parallel>], iteration_bounds = array<i64: 2, 16>, scalar_prefetch = 0 : i64, scratch_operands = 15 : i64, tpu.core_type = #tpu.core_type<sc_vector_subcore>, window_params = [{transform_indices = #map}, {transform_indices = #map1}, {transform_indices = #map}]} {
    %mul3A = arith.constant 2 : i32
    %mul3A_0 = arith.muli %arg1, %mul3A : i32
    %add3A = arith.addi %mul3A_0, %arg0 : i32
    %mul3A_1 = arith.constant 1600 : i32
    %mul3A_2 = arith.muli %add3A, %mul3A_1 : i32
    "tpu.region"() ({
      %run_scoped3A = tpu.sem_alloc : memref<!tpu.dma_semaphore, #tpu.memory_space<semaphore_mem>>
      %dma_start3A_157 = tpu.memref_slice %arg3[%mul3A_2] : memref<51200xi32, #tpu.memory_space<hbm>> -> memref<1600xi32, #tpu.memory_space<hbm>>
      %dma_start3A_158 = tpu.memref_slice %arg3[%mul3A_2] : memref<51200xi32, #tpu.memory_space<hbm>> -> memref<1600xi32, #tpu.memory_space<hbm>>
      tpu.enqueue_dma source(%dma_start3A_158 : memref<1600xi32, #tpu.memory_space<hbm>>) target(%arg5 : memref<1600xi32, #tpu.memory_space<vmem>>) target_semaphore(%run_scoped3A : memref<!tpu.dma_semaphore, #tpu.memory_space<semaphore_mem>>)
      %dma_wait3A_159 = tpu.memref_slice %arg3[%mul3A_2] : memref<51200xi32, #tpu.memory_space<hbm>> -> memref<1600xi32, #tpu.memory_space<hbm>>
      %dma_wait3A_160 = tpu.memref_slice %arg3[%mul3A_2] : memref<51200xi32, #tpu.memory_space<hbm>> -> memref<1600xi32, #tpu.memory_space<hbm>>
      tpu.wait_dma2 semaphore(%run_scoped3A : memref<!tpu.dma_semaphore, #tpu.memory_space<semaphore_mem>>) src(%dma_wait3A_160 : memref<1600xi32, #tpu.memory_space<hbm>>) dst(%arg5 : memref<1600xi32, #tpu.memory_space<vmem>>)
      tpu.yield
    }) : () -> ()
    %dma_start3A = arith.constant 1536 : i32
    %dma_start3A_3 = tpu.memref_slice %arg5[%dma_start3A] : memref<1600xi32, #tpu.memory_space<vmem>> -> memref<64xi32, #tpu.memory_space<vmem>>
    %dma_start3A_4 = arith.constant 0 : i32
    %dma_start3A_5 = arith.constant 0 : i32
    %dma_start3A_6 = tpu.memref_slice %arg2[%dma_start3A_4, %dma_start3A_5] : memref<100000x64xf32, #tpu.memory_space<hbm>> -> memref<100000x64xf32, #tpu.memory_space<hbm>>
    tpu.enqueue_indirect_dma source(%dma_start3A_6 : memref<100000x64xf32, #tpu.memory_space<hbm>>) target(%arg6 : memref<64x64xf32, #tpu.memory_space<vmem>>) offsets(%dma_start3A_3 : memref<64xi32, #tpu.memory_space<vmem>>) semaphore(%arg19 : memref<!tpu.dma_semaphore, #tpu.memory_space<semaphore_mem>>)
    %dma_start3A_7 = arith.constant 0 : i32
    %dma_start3A_8 = tpu.memref_slice %arg5[%dma_start3A_7] : memref<1600xi32, #tpu.memory_space<vmem>> -> memref<128xi32, #tpu.memory_space<vmem>>
    %dma_start3A_9 = arith.constant 0 : i32
    %dma_start3A_10 = arith.constant 0 : i32
    %dma_start3A_11 = tpu.memref_slice %arg2[%dma_start3A_9, %dma_start3A_10] : memref<100000x64xf32, #tpu.memory_space<hbm>> -> memref<100000x64xf32, #tpu.memory_space<hbm>>
    tpu.enqueue_indirect_dma source(%dma_start3A_11 : memref<100000x64xf32, #tpu.memory_space<hbm>>) target(%arg7 : memref<128x64xf32, #tpu.memory_space<vmem>>) offsets(%dma_start3A_8 : memref<128xi32, #tpu.memory_space<vmem>>) semaphore(%arg13 : memref<!tpu.dma_semaphore, #tpu.memory_space<semaphore_mem>>)
    %dma_start3A_12 = arith.constant 128 : i32
    %dma_start3A_13 = tpu.memref_slice %arg5[%dma_start3A_12] : memref<1600xi32, #tpu.memory_space<vmem>> -> memref<128xi32, #tpu.memory_space<vmem>>
    %dma_start3A_14 = arith.constant 0 : i32
    %dma_start3A_15 = arith.constant 0 : i32
    %dma_start3A_16 = tpu.memref_slice %arg2[%dma_start3A_14, %dma_start3A_15] : memref<100000x64xf32, #tpu.memory_space<hbm>> -> memref<100000x64xf32, #tpu.memory_space<hbm>>
    tpu.enqueue_indirect_dma source(%dma_start3A_16 : memref<100000x64xf32, #tpu.memory_space<hbm>>) target(%arg8 : memref<128x64xf32, #tpu.memory_space<vmem>>) offsets(%dma_start3A_13 : memref<128xi32, #tpu.memory_space<vmem>>) semaphore(%arg14 : memref<!tpu.dma_semaphore, #tpu.memory_space<semaphore_mem>>)
    %dma_start3A_17 = arith.constant 256 : i32
    %dma_start3A_18 = tpu.memref_slice %arg5[%dma_start3A_17] : memref<1600xi32, #tpu.memory_space<vmem>> -> memref<128xi32, #tpu.memory_space<vmem>>
    %dma_start3A_19 = arith.constant 0 : i32
    %dma_start3A_20 = arith.constant 0 : i32
    %dma_start3A_21 = tpu.memref_slice %arg2[%dma_start3A_19, %dma_start3A_20] : memref<100000x64xf32, #tpu.memory_space<hbm>> -> memref<100000x64xf32, #tpu.memory_space<hbm>>
    tpu.enqueue_indirect_dma source(%dma_start3A_21 : memref<100000x64xf32, #tpu.memory_space<hbm>>) target(%arg9 : memref<128x64xf32, #tpu.memory_space<vmem>>) offsets(%dma_start3A_18 : memref<128xi32, #tpu.memory_space<vmem>>) semaphore(%arg15 : memref<!tpu.dma_semaphore, #tpu.memory_space<semaphore_mem>>)
    %dma_start3A_22 = arith.constant 384 : i32
    %dma_start3A_23 = tpu.memref_slice %arg5[%dma_start3A_22] : memref<1600xi32, #tpu.memory_space<vmem>> -> memref<128xi32, #tpu.memory_space<vmem>>
    %dma_start3A_24 = arith.constant 0 : i32
    %dma_start3A_25 = arith.constant 0 : i32
    %dma_start3A_26 = tpu.memref_slice %arg2[%dma_start3A_24, %dma_start3A_25] : memref<100000x64xf32, #tpu.memory_space<hbm>> -> memref<100000x64xf32, #tpu.memory_space<hbm>>
    tpu.enqueue_indirect_dma source(%dma_start3A_26 : memref<100000x64xf32, #tpu.memory_space<hbm>>) target(%arg10 : memref<128x64xf32, #tpu.memory_space<vmem>>) offsets(%dma_start3A_23 : memref<128xi32, #tpu.memory_space<vmem>>) semaphore(%arg16 : memref<!tpu.dma_semaphore, #tpu.memory_space<semaphore_mem>>)
    %dma_start3A_27 = arith.constant 512 : i32
    %dma_start3A_28 = tpu.memref_slice %arg5[%dma_start3A_27] : memref<1600xi32, #tpu.memory_space<vmem>> -> memref<128xi32, #tpu.memory_space<vmem>>
    %dma_start3A_29 = arith.constant 0 : i32
    %dma_start3A_30 = arith.constant 0 : i32
    %dma_start3A_31 = tpu.memref_slice %arg2[%dma_start3A_29, %dma_start3A_30] : memref<100000x64xf32, #tpu.memory_space<hbm>> -> memref<100000x64xf32, #tpu.memory_space<hbm>>
    tpu.enqueue_indirect_dma source(%dma_start3A_31 : memref<100000x64xf32, #tpu.memory_space<hbm>>) target(%arg11 : memref<128x64xf32, #tpu.memory_space<vmem>>) offsets(%dma_start3A_28 : memref<128xi32, #tpu.memory_space<vmem>>) semaphore(%arg17 : memref<!tpu.dma_semaphore, #tpu.memory_space<semaphore_mem>>)
    %dma_start3A_32 = arith.constant 640 : i32
    %dma_start3A_33 = tpu.memref_slice %arg5[%dma_start3A_32] : memref<1600xi32, #tpu.memory_space<vmem>> -> memref<128xi32, #tpu.memory_space<vmem>>
    %dma_start3A_34 = arith.constant 0 : i32
    %dma_start3A_35 = arith.constant 0 : i32
    %dma_start3A_36 = tpu.memref_slice %arg2[%dma_start3A_34, %dma_start3A_35] : memref<100000x64xf32, #tpu.memory_space<hbm>> -> memref<100000x64xf32, #tpu.memory_space<hbm>>
    tpu.enqueue_indirect_dma source(%dma_start3A_36 : memref<100000x64xf32, #tpu.memory_space<hbm>>) target(%arg12 : memref<128x64xf32, #tpu.memory_space<vmem>>) offsets(%dma_start3A_33 : memref<128xi32, #tpu.memory_space<vmem>>) semaphore(%arg18 : memref<!tpu.dma_semaphore, #tpu.memory_space<semaphore_mem>>)
    %dma_wait3A = arith.constant 0 : i32
    %dma_wait3A_37 = tpu.memref_slice %arg5[%dma_wait3A] : memref<1600xi32, #tpu.memory_space<vmem>> -> memref<128xi32, #tpu.memory_space<vmem>>
    %dma_wait3A_38 = arith.constant 0 : i32
    %dma_wait3A_39 = arith.constant 0 : i32
    %dma_wait3A_40 = tpu.memref_slice %arg2[%dma_wait3A_38, %dma_wait3A_39] : memref<100000x64xf32, #tpu.memory_space<hbm>> -> memref<100000x64xf32, #tpu.memory_space<hbm>>
    tpu.wait_indirect_dma semaphore(%arg13 : memref<!tpu.dma_semaphore, #tpu.memory_space<semaphore_mem>>) src(%dma_wait3A_40 : memref<100000x64xf32, #tpu.memory_space<hbm>>) dst(%arg7 : memref<128x64xf32, #tpu.memory_space<vmem>>)
    %add3A_41 = arith.constant 0 : i32
    %add3A_42 = arith.addi %mul3A_2, %add3A_41 : i32
    "tpu.region"() ({
      %run_scoped3A = tpu.sem_alloc : memref<!tpu.dma_semaphore, #tpu.memory_space<semaphore_mem>>
      %dma_start3A_157 = arith.constant 0 : i32
      %dma_start3A_158 = tpu.memref_slice %arg4[%add3A_42, %dma_start3A_157] : memref<51200x64xf32, #tpu.memory_space<hbm>> -> memref<128x64xf32, #tpu.memory_space<hbm>>
      %dma_start3A_159 = arith.constant 0 : i32
      %dma_start3A_160 = tpu.memref_slice %arg4[%add3A_42, %dma_start3A_159] : memref<51200x64xf32, #tpu.memory_space<hbm>> -> memref<128x64xf32, #tpu.memory_space<hbm>>
      tpu.enqueue_dma source(%arg7 : memref<128x64xf32, #tpu.memory_space<vmem>>) target(%dma_start3A_160 : memref<128x64xf32, #tpu.memory_space<hbm>>) target_semaphore(%run_scoped3A : memref<!tpu.dma_semaphore, #tpu.memory_space<semaphore_mem>>)
      %dma_wait3A_161 = arith.constant 0 : i32
      %dma_wait3A_162 = tpu.memref_slice %arg4[%add3A_42, %dma_wait3A_161] : memref<51200x64xf32, #tpu.memory_space<hbm>> -> memref<128x64xf32, #tpu.memory_space<hbm>>
      %dma_wait3A_163 = arith.constant 0 : i32
      %dma_wait3A_164 = tpu.memref_slice %arg4[%add3A_42, %dma_wait3A_163] : memref<51200x64xf32, #tpu.memory_space<hbm>> -> memref<128x64xf32, #tpu.memory_space<hbm>>
      tpu.wait_dma2 semaphore(%run_scoped3A : memref<!tpu.dma_semaphore, #tpu.memory_space<semaphore_mem>>) src(%arg7 : memref<128x64xf32, #tpu.memory_space<vmem>>) dst(%dma_wait3A_164 : memref<128x64xf32, #tpu.memory_space<hbm>>)
      tpu.yield
    }) : () -> ()
    %dma_start3A_43 = arith.constant 768 : i32
    %dma_start3A_44 = tpu.memref_slice %arg5[%dma_start3A_43] : memref<1600xi32, #tpu.memory_space<vmem>> -> memref<128xi32, #tpu.memory_space<vmem>>
    %dma_start3A_45 = arith.constant 0 : i32
    %dma_start3A_46 = arith.constant 0 : i32
    %dma_start3A_47 = tpu.memref_slice %arg2[%dma_start3A_45, %dma_start3A_46] : memref<100000x64xf32, #tpu.memory_space<hbm>> -> memref<100000x64xf32, #tpu.memory_space<hbm>>
    tpu.enqueue_indirect_dma source(%dma_start3A_47 : memref<100000x64xf32, #tpu.memory_space<hbm>>) target(%arg7 : memref<128x64xf32, #tpu.memory_space<vmem>>) offsets(%dma_start3A_44 : memref<128xi32, #tpu.memory_space<vmem>>) semaphore(%arg13 : memref<!tpu.dma_semaphore, #tpu.memory_space<semaphore_mem>>)
    %dma_wait3A_48 = arith.constant 128 : i32
    %dma_wait3A_49 = tpu.memref_slice %arg5[%dma_wait3A_48] : memref<1600xi32, #tpu.memory_space<vmem>> -> memref<128xi32, #tpu.memory_space<vmem>>
    %dma_wait3A_50 = arith.constant 0 : i32
    %dma_wait3A_51 = arith.constant 0 : i32
    %dma_wait3A_52 = tpu.memref_slice %arg2[%dma_wait3A_50, %dma_wait3A_51] : memref<100000x64xf32, #tpu.memory_space<hbm>> -> memref<100000x64xf32, #tpu.memory_space<hbm>>
    tpu.wait_indirect_dma semaphore(%arg14 : memref<!tpu.dma_semaphore, #tpu.memory_space<semaphore_mem>>) src(%dma_wait3A_52 : memref<100000x64xf32, #tpu.memory_space<hbm>>) dst(%arg8 : memref<128x64xf32, #tpu.memory_space<vmem>>)
    %add3A_53 = arith.constant 128 : i32
    %add3A_54 = arith.addi %mul3A_2, %add3A_53 : i32
    "tpu.region"() ({
      %run_scoped3A = tpu.sem_alloc : memref<!tpu.dma_semaphore, #tpu.memory_space<semaphore_mem>>
      %dma_start3A_157 = arith.constant 0 : i32
      %dma_start3A_158 = tpu.memref_slice %arg4[%add3A_54, %dma_start3A_157] : memref<51200x64xf32, #tpu.memory_space<hbm>> -> memref<128x64xf32, #tpu.memory_space<hbm>>
      %dma_start3A_159 = arith.constant 0 : i32
      %dma_start3A_160 = tpu.memref_slice %arg4[%add3A_54, %dma_start3A_159] : memref<51200x64xf32, #tpu.memory_space<hbm>> -> memref<128x64xf32, #tpu.memory_space<hbm>>
      tpu.enqueue_dma source(%arg8 : memref<128x64xf32, #tpu.memory_space<vmem>>) target(%dma_start3A_160 : memref<128x64xf32, #tpu.memory_space<hbm>>) target_semaphore(%run_scoped3A : memref<!tpu.dma_semaphore, #tpu.memory_space<semaphore_mem>>)
      %dma_wait3A_161 = arith.constant 0 : i32
      %dma_wait3A_162 = tpu.memref_slice %arg4[%add3A_54, %dma_wait3A_161] : memref<51200x64xf32, #tpu.memory_space<hbm>> -> memref<128x64xf32, #tpu.memory_space<hbm>>
      %dma_wait3A_163 = arith.constant 0 : i32
      %dma_wait3A_164 = tpu.memref_slice %arg4[%add3A_54, %dma_wait3A_163] : memref<51200x64xf32, #tpu.memory_space<hbm>> -> memref<128x64xf32, #tpu.memory_space<hbm>>
      tpu.wait_dma2 semaphore(%run_scoped3A : memref<!tpu.dma_semaphore, #tpu.memory_space<semaphore_mem>>) src(%arg8 : memref<128x64xf32, #tpu.memory_space<vmem>>) dst(%dma_wait3A_164 : memref<128x64xf32, #tpu.memory_space<hbm>>)
      tpu.yield
    }) : () -> ()
    %dma_start3A_55 = arith.constant 896 : i32
    %dma_start3A_56 = tpu.memref_slice %arg5[%dma_start3A_55] : memref<1600xi32, #tpu.memory_space<vmem>> -> memref<128xi32, #tpu.memory_space<vmem>>
    %dma_start3A_57 = arith.constant 0 : i32
    %dma_start3A_58 = arith.constant 0 : i32
    %dma_start3A_59 = tpu.memref_slice %arg2[%dma_start3A_57, %dma_start3A_58] : memref<100000x64xf32, #tpu.memory_space<hbm>> -> memref<100000x64xf32, #tpu.memory_space<hbm>>
    tpu.enqueue_indirect_dma source(%dma_start3A_59 : memref<100000x64xf32, #tpu.memory_space<hbm>>) target(%arg8 : memref<128x64xf32, #tpu.memory_space<vmem>>) offsets(%dma_start3A_56 : memref<128xi32, #tpu.memory_space<vmem>>) semaphore(%arg14 : memref<!tpu.dma_semaphore, #tpu.memory_space<semaphore_mem>>)
    %dma_wait3A_60 = arith.constant 256 : i32
    %dma_wait3A_61 = tpu.memref_slice %arg5[%dma_wait3A_60] : memref<1600xi32, #tpu.memory_space<vmem>> -> memref<128xi32, #tpu.memory_space<vmem>>
    %dma_wait3A_62 = arith.constant 0 : i32
    %dma_wait3A_63 = arith.constant 0 : i32
    %dma_wait3A_64 = tpu.memref_slice %arg2[%dma_wait3A_62, %dma_wait3A_63] : memref<100000x64xf32, #tpu.memory_space<hbm>> -> memref<100000x64xf32, #tpu.memory_space<hbm>>
    tpu.wait_indirect_dma semaphore(%arg15 : memref<!tpu.dma_semaphore, #tpu.memory_space<semaphore_mem>>) src(%dma_wait3A_64 : memref<100000x64xf32, #tpu.memory_space<hbm>>) dst(%arg9 : memref<128x64xf32, #tpu.memory_space<vmem>>)
    %add3A_65 = arith.constant 256 : i32
    %add3A_66 = arith.addi %mul3A_2, %add3A_65 : i32
    "tpu.region"() ({
      %run_scoped3A = tpu.sem_alloc : memref<!tpu.dma_semaphore, #tpu.memory_space<semaphore_mem>>
      %dma_start3A_157 = arith.constant 0 : i32
      %dma_start3A_158 = tpu.memref_slice %arg4[%add3A_66, %dma_start3A_157] : memref<51200x64xf32, #tpu.memory_space<hbm>> -> memref<128x64xf32, #tpu.memory_space<hbm>>
      %dma_start3A_159 = arith.constant 0 : i32
      %dma_start3A_160 = tpu.memref_slice %arg4[%add3A_66, %dma_start3A_159] : memref<51200x64xf32, #tpu.memory_space<hbm>> -> memref<128x64xf32, #tpu.memory_space<hbm>>
      tpu.enqueue_dma source(%arg9 : memref<128x64xf32, #tpu.memory_space<vmem>>) target(%dma_start3A_160 : memref<128x64xf32, #tpu.memory_space<hbm>>) target_semaphore(%run_scoped3A : memref<!tpu.dma_semaphore, #tpu.memory_space<semaphore_mem>>)
      %dma_wait3A_161 = arith.constant 0 : i32
      %dma_wait3A_162 = tpu.memref_slice %arg4[%add3A_66, %dma_wait3A_161] : memref<51200x64xf32, #tpu.memory_space<hbm>> -> memref<128x64xf32, #tpu.memory_space<hbm>>
      %dma_wait3A_163 = arith.constant 0 : i32
      %dma_wait3A_164 = tpu.memref_slice %arg4[%add3A_66, %dma_wait3A_163] : memref<51200x64xf32, #tpu.memory_space<hbm>> -> memref<128x64xf32, #tpu.memory_space<hbm>>
      tpu.wait_dma2 semaphore(%run_scoped3A : memref<!tpu.dma_semaphore, #tpu.memory_space<semaphore_mem>>) src(%arg9 : memref<128x64xf32, #tpu.memory_space<vmem>>) dst(%dma_wait3A_164 : memref<128x64xf32, #tpu.memory_space<hbm>>)
      tpu.yield
    }) : () -> ()
    %dma_start3A_67 = arith.constant 1024 : i32
    %dma_start3A_68 = tpu.memref_slice %arg5[%dma_start3A_67] : memref<1600xi32, #tpu.memory_space<vmem>> -> memref<128xi32, #tpu.memory_space<vmem>>
    %dma_start3A_69 = arith.constant 0 : i32
    %dma_start3A_70 = arith.constant 0 : i32
    %dma_start3A_71 = tpu.memref_slice %arg2[%dma_start3A_69, %dma_start3A_70] : memref<100000x64xf32, #tpu.memory_space<hbm>> -> memref<100000x64xf32, #tpu.memory_space<hbm>>
    tpu.enqueue_indirect_dma source(%dma_start3A_71 : memref<100000x64xf32, #tpu.memory_space<hbm>>) target(%arg9 : memref<128x64xf32, #tpu.memory_space<vmem>>) offsets(%dma_start3A_68 : memref<128xi32, #tpu.memory_space<vmem>>) semaphore(%arg15 : memref<!tpu.dma_semaphore, #tpu.memory_space<semaphore_mem>>)
    %dma_wait3A_72 = arith.constant 384 : i32
    %dma_wait3A_73 = tpu.memref_slice %arg5[%dma_wait3A_72] : memref<1600xi32, #tpu.memory_space<vmem>> -> memref<128xi32, #tpu.memory_space<vmem>>
    %dma_wait3A_74 = arith.constant 0 : i32
    %dma_wait3A_75 = arith.constant 0 : i32
    %dma_wait3A_76 = tpu.memref_slice %arg2[%dma_wait3A_74, %dma_wait3A_75] : memref<100000x64xf32, #tpu.memory_space<hbm>> -> memref<100000x64xf32, #tpu.memory_space<hbm>>
    tpu.wait_indirect_dma semaphore(%arg16 : memref<!tpu.dma_semaphore, #tpu.memory_space<semaphore_mem>>) src(%dma_wait3A_76 : memref<100000x64xf32, #tpu.memory_space<hbm>>) dst(%arg10 : memref<128x64xf32, #tpu.memory_space<vmem>>)
    %add3A_77 = arith.constant 384 : i32
    %add3A_78 = arith.addi %mul3A_2, %add3A_77 : i32
    "tpu.region"() ({
      %run_scoped3A = tpu.sem_alloc : memref<!tpu.dma_semaphore, #tpu.memory_space<semaphore_mem>>
      %dma_start3A_157 = arith.constant 0 : i32
      %dma_start3A_158 = tpu.memref_slice %arg4[%add3A_78, %dma_start3A_157] : memref<51200x64xf32, #tpu.memory_space<hbm>> -> memref<128x64xf32, #tpu.memory_space<hbm>>
      %dma_start3A_159 = arith.constant 0 : i32
      %dma_start3A_160 = tpu.memref_slice %arg4[%add3A_78, %dma_start3A_159] : memref<51200x64xf32, #tpu.memory_space<hbm>> -> memref<128x64xf32, #tpu.memory_space<hbm>>
      tpu.enqueue_dma source(%arg10 : memref<128x64xf32, #tpu.memory_space<vmem>>) target(%dma_start3A_160 : memref<128x64xf32, #tpu.memory_space<hbm>>) target_semaphore(%run_scoped3A : memref<!tpu.dma_semaphore, #tpu.memory_space<semaphore_mem>>)
      %dma_wait3A_161 = arith.constant 0 : i32
      %dma_wait3A_162 = tpu.memref_slice %arg4[%add3A_78, %dma_wait3A_161] : memref<51200x64xf32, #tpu.memory_space<hbm>> -> memref<128x64xf32, #tpu.memory_space<hbm>>
      %dma_wait3A_163 = arith.constant 0 : i32
      %dma_wait3A_164 = tpu.memref_slice %arg4[%add3A_78, %dma_wait3A_163] : memref<51200x64xf32, #tpu.memory_space<hbm>> -> memref<128x64xf32, #tpu.memory_space<hbm>>
      tpu.wait_dma2 semaphore(%run_scoped3A : memref<!tpu.dma_semaphore, #tpu.memory_space<semaphore_mem>>) src(%arg10 : memref<128x64xf32, #tpu.memory_space<vmem>>) dst(%dma_wait3A_164 : memref<128x64xf32, #tpu.memory_space<hbm>>)
      tpu.yield
    }) : () -> ()
    %dma_start3A_79 = arith.constant 1152 : i32
    %dma_start3A_80 = tpu.memref_slice %arg5[%dma_start3A_79] : memref<1600xi32, #tpu.memory_space<vmem>> -> memref<128xi32, #tpu.memory_space<vmem>>
    %dma_start3A_81 = arith.constant 0 : i32
    %dma_start3A_82 = arith.constant 0 : i32
    %dma_start3A_83 = tpu.memref_slice %arg2[%dma_start3A_81, %dma_start3A_82] : memref<100000x64xf32, #tpu.memory_space<hbm>> -> memref<100000x64xf32, #tpu.memory_space<hbm>>
    tpu.enqueue_indirect_dma source(%dma_start3A_83 : memref<100000x64xf32, #tpu.memory_space<hbm>>) target(%arg10 : memref<128x64xf32, #tpu.memory_space<vmem>>) offsets(%dma_start3A_80 : memref<128xi32, #tpu.memory_space<vmem>>) semaphore(%arg16 : memref<!tpu.dma_semaphore, #tpu.memory_space<semaphore_mem>>)
    %dma_wait3A_84 = arith.constant 512 : i32
    %dma_wait3A_85 = tpu.memref_slice %arg5[%dma_wait3A_84] : memref<1600xi32, #tpu.memory_space<vmem>> -> memref<128xi32, #tpu.memory_space<vmem>>
    %dma_wait3A_86 = arith.constant 0 : i32
    %dma_wait3A_87 = arith.constant 0 : i32
    %dma_wait3A_88 = tpu.memref_slice %arg2[%dma_wait3A_86, %dma_wait3A_87] : memref<100000x64xf32, #tpu.memory_space<hbm>> -> memref<100000x64xf32, #tpu.memory_space<hbm>>
    tpu.wait_indirect_dma semaphore(%arg17 : memref<!tpu.dma_semaphore, #tpu.memory_space<semaphore_mem>>) src(%dma_wait3A_88 : memref<100000x64xf32, #tpu.memory_space<hbm>>) dst(%arg11 : memref<128x64xf32, #tpu.memory_space<vmem>>)
    %add3A_89 = arith.constant 512 : i32
    %add3A_90 = arith.addi %mul3A_2, %add3A_89 : i32
    "tpu.region"() ({
      %run_scoped3A = tpu.sem_alloc : memref<!tpu.dma_semaphore, #tpu.memory_space<semaphore_mem>>
      %dma_start3A_157 = arith.constant 0 : i32
      %dma_start3A_158 = tpu.memref_slice %arg4[%add3A_90, %dma_start3A_157] : memref<51200x64xf32, #tpu.memory_space<hbm>> -> memref<128x64xf32, #tpu.memory_space<hbm>>
      %dma_start3A_159 = arith.constant 0 : i32
      %dma_start3A_160 = tpu.memref_slice %arg4[%add3A_90, %dma_start3A_159] : memref<51200x64xf32, #tpu.memory_space<hbm>> -> memref<128x64xf32, #tpu.memory_space<hbm>>
      tpu.enqueue_dma source(%arg11 : memref<128x64xf32, #tpu.memory_space<vmem>>) target(%dma_start3A_160 : memref<128x64xf32, #tpu.memory_space<hbm>>) target_semaphore(%run_scoped3A : memref<!tpu.dma_semaphore, #tpu.memory_space<semaphore_mem>>)
      %dma_wait3A_161 = arith.constant 0 : i32
      %dma_wait3A_162 = tpu.memref_slice %arg4[%add3A_90, %dma_wait3A_161] : memref<51200x64xf32, #tpu.memory_space<hbm>> -> memref<128x64xf32, #tpu.memory_space<hbm>>
      %dma_wait3A_163 = arith.constant 0 : i32
      %dma_wait3A_164 = tpu.memref_slice %arg4[%add3A_90, %dma_wait3A_163] : memref<51200x64xf32, #tpu.memory_space<hbm>> -> memref<128x64xf32, #tpu.memory_space<hbm>>
      tpu.wait_dma2 semaphore(%run_scoped3A : memref<!tpu.dma_semaphore, #tpu.memory_space<semaphore_mem>>) src(%arg11 : memref<128x64xf32, #tpu.memory_space<vmem>>) dst(%dma_wait3A_164 : memref<128x64xf32, #tpu.memory_space<hbm>>)
      tpu.yield
    }) : () -> ()
    %dma_start3A_91 = arith.constant 1280 : i32
    %dma_start3A_92 = tpu.memref_slice %arg5[%dma_start3A_91] : memref<1600xi32, #tpu.memory_space<vmem>> -> memref<128xi32, #tpu.memory_space<vmem>>
    %dma_start3A_93 = arith.constant 0 : i32
    %dma_start3A_94 = arith.constant 0 : i32
    %dma_start3A_95 = tpu.memref_slice %arg2[%dma_start3A_93, %dma_start3A_94] : memref<100000x64xf32, #tpu.memory_space<hbm>> -> memref<100000x64xf32, #tpu.memory_space<hbm>>
    tpu.enqueue_indirect_dma source(%dma_start3A_95 : memref<100000x64xf32, #tpu.memory_space<hbm>>) target(%arg11 : memref<128x64xf32, #tpu.memory_space<vmem>>) offsets(%dma_start3A_92 : memref<128xi32, #tpu.memory_space<vmem>>) semaphore(%arg17 : memref<!tpu.dma_semaphore, #tpu.memory_space<semaphore_mem>>)
    %dma_wait3A_96 = arith.constant 640 : i32
    %dma_wait3A_97 = tpu.memref_slice %arg5[%dma_wait3A_96] : memref<1600xi32, #tpu.memory_space<vmem>> -> memref<128xi32, #tpu.memory_space<vmem>>
    %dma_wait3A_98 = arith.constant 0 : i32
    %dma_wait3A_99 = arith.constant 0 : i32
    %dma_wait3A_100 = tpu.memref_slice %arg2[%dma_wait3A_98, %dma_wait3A_99] : memref<100000x64xf32, #tpu.memory_space<hbm>> -> memref<100000x64xf32, #tpu.memory_space<hbm>>
    tpu.wait_indirect_dma semaphore(%arg18 : memref<!tpu.dma_semaphore, #tpu.memory_space<semaphore_mem>>) src(%dma_wait3A_100 : memref<100000x64xf32, #tpu.memory_space<hbm>>) dst(%arg12 : memref<128x64xf32, #tpu.memory_space<vmem>>)
    %add3A_101 = arith.constant 640 : i32
    %add3A_102 = arith.addi %mul3A_2, %add3A_101 : i32
    "tpu.region"() ({
      %run_scoped3A = tpu.sem_alloc : memref<!tpu.dma_semaphore, #tpu.memory_space<semaphore_mem>>
      %dma_start3A_157 = arith.constant 0 : i32
      %dma_start3A_158 = tpu.memref_slice %arg4[%add3A_102, %dma_start3A_157] : memref<51200x64xf32, #tpu.memory_space<hbm>> -> memref<128x64xf32, #tpu.memory_space<hbm>>
      %dma_start3A_159 = arith.constant 0 : i32
      %dma_start3A_160 = tpu.memref_slice %arg4[%add3A_102, %dma_start3A_159] : memref<51200x64xf32, #tpu.memory_space<hbm>> -> memref<128x64xf32, #tpu.memory_space<hbm>>
      tpu.enqueue_dma source(%arg12 : memref<128x64xf32, #tpu.memory_space<vmem>>) target(%dma_start3A_160 : memref<128x64xf32, #tpu.memory_space<hbm>>) target_semaphore(%run_scoped3A : memref<!tpu.dma_semaphore, #tpu.memory_space<semaphore_mem>>)
      %dma_wait3A_161 = arith.constant 0 : i32
      %dma_wait3A_162 = tpu.memref_slice %arg4[%add3A_102, %dma_wait3A_161] : memref<51200x64xf32, #tpu.memory_space<hbm>> -> memref<128x64xf32, #tpu.memory_space<hbm>>
      %dma_wait3A_163 = arith.constant 0 : i32
      %dma_wait3A_164 = tpu.memref_slice %arg4[%add3A_102, %dma_wait3A_163] : memref<51200x64xf32, #tpu.memory_space<hbm>> -> memref<128x64xf32, #tpu.memory_space<hbm>>
      tpu.wait_dma2 semaphore(%run_scoped3A : memref<!tpu.dma_semaphore, #tpu.memory_space<semaphore_mem>>) src(%arg12 : memref<128x64xf32, #tpu.memory_space<vmem>>) dst(%dma_wait3A_164 : memref<128x64xf32, #tpu.memory_space<hbm>>)
      tpu.yield
    }) : () -> ()
    %dma_start3A_103 = arith.constant 1408 : i32
    %dma_start3A_104 = tpu.memref_slice %arg5[%dma_start3A_103] : memref<1600xi32, #tpu.memory_space<vmem>> -> memref<128xi32, #tpu.memory_space<vmem>>
    %dma_start3A_105 = arith.constant 0 : i32
    %dma_start3A_106 = arith.constant 0 : i32
    %dma_start3A_107 = tpu.memref_slice %arg2[%dma_start3A_105, %dma_start3A_106] : memref<100000x64xf32, #tpu.memory_space<hbm>> -> memref<100000x64xf32, #tpu.memory_space<hbm>>
    tpu.enqueue_indirect_dma source(%dma_start3A_107 : memref<100000x64xf32, #tpu.memory_space<hbm>>) target(%arg12 : memref<128x64xf32, #tpu.memory_space<vmem>>) offsets(%dma_start3A_104 : memref<128xi32, #tpu.memory_space<vmem>>) semaphore(%arg18 : memref<!tpu.dma_semaphore, #tpu.memory_space<semaphore_mem>>)
    %dma_wait3A_108 = arith.constant 768 : i32
    %dma_wait3A_109 = tpu.memref_slice %arg5[%dma_wait3A_108] : memref<1600xi32, #tpu.memory_space<vmem>> -> memref<128xi32, #tpu.memory_space<vmem>>
    %dma_wait3A_110 = arith.constant 0 : i32
    %dma_wait3A_111 = arith.constant 0 : i32
    %dma_wait3A_112 = tpu.memref_slice %arg2[%dma_wait3A_110, %dma_wait3A_111] : memref<100000x64xf32, #tpu.memory_space<hbm>> -> memref<100000x64xf32, #tpu.memory_space<hbm>>
    tpu.wait_indirect_dma semaphore(%arg13 : memref<!tpu.dma_semaphore, #tpu.memory_space<semaphore_mem>>) src(%dma_wait3A_112 : memref<100000x64xf32, #tpu.memory_space<hbm>>) dst(%arg7 : memref<128x64xf32, #tpu.memory_space<vmem>>)
    %add3A_113 = arith.constant 768 : i32
    %add3A_114 = arith.addi %mul3A_2, %add3A_113 : i32
    "tpu.region"() ({
      %run_scoped3A = tpu.sem_alloc : memref<!tpu.dma_semaphore, #tpu.memory_space<semaphore_mem>>
      %dma_start3A_157 = arith.constant 0 : i32
      %dma_start3A_158 = tpu.memref_slice %arg4[%add3A_114, %dma_start3A_157] : memref<51200x64xf32, #tpu.memory_space<hbm>> -> memref<128x64xf32, #tpu.memory_space<hbm>>
      %dma_start3A_159 = arith.constant 0 : i32
      %dma_start3A_160 = tpu.memref_slice %arg4[%add3A_114, %dma_start3A_159] : memref<51200x64xf32, #tpu.memory_space<hbm>> -> memref<128x64xf32, #tpu.memory_space<hbm>>
      tpu.enqueue_dma source(%arg7 : memref<128x64xf32, #tpu.memory_space<vmem>>) target(%dma_start3A_160 : memref<128x64xf32, #tpu.memory_space<hbm>>) target_semaphore(%run_scoped3A : memref<!tpu.dma_semaphore, #tpu.memory_space<semaphore_mem>>)
      %dma_wait3A_161 = arith.constant 0 : i32
      %dma_wait3A_162 = tpu.memref_slice %arg4[%add3A_114, %dma_wait3A_161] : memref<51200x64xf32, #tpu.memory_space<hbm>> -> memref<128x64xf32, #tpu.memory_space<hbm>>
      %dma_wait3A_163 = arith.constant 0 : i32
      %dma_wait3A_164 = tpu.memref_slice %arg4[%add3A_114, %dma_wait3A_163] : memref<51200x64xf32, #tpu.memory_space<hbm>> -> memref<128x64xf32, #tpu.memory_space<hbm>>
      tpu.wait_dma2 semaphore(%run_scoped3A : memref<!tpu.dma_semaphore, #tpu.memory_space<semaphore_mem>>) src(%arg7 : memref<128x64xf32, #tpu.memory_space<vmem>>) dst(%dma_wait3A_164 : memref<128x64xf32, #tpu.memory_space<hbm>>)
      tpu.yield
    }) : () -> ()
    %dma_wait3A_115 = arith.constant 896 : i32
    %dma_wait3A_116 = tpu.memref_slice %arg5[%dma_wait3A_115] : memref<1600xi32, #tpu.memory_space<vmem>> -> memref<128xi32, #tpu.memory_space<vmem>>
    %dma_wait3A_117 = arith.constant 0 : i32
    %dma_wait3A_118 = arith.constant 0 : i32
    %dma_wait3A_119 = tpu.memref_slice %arg2[%dma_wait3A_117, %dma_wait3A_118] : memref<100000x64xf32, #tpu.memory_space<hbm>> -> memref<100000x64xf32, #tpu.memory_space<hbm>>
    tpu.wait_indirect_dma semaphore(%arg14 : memref<!tpu.dma_semaphore, #tpu.memory_space<semaphore_mem>>) src(%dma_wait3A_119 : memref<100000x64xf32, #tpu.memory_space<hbm>>) dst(%arg8 : memref<128x64xf32, #tpu.memory_space<vmem>>)
    %add3A_120 = arith.constant 896 : i32
    %add3A_121 = arith.addi %mul3A_2, %add3A_120 : i32
    "tpu.region"() ({
      %run_scoped3A = tpu.sem_alloc : memref<!tpu.dma_semaphore, #tpu.memory_space<semaphore_mem>>
      %dma_start3A_157 = arith.constant 0 : i32
      %dma_start3A_158 = tpu.memref_slice %arg4[%add3A_121, %dma_start3A_157] : memref<51200x64xf32, #tpu.memory_space<hbm>> -> memref<128x64xf32, #tpu.memory_space<hbm>>
      %dma_start3A_159 = arith.constant 0 : i32
      %dma_start3A_160 = tpu.memref_slice %arg4[%add3A_121, %dma_start3A_159] : memref<51200x64xf32, #tpu.memory_space<hbm>> -> memref<128x64xf32, #tpu.memory_space<hbm>>
      tpu.enqueue_dma source(%arg8 : memref<128x64xf32, #tpu.memory_space<vmem>>) target(%dma_start3A_160 : memref<128x64xf32, #tpu.memory_space<hbm>>) target_semaphore(%run_scoped3A : memref<!tpu.dma_semaphore, #tpu.memory_space<semaphore_mem>>)
      %dma_wait3A_161 = arith.constant 0 : i32
      %dma_wait3A_162 = tpu.memref_slice %arg4[%add3A_121, %dma_wait3A_161] : memref<51200x64xf32, #tpu.memory_space<hbm>> -> memref<128x64xf32, #tpu.memory_space<hbm>>
      %dma_wait3A_163 = arith.constant 0 : i32
      %dma_wait3A_164 = tpu.memref_slice %arg4[%add3A_121, %dma_wait3A_163] : memref<51200x64xf32, #tpu.memory_space<hbm>> -> memref<128x64xf32, #tpu.memory_space<hbm>>
      tpu.wait_dma2 semaphore(%run_scoped3A : memref<!tpu.dma_semaphore, #tpu.memory_space<semaphore_mem>>) src(%arg8 : memref<128x64xf32, #tpu.memory_space<vmem>>) dst(%dma_wait3A_164 : memref<128x64xf32, #tpu.memory_space<hbm>>)
      tpu.yield
    }) : () -> ()
    %dma_wait3A_122 = arith.constant 1024 : i32
    %dma_wait3A_123 = tpu.memref_slice %arg5[%dma_wait3A_122] : memref<1600xi32, #tpu.memory_space<vmem>> -> memref<128xi32, #tpu.memory_space<vmem>>
    %dma_wait3A_124 = arith.constant 0 : i32
    %dma_wait3A_125 = arith.constant 0 : i32
    %dma_wait3A_126 = tpu.memref_slice %arg2[%dma_wait3A_124, %dma_wait3A_125] : memref<100000x64xf32, #tpu.memory_space<hbm>> -> memref<100000x64xf32, #tpu.memory_space<hbm>>
    tpu.wait_indirect_dma semaphore(%arg15 : memref<!tpu.dma_semaphore, #tpu.memory_space<semaphore_mem>>) src(%dma_wait3A_126 : memref<100000x64xf32, #tpu.memory_space<hbm>>) dst(%arg9 : memref<128x64xf32, #tpu.memory_space<vmem>>)
    %add3A_127 = arith.constant 1024 : i32
    %add3A_128 = arith.addi %mul3A_2, %add3A_127 : i32
    "tpu.region"() ({
      %run_scoped3A = tpu.sem_alloc : memref<!tpu.dma_semaphore, #tpu.memory_space<semaphore_mem>>
      %dma_start3A_157 = arith.constant 0 : i32
      %dma_start3A_158 = tpu.memref_slice %arg4[%add3A_128, %dma_start3A_157] : memref<51200x64xf32, #tpu.memory_space<hbm>> -> memref<128x64xf32, #tpu.memory_space<hbm>>
      %dma_start3A_159 = arith.constant 0 : i32
      %dma_start3A_160 = tpu.memref_slice %arg4[%add3A_128, %dma_start3A_159] : memref<51200x64xf32, #tpu.memory_space<hbm>> -> memref<128x64xf32, #tpu.memory_space<hbm>>
      tpu.enqueue_dma source(%arg9 : memref<128x64xf32, #tpu.memory_space<vmem>>) target(%dma_start3A_160 : memref<128x64xf32, #tpu.memory_space<hbm>>) target_semaphore(%run_scoped3A : memref<!tpu.dma_semaphore, #tpu.memory_space<semaphore_mem>>)
      %dma_wait3A_161 = arith.constant 0 : i32
      %dma_wait3A_162 = tpu.memref_slice %arg4[%add3A_128, %dma_wait3A_161] : memref<51200x64xf32, #tpu.memory_space<hbm>> -> memref<128x64xf32, #tpu.memory_space<hbm>>
      %dma_wait3A_163 = arith.constant 0 : i32
      %dma_wait3A_164 = tpu.memref_slice %arg4[%add3A_128, %dma_wait3A_163] : memref<51200x64xf32, #tpu.memory_space<hbm>> -> memref<128x64xf32, #tpu.memory_space<hbm>>
      tpu.wait_dma2 semaphore(%run_scoped3A : memref<!tpu.dma_semaphore, #tpu.memory_space<semaphore_mem>>) src(%arg9 : memref<128x64xf32, #tpu.memory_space<vmem>>) dst(%dma_wait3A_164 : memref<128x64xf32, #tpu.memory_space<hbm>>)
      tpu.yield
    }) : () -> ()
    %dma_wait3A_129 = arith.constant 1152 : i32
    %dma_wait3A_130 = tpu.memref_slice %arg5[%dma_wait3A_129] : memref<1600xi32, #tpu.memory_space<vmem>> -> memref<128xi32, #tpu.memory_space<vmem>>
    %dma_wait3A_131 = arith.constant 0 : i32
    %dma_wait3A_132 = arith.constant 0 : i32
    %dma_wait3A_133 = tpu.memref_slice %arg2[%dma_wait3A_131, %dma_wait3A_132] : memref<100000x64xf32, #tpu.memory_space<hbm>> -> memref<100000x64xf32, #tpu.memory_space<hbm>>
    tpu.wait_indirect_dma semaphore(%arg16 : memref<!tpu.dma_semaphore, #tpu.memory_space<semaphore_mem>>) src(%dma_wait3A_133 : memref<100000x64xf32, #tpu.memory_space<hbm>>) dst(%arg10 : memref<128x64xf32, #tpu.memory_space<vmem>>)
    %add3A_134 = arith.constant 1152 : i32
    %add3A_135 = arith.addi %mul3A_2, %add3A_134 : i32
    "tpu.region"() ({
      %run_scoped3A = tpu.sem_alloc : memref<!tpu.dma_semaphore, #tpu.memory_space<semaphore_mem>>
      %dma_start3A_157 = arith.constant 0 : i32
      %dma_start3A_158 = tpu.memref_slice %arg4[%add3A_135, %dma_start3A_157] : memref<51200x64xf32, #tpu.memory_space<hbm>> -> memref<128x64xf32, #tpu.memory_space<hbm>>
      %dma_start3A_159 = arith.constant 0 : i32
      %dma_start3A_160 = tpu.memref_slice %arg4[%add3A_135, %dma_start3A_159] : memref<51200x64xf32, #tpu.memory_space<hbm>> -> memref<128x64xf32, #tpu.memory_space<hbm>>
      tpu.enqueue_dma source(%arg10 : memref<128x64xf32, #tpu.memory_space<vmem>>) target(%dma_start3A_160 : memref<128x64xf32, #tpu.memory_space<hbm>>) target_semaphore(%run_scoped3A : memref<!tpu.dma_semaphore, #tpu.memory_space<semaphore_mem>>)
      %dma_wait3A_161 = arith.constant 0 : i32
      %dma_wait3A_162 = tpu.memref_slice %arg4[%add3A_135, %dma_wait3A_161] : memref<51200x64xf32, #tpu.memory_space<hbm>> -> memref<128x64xf32, #tpu.memory_space<hbm>>
      %dma_wait3A_163 = arith.constant 0 : i32
      %dma_wait3A_164 = tpu.memref_slice %arg4[%add3A_135, %dma_wait3A_163] : memref<51200x64xf32, #tpu.memory_space<hbm>> -> memref<128x64xf32, #tpu.memory_space<hbm>>
      tpu.wait_dma2 semaphore(%run_scoped3A : memref<!tpu.dma_semaphore, #tpu.memory_space<semaphore_mem>>) src(%arg10 : memref<128x64xf32, #tpu.memory_space<vmem>>) dst(%dma_wait3A_164 : memref<128x64xf32, #tpu.memory_space<hbm>>)
      tpu.yield
    }) : () -> ()
    %dma_wait3A_136 = arith.constant 1280 : i32
    %dma_wait3A_137 = tpu.memref_slice %arg5[%dma_wait3A_136] : memref<1600xi32, #tpu.memory_space<vmem>> -> memref<128xi32, #tpu.memory_space<vmem>>
    %dma_wait3A_138 = arith.constant 0 : i32
    %dma_wait3A_139 = arith.constant 0 : i32
    %dma_wait3A_140 = tpu.memref_slice %arg2[%dma_wait3A_138, %dma_wait3A_139] : memref<100000x64xf32, #tpu.memory_space<hbm>> -> memref<100000x64xf32, #tpu.memory_space<hbm>>
    tpu.wait_indirect_dma semaphore(%arg17 : memref<!tpu.dma_semaphore, #tpu.memory_space<semaphore_mem>>) src(%dma_wait3A_140 : memref<100000x64xf32, #tpu.memory_space<hbm>>) dst(%arg11 : memref<128x64xf32, #tpu.memory_space<vmem>>)
    %add3A_141 = arith.constant 1280 : i32
    %add3A_142 = arith.addi %mul3A_2, %add3A_141 : i32
    "tpu.region"() ({
      %run_scoped3A = tpu.sem_alloc : memref<!tpu.dma_semaphore, #tpu.memory_space<semaphore_mem>>
      %dma_start3A_157 = arith.constant 0 : i32
      %dma_start3A_158 = tpu.memref_slice %arg4[%add3A_142, %dma_start3A_157] : memref<51200x64xf32, #tpu.memory_space<hbm>> -> memref<128x64xf32, #tpu.memory_space<hbm>>
      %dma_start3A_159 = arith.constant 0 : i32
      %dma_start3A_160 = tpu.memref_slice %arg4[%add3A_142, %dma_start3A_159] : memref<51200x64xf32, #tpu.memory_space<hbm>> -> memref<128x64xf32, #tpu.memory_space<hbm>>
      tpu.enqueue_dma source(%arg11 : memref<128x64xf32, #tpu.memory_space<vmem>>) target(%dma_start3A_160 : memref<128x64xf32, #tpu.memory_space<hbm>>) target_semaphore(%run_scoped3A : memref<!tpu.dma_semaphore, #tpu.memory_space<semaphore_mem>>)
      %dma_wait3A_161 = arith.constant 0 : i32
      %dma_wait3A_162 = tpu.memref_slice %arg4[%add3A_142, %dma_wait3A_161] : memref<51200x64xf32, #tpu.memory_space<hbm>> -> memref<128x64xf32, #tpu.memory_space<hbm>>
      %dma_wait3A_163 = arith.constant 0 : i32
      %dma_wait3A_164 = tpu.memref_slice %arg4[%add3A_142, %dma_wait3A_163] : memref<51200x64xf32, #tpu.memory_space<hbm>> -> memref<128x64xf32, #tpu.memory_space<hbm>>
      tpu.wait_dma2 semaphore(%run_scoped3A : memref<!tpu.dma_semaphore, #tpu.memory_space<semaphore_mem>>) src(%arg11 : memref<128x64xf32, #tpu.memory_space<vmem>>) dst(%dma_wait3A_164 : memref<128x64xf32, #tpu.memory_space<hbm>>)
      tpu.yield
    }) : () -> ()
    %dma_wait3A_143 = arith.constant 1408 : i32
    %dma_wait3A_144 = tpu.memref_slice %arg5[%dma_wait3A_143] : memref<1600xi32, #tpu.memory_space<vmem>> -> memref<128xi32, #tpu.memory_space<vmem>>
    %dma_wait3A_145 = arith.constant 0 : i32
    %dma_wait3A_146 = arith.constant 0 : i32
    %dma_wait3A_147 = tpu.memref_slice %arg2[%dma_wait3A_145, %dma_wait3A_146] : memref<100000x64xf32, #tpu.memory_space<hbm>> -> memref<100000x64xf32, #tpu.memory_space<hbm>>
    tpu.wait_indirect_dma semaphore(%arg18 : memref<!tpu.dma_semaphore, #tpu.memory_space<semaphore_mem>>) src(%dma_wait3A_147 : memref<100000x64xf32, #tpu.memory_space<hbm>>) dst(%arg12 : memref<128x64xf32, #tpu.memory_space<vmem>>)
    %add3A_148 = arith.constant 1408 : i32
    %add3A_149 = arith.addi %mul3A_2, %add3A_148 : i32
    "tpu.region"() ({
      %run_scoped3A = tpu.sem_alloc : memref<!tpu.dma_semaphore, #tpu.memory_space<semaphore_mem>>
      %dma_start3A_157 = arith.constant 0 : i32
      %dma_start3A_158 = tpu.memref_slice %arg4[%add3A_149, %dma_start3A_157] : memref<51200x64xf32, #tpu.memory_space<hbm>> -> memref<128x64xf32, #tpu.memory_space<hbm>>
      %dma_start3A_159 = arith.constant 0 : i32
      %dma_start3A_160 = tpu.memref_slice %arg4[%add3A_149, %dma_start3A_159] : memref<51200x64xf32, #tpu.memory_space<hbm>> -> memref<128x64xf32, #tpu.memory_space<hbm>>
      tpu.enqueue_dma source(%arg12 : memref<128x64xf32, #tpu.memory_space<vmem>>) target(%dma_start3A_160 : memref<128x64xf32, #tpu.memory_space<hbm>>) target_semaphore(%run_scoped3A : memref<!tpu.dma_semaphore, #tpu.memory_space<semaphore_mem>>)
      %dma_wait3A_161 = arith.constant 0 : i32
      %dma_wait3A_162 = tpu.memref_slice %arg4[%add3A_149, %dma_wait3A_161] : memref<51200x64xf32, #tpu.memory_space<hbm>> -> memref<128x64xf32, #tpu.memory_space<hbm>>
      %dma_wait3A_163 = arith.constant 0 : i32
      %dma_wait3A_164 = tpu.memref_slice %arg4[%add3A_149, %dma_wait3A_163] : memref<51200x64xf32, #tpu.memory_space<hbm>> -> memref<128x64xf32, #tpu.memory_space<hbm>>
      tpu.wait_dma2 semaphore(%run_scoped3A : memref<!tpu.dma_semaphore, #tpu.memory_space<semaphore_mem>>) src(%arg12 : memref<128x64xf32, #tpu.memory_space<vmem>>) dst(%dma_wait3A_164 : memref<128x64xf32, #tpu.memory_space<hbm>>)
      tpu.yield
    }) : () -> ()
    %dma_wait3A_150 = arith.constant 1536 : i32
    %dma_wait3A_151 = tpu.memref_slice %arg5[%dma_wait3A_150] : memref<1600xi32, #tpu.memory_space<vmem>> -> memref<64xi32, #tpu.memory_space<vmem>>
    %dma_wait3A_152 = arith.constant 0 : i32
    %dma_wait3A_153 = arith.constant 0 : i32
    %dma_wait3A_154 = tpu.memref_slice %arg2[%dma_wait3A_152, %dma_wait3A_153] : memref<100000x64xf32, #tpu.memory_space<hbm>> -> memref<100000x64xf32, #tpu.memory_space<hbm>>
    tpu.wait_indirect_dma semaphore(%arg19 : memref<!tpu.dma_semaphore, #tpu.memory_space<semaphore_mem>>) src(%dma_wait3A_154 : memref<100000x64xf32, #tpu.memory_space<hbm>>) dst(%arg6 : memref<64x64xf32, #tpu.memory_space<vmem>>)
    %add3A_155 = arith.constant 1536 : i32
    %add3A_156 = arith.addi %mul3A_2, %add3A_155 : i32
    "tpu.region"() ({
      %run_scoped3A = tpu.sem_alloc : memref<!tpu.dma_semaphore, #tpu.memory_space<semaphore_mem>>
      %dma_start3A_157 = arith.constant 0 : i32
      %dma_start3A_158 = tpu.memref_slice %arg4[%add3A_156, %dma_start3A_157] : memref<51200x64xf32, #tpu.memory_space<hbm>> -> memref<64x64xf32, #tpu.memory_space<hbm>>
      %dma_start3A_159 = arith.constant 0 : i32
      %dma_start3A_160 = tpu.memref_slice %arg4[%add3A_156, %dma_start3A_159] : memref<51200x64xf32, #tpu.memory_space<hbm>> -> memref<64x64xf32, #tpu.memory_space<hbm>>
      tpu.enqueue_dma source(%arg6 : memref<64x64xf32, #tpu.memory_space<vmem>>) target(%dma_start3A_160 : memref<64x64xf32, #tpu.memory_space<hbm>>) target_semaphore(%run_scoped3A : memref<!tpu.dma_semaphore, #tpu.memory_space<semaphore_mem>>)
      %dma_wait3A_161 = arith.constant 0 : i32
      %dma_wait3A_162 = tpu.memref_slice %arg4[%add3A_156, %dma_wait3A_161] : memref<51200x64xf32, #tpu.memory_space<hbm>> -> memref<64x64xf32, #tpu.memory_space<hbm>>
      %dma_wait3A_163 = arith.constant 0 : i32
      %dma_wait3A_164 = tpu.memref_slice %arg4[%add3A_156, %dma_wait3A_163] : memref<51200x64xf32, #tpu.memory_space<hbm>> -> memref<64x64xf32, #tpu.memory_space<hbm>>
      tpu.wait_dma2 semaphore(%run_scoped3A : memref<!tpu.dma_semaphore, #tpu.memory_space<semaphore_mem>>) src(%arg6 : memref<64x64xf32, #tpu.memory_space<vmem>>) dst(%dma_wait3A_164 : memref<64x64xf32, #tpu.memory_space<hbm>>)
      tpu.yield
    }) : () -> ()
    return
  }
}

#map = affine_map<(d0, d1) -> (0, 0)>
#map1 = affine_map<(d0, d1) -> (0)>
module attributes {stable_mosaic.version = 14 : i64} {
  func.func @_sc_item_body(%arg0: i32, %arg1: i32, %arg2: memref<100000x128xf32, #tpu.memory_space<hbm>>, %arg3: memref<50080xi32, #tpu.memory_space<hbm>>, %arg4: memref<50000x128xf32, #tpu.memory_space<hbm>>, %arg5: memref<1600xi32, #tpu.memory_space<vmem>>, %arg6: memref<80x128xf32, #tpu.memory_space<vmem>>, %arg7: memref<80x128xf32, #tpu.memory_space<vmem>>, %arg8: memref<80x128xf32, #tpu.memory_space<vmem>>, %arg9: memref<80x128xf32, #tpu.memory_space<vmem>>, %arg10: memref<80x128xf32, #tpu.memory_space<vmem>>, %arg11: memref<80x128xf32, #tpu.memory_space<vmem>>, %arg12: memref<!tpu.dma_semaphore, #tpu.memory_space<semaphore_mem>>, %arg13: memref<!tpu.dma_semaphore, #tpu.memory_space<semaphore_mem>>, %arg14: memref<!tpu.dma_semaphore, #tpu.memory_space<semaphore_mem>>, %arg15: memref<!tpu.dma_semaphore, #tpu.memory_space<semaphore_mem>>, %arg16: memref<!tpu.dma_semaphore, #tpu.memory_space<semaphore_mem>>, %arg17: memref<!tpu.dma_semaphore, #tpu.memory_space<semaphore_mem>>) attributes {dimension_semantics = [#tpu.dimension_semantics<core_parallel>, #tpu.dimension_semantics<subcore_parallel>], iteration_bounds = array<i64: 2, 16>, scalar_prefetch = 0 : i64, scratch_operands = 13 : i64, tpu.core_type = #tpu.core_type<sc_vector_subcore>, window_params = [{transform_indices = #map}, {transform_indices = #map1}, {transform_indices = #map}]} {
    %mul3A = arith.constant 2 : i32
    %mul3A_0 = arith.muli %arg1, %mul3A : i32
    %add3A = arith.addi %mul3A_0, %arg0 : i32
    %lt3A = arith.constant 17 : i32
    %lt3A_1 = arith.cmpi slt, %add3A, %lt3A : i32
    %jit3A = arith.constant 20 : i32
    %jit3A_2 = arith.constant 19 : i32
    %select_n3A = arith.select %lt3A_1, %jit3A, %jit3A_2 : i32
    %mul3A_3 = arith.constant 1520 : i32
    %mul3A_4 = arith.muli %add3A, %mul3A_3 : i32
    %min3A = arith.constant 17 : i32
    %min3A_5 = arith.minsi %add3A, %min3A : i32
    %mul3A_6 = arith.constant 80 : i32
    %mul3A_7 = arith.muli %min3A_5, %mul3A_6 : i32
    %add3A_8 = arith.addi %mul3A_4, %mul3A_7 : i32
    "tpu.region"() ({
      %run_scoped3A = tpu.sem_alloc : memref<!tpu.dma_semaphore, #tpu.memory_space<semaphore_mem>>
      %dma_start3A_304 = tpu.memref_slice %arg3[%add3A_8] : memref<50080xi32, #tpu.memory_space<hbm>> -> memref<1600xi32, #tpu.memory_space<hbm>>
      %dma_start3A_305 = tpu.memref_slice %arg3[%add3A_8] : memref<50080xi32, #tpu.memory_space<hbm>> -> memref<1600xi32, #tpu.memory_space<hbm>>
      tpu.enqueue_dma source(%dma_start3A_305 : memref<1600xi32, #tpu.memory_space<hbm>>) target(%arg5 : memref<1600xi32, #tpu.memory_space<vmem>>) target_semaphore(%run_scoped3A : memref<!tpu.dma_semaphore, #tpu.memory_space<semaphore_mem>>)
      %dma_wait3A_306 = tpu.memref_slice %arg3[%add3A_8] : memref<50080xi32, #tpu.memory_space<hbm>> -> memref<1600xi32, #tpu.memory_space<hbm>>
      %dma_wait3A_307 = tpu.memref_slice %arg3[%add3A_8] : memref<50080xi32, #tpu.memory_space<hbm>> -> memref<1600xi32, #tpu.memory_space<hbm>>
      tpu.wait_dma2 semaphore(%run_scoped3A : memref<!tpu.dma_semaphore, #tpu.memory_space<semaphore_mem>>) src(%dma_wait3A_307 : memref<1600xi32, #tpu.memory_space<hbm>>) dst(%arg5 : memref<1600xi32, #tpu.memory_space<vmem>>)
      tpu.yield
    }) : () -> ()
    %dma_start3A = arith.constant 0 : i32
    %dma_start3A_9 = tpu.memref_slice %arg5[%dma_start3A] : memref<1600xi32, #tpu.memory_space<vmem>> -> memref<80xi32, #tpu.memory_space<vmem>>
    %dma_start3A_10 = arith.constant 0 : i32
    %dma_start3A_11 = arith.constant 0 : i32
    %dma_start3A_12 = tpu.memref_slice %arg2[%dma_start3A_10, %dma_start3A_11] : memref<100000x128xf32, #tpu.memory_space<hbm>> -> memref<100000x128xf32, #tpu.memory_space<hbm>>
    tpu.enqueue_indirect_dma source(%dma_start3A_12 : memref<100000x128xf32, #tpu.memory_space<hbm>>) target(%arg6 : memref<80x128xf32, #tpu.memory_space<vmem>>) offsets(%dma_start3A_9 : memref<80xi32, #tpu.memory_space<vmem>>) semaphore(%arg12 : memref<!tpu.dma_semaphore, #tpu.memory_space<semaphore_mem>>)
    %dma_start3A_13 = arith.constant 80 : i32
    %dma_start3A_14 = tpu.memref_slice %arg5[%dma_start3A_13] : memref<1600xi32, #tpu.memory_space<vmem>> -> memref<80xi32, #tpu.memory_space<vmem>>
    %dma_start3A_15 = arith.constant 0 : i32
    %dma_start3A_16 = arith.constant 0 : i32
    %dma_start3A_17 = tpu.memref_slice %arg2[%dma_start3A_15, %dma_start3A_16] : memref<100000x128xf32, #tpu.memory_space<hbm>> -> memref<100000x128xf32, #tpu.memory_space<hbm>>
    tpu.enqueue_indirect_dma source(%dma_start3A_17 : memref<100000x128xf32, #tpu.memory_space<hbm>>) target(%arg7 : memref<80x128xf32, #tpu.memory_space<vmem>>) offsets(%dma_start3A_14 : memref<80xi32, #tpu.memory_space<vmem>>) semaphore(%arg13 : memref<!tpu.dma_semaphore, #tpu.memory_space<semaphore_mem>>)
    %dma_start3A_18 = arith.constant 160 : i32
    %dma_start3A_19 = tpu.memref_slice %arg5[%dma_start3A_18] : memref<1600xi32, #tpu.memory_space<vmem>> -> memref<80xi32, #tpu.memory_space<vmem>>
    %dma_start3A_20 = arith.constant 0 : i32
    %dma_start3A_21 = arith.constant 0 : i32
    %dma_start3A_22 = tpu.memref_slice %arg2[%dma_start3A_20, %dma_start3A_21] : memref<100000x128xf32, #tpu.memory_space<hbm>> -> memref<100000x128xf32, #tpu.memory_space<hbm>>
    tpu.enqueue_indirect_dma source(%dma_start3A_22 : memref<100000x128xf32, #tpu.memory_space<hbm>>) target(%arg8 : memref<80x128xf32, #tpu.memory_space<vmem>>) offsets(%dma_start3A_19 : memref<80xi32, #tpu.memory_space<vmem>>) semaphore(%arg14 : memref<!tpu.dma_semaphore, #tpu.memory_space<semaphore_mem>>)
    %dma_start3A_23 = arith.constant 240 : i32
    %dma_start3A_24 = tpu.memref_slice %arg5[%dma_start3A_23] : memref<1600xi32, #tpu.memory_space<vmem>> -> memref<80xi32, #tpu.memory_space<vmem>>
    %dma_start3A_25 = arith.constant 0 : i32
    %dma_start3A_26 = arith.constant 0 : i32
    %dma_start3A_27 = tpu.memref_slice %arg2[%dma_start3A_25, %dma_start3A_26] : memref<100000x128xf32, #tpu.memory_space<hbm>> -> memref<100000x128xf32, #tpu.memory_space<hbm>>
    tpu.enqueue_indirect_dma source(%dma_start3A_27 : memref<100000x128xf32, #tpu.memory_space<hbm>>) target(%arg9 : memref<80x128xf32, #tpu.memory_space<vmem>>) offsets(%dma_start3A_24 : memref<80xi32, #tpu.memory_space<vmem>>) semaphore(%arg15 : memref<!tpu.dma_semaphore, #tpu.memory_space<semaphore_mem>>)
    %dma_start3A_28 = arith.constant 320 : i32
    %dma_start3A_29 = tpu.memref_slice %arg5[%dma_start3A_28] : memref<1600xi32, #tpu.memory_space<vmem>> -> memref<80xi32, #tpu.memory_space<vmem>>
    %dma_start3A_30 = arith.constant 0 : i32
    %dma_start3A_31 = arith.constant 0 : i32
    %dma_start3A_32 = tpu.memref_slice %arg2[%dma_start3A_30, %dma_start3A_31] : memref<100000x128xf32, #tpu.memory_space<hbm>> -> memref<100000x128xf32, #tpu.memory_space<hbm>>
    tpu.enqueue_indirect_dma source(%dma_start3A_32 : memref<100000x128xf32, #tpu.memory_space<hbm>>) target(%arg10 : memref<80x128xf32, #tpu.memory_space<vmem>>) offsets(%dma_start3A_29 : memref<80xi32, #tpu.memory_space<vmem>>) semaphore(%arg16 : memref<!tpu.dma_semaphore, #tpu.memory_space<semaphore_mem>>)
    %dma_start3A_33 = arith.constant 400 : i32
    %dma_start3A_34 = tpu.memref_slice %arg5[%dma_start3A_33] : memref<1600xi32, #tpu.memory_space<vmem>> -> memref<80xi32, #tpu.memory_space<vmem>>
    %dma_start3A_35 = arith.constant 0 : i32
    %dma_start3A_36 = arith.constant 0 : i32
    %dma_start3A_37 = tpu.memref_slice %arg2[%dma_start3A_35, %dma_start3A_36] : memref<100000x128xf32, #tpu.memory_space<hbm>> -> memref<100000x128xf32, #tpu.memory_space<hbm>>
    tpu.enqueue_indirect_dma source(%dma_start3A_37 : memref<100000x128xf32, #tpu.memory_space<hbm>>) target(%arg11 : memref<80x128xf32, #tpu.memory_space<vmem>>) offsets(%dma_start3A_34 : memref<80xi32, #tpu.memory_space<vmem>>) semaphore(%arg17 : memref<!tpu.dma_semaphore, #tpu.memory_space<semaphore_mem>>)
    %dma_wait3A = arith.constant 0 : i32
    %dma_wait3A_38 = tpu.memref_slice %arg5[%dma_wait3A] : memref<1600xi32, #tpu.memory_space<vmem>> -> memref<80xi32, #tpu.memory_space<vmem>>
    %dma_wait3A_39 = arith.constant 0 : i32
    %dma_wait3A_40 = arith.constant 0 : i32
    %dma_wait3A_41 = tpu.memref_slice %arg2[%dma_wait3A_39, %dma_wait3A_40] : memref<100000x128xf32, #tpu.memory_space<hbm>> -> memref<100000x128xf32, #tpu.memory_space<hbm>>
    tpu.wait_indirect_dma semaphore(%arg12 : memref<!tpu.dma_semaphore, #tpu.memory_space<semaphore_mem>>) src(%dma_wait3A_41 : memref<100000x128xf32, #tpu.memory_space<hbm>>) dst(%arg6 : memref<80x128xf32, #tpu.memory_space<vmem>>)
    %gt3A = arith.constant 0 : i32
    %gt3A_42 = arith.cmpi sgt, %select_n3A, %gt3A : i32
    %convert_element_type3A = arith.extui %gt3A_42 : i1 to i32
    %cond3A = arith.constant 0 : i32
    %cond3A_43 = arith.cmpi ne, %convert_element_type3A, %cond3A : i32
    scf.if %cond3A_43 {
      %add3A_304 = arith.constant 0 : i32
      %add3A_305 = arith.addi %add3A_8, %add3A_304 : i32
      "tpu.region"() ({
        %run_scoped3A = tpu.sem_alloc : memref<!tpu.dma_semaphore, #tpu.memory_space<semaphore_mem>>
        %dma_start3A_306 = arith.constant 0 : i32
        %dma_start3A_307 = tpu.memref_slice %arg4[%add3A_305, %dma_start3A_306] : memref<50000x128xf32, #tpu.memory_space<hbm>> -> memref<80x128xf32, #tpu.memory_space<hbm>>
        %dma_start3A_308 = arith.constant 0 : i32
        %dma_start3A_309 = tpu.memref_slice %arg4[%add3A_305, %dma_start3A_308] : memref<50000x128xf32, #tpu.memory_space<hbm>> -> memref<80x128xf32, #tpu.memory_space<hbm>>
        tpu.enqueue_dma source(%arg6 : memref<80x128xf32, #tpu.memory_space<vmem>>) target(%dma_start3A_309 : memref<80x128xf32, #tpu.memory_space<hbm>>) target_semaphore(%run_scoped3A : memref<!tpu.dma_semaphore, #tpu.memory_space<semaphore_mem>>)
        %dma_wait3A_310 = arith.constant 0 : i32
        %dma_wait3A_311 = tpu.memref_slice %arg4[%add3A_305, %dma_wait3A_310] : memref<50000x128xf32, #tpu.memory_space<hbm>> -> memref<80x128xf32, #tpu.memory_space<hbm>>
        %dma_wait3A_312 = arith.constant 0 : i32
        %dma_wait3A_313 = tpu.memref_slice %arg4[%add3A_305, %dma_wait3A_312] : memref<50000x128xf32, #tpu.memory_space<hbm>> -> memref<80x128xf32, #tpu.memory_space<hbm>>
        tpu.wait_dma2 semaphore(%run_scoped3A : memref<!tpu.dma_semaphore, #tpu.memory_space<semaphore_mem>>) src(%arg6 : memref<80x128xf32, #tpu.memory_space<vmem>>) dst(%dma_wait3A_313 : memref<80x128xf32, #tpu.memory_space<hbm>>)
        tpu.yield
      }) : () -> ()
    } else {
    }
    %dma_start3A_44 = arith.constant 480 : i32
    %dma_start3A_45 = tpu.memref_slice %arg5[%dma_start3A_44] : memref<1600xi32, #tpu.memory_space<vmem>> -> memref<80xi32, #tpu.memory_space<vmem>>
    %dma_start3A_46 = arith.constant 0 : i32
    %dma_start3A_47 = arith.constant 0 : i32
    %dma_start3A_48 = tpu.memref_slice %arg2[%dma_start3A_46, %dma_start3A_47] : memref<100000x128xf32, #tpu.memory_space<hbm>> -> memref<100000x128xf32, #tpu.memory_space<hbm>>
    tpu.enqueue_indirect_dma source(%dma_start3A_48 : memref<100000x128xf32, #tpu.memory_space<hbm>>) target(%arg6 : memref<80x128xf32, #tpu.memory_space<vmem>>) offsets(%dma_start3A_45 : memref<80xi32, #tpu.memory_space<vmem>>) semaphore(%arg12 : memref<!tpu.dma_semaphore, #tpu.memory_space<semaphore_mem>>)
    %dma_wait3A_49 = arith.constant 80 : i32
    %dma_wait3A_50 = tpu.memref_slice %arg5[%dma_wait3A_49] : memref<1600xi32, #tpu.memory_space<vmem>> -> memref<80xi32, #tpu.memory_space<vmem>>
    %dma_wait3A_51 = arith.constant 0 : i32
    %dma_wait3A_52 = arith.constant 0 : i32
    %dma_wait3A_53 = tpu.memref_slice %arg2[%dma_wait3A_51, %dma_wait3A_52] : memref<100000x128xf32, #tpu.memory_space<hbm>> -> memref<100000x128xf32, #tpu.memory_space<hbm>>
    tpu.wait_indirect_dma semaphore(%arg13 : memref<!tpu.dma_semaphore, #tpu.memory_space<semaphore_mem>>) src(%dma_wait3A_53 : memref<100000x128xf32, #tpu.memory_space<hbm>>) dst(%arg7 : memref<80x128xf32, #tpu.memory_space<vmem>>)
    %gt3A_54 = arith.constant 1 : i32
    %gt3A_55 = arith.cmpi sgt, %select_n3A, %gt3A_54 : i32
    %convert_element_type3A_56 = arith.extui %gt3A_55 : i1 to i32
    %cond3A_57 = arith.constant 0 : i32
    %cond3A_58 = arith.cmpi ne, %convert_element_type3A_56, %cond3A_57 : i32
    scf.if %cond3A_58 {
      %add3A_304 = arith.constant 80 : i32
      %add3A_305 = arith.addi %add3A_8, %add3A_304 : i32
      "tpu.region"() ({
        %run_scoped3A = tpu.sem_alloc : memref<!tpu.dma_semaphore, #tpu.memory_space<semaphore_mem>>
        %dma_start3A_306 = arith.constant 0 : i32
        %dma_start3A_307 = tpu.memref_slice %arg4[%add3A_305, %dma_start3A_306] : memref<50000x128xf32, #tpu.memory_space<hbm>> -> memref<80x128xf32, #tpu.memory_space<hbm>>
        %dma_start3A_308 = arith.constant 0 : i32
        %dma_start3A_309 = tpu.memref_slice %arg4[%add3A_305, %dma_start3A_308] : memref<50000x128xf32, #tpu.memory_space<hbm>> -> memref<80x128xf32, #tpu.memory_space<hbm>>
        tpu.enqueue_dma source(%arg7 : memref<80x128xf32, #tpu.memory_space<vmem>>) target(%dma_start3A_309 : memref<80x128xf32, #tpu.memory_space<hbm>>) target_semaphore(%run_scoped3A : memref<!tpu.dma_semaphore, #tpu.memory_space<semaphore_mem>>)
        %dma_wait3A_310 = arith.constant 0 : i32
        %dma_wait3A_311 = tpu.memref_slice %arg4[%add3A_305, %dma_wait3A_310] : memref<50000x128xf32, #tpu.memory_space<hbm>> -> memref<80x128xf32, #tpu.memory_space<hbm>>
        %dma_wait3A_312 = arith.constant 0 : i32
        %dma_wait3A_313 = tpu.memref_slice %arg4[%add3A_305, %dma_wait3A_312] : memref<50000x128xf32, #tpu.memory_space<hbm>> -> memref<80x128xf32, #tpu.memory_space<hbm>>
        tpu.wait_dma2 semaphore(%run_scoped3A : memref<!tpu.dma_semaphore, #tpu.memory_space<semaphore_mem>>) src(%arg7 : memref<80x128xf32, #tpu.memory_space<vmem>>) dst(%dma_wait3A_313 : memref<80x128xf32, #tpu.memory_space<hbm>>)
        tpu.yield
      }) : () -> ()
    } else {
    }
    %dma_start3A_59 = arith.constant 560 : i32
    %dma_start3A_60 = tpu.memref_slice %arg5[%dma_start3A_59] : memref<1600xi32, #tpu.memory_space<vmem>> -> memref<80xi32, #tpu.memory_space<vmem>>
    %dma_start3A_61 = arith.constant 0 : i32
    %dma_start3A_62 = arith.constant 0 : i32
    %dma_start3A_63 = tpu.memref_slice %arg2[%dma_start3A_61, %dma_start3A_62] : memref<100000x128xf32, #tpu.memory_space<hbm>> -> memref<100000x128xf32, #tpu.memory_space<hbm>>
    tpu.enqueue_indirect_dma source(%dma_start3A_63 : memref<100000x128xf32, #tpu.memory_space<hbm>>) target(%arg7 : memref<80x128xf32, #tpu.memory_space<vmem>>) offsets(%dma_start3A_60 : memref<80xi32, #tpu.memory_space<vmem>>) semaphore(%arg13 : memref<!tpu.dma_semaphore, #tpu.memory_space<semaphore_mem>>)
    %dma_wait3A_64 = arith.constant 160 : i32
    %dma_wait3A_65 = tpu.memref_slice %arg5[%dma_wait3A_64] : memref<1600xi32, #tpu.memory_space<vmem>> -> memref<80xi32, #tpu.memory_space<vmem>>
    %dma_wait3A_66 = arith.constant 0 : i32
    %dma_wait3A_67 = arith.constant 0 : i32
    %dma_wait3A_68 = tpu.memref_slice %arg2[%dma_wait3A_66, %dma_wait3A_67] : memref<100000x128xf32, #tpu.memory_space<hbm>> -> memref<100000x128xf32, #tpu.memory_space<hbm>>
    tpu.wait_indirect_dma semaphore(%arg14 : memref<!tpu.dma_semaphore, #tpu.memory_space<semaphore_mem>>) src(%dma_wait3A_68 : memref<100000x128xf32, #tpu.memory_space<hbm>>) dst(%arg8 : memref<80x128xf32, #tpu.memory_space<vmem>>)
    %gt3A_69 = arith.constant 2 : i32
    %gt3A_70 = arith.cmpi sgt, %select_n3A, %gt3A_69 : i32
    %convert_element_type3A_71 = arith.extui %gt3A_70 : i1 to i32
    %cond3A_72 = arith.constant 0 : i32
    %cond3A_73 = arith.cmpi ne, %convert_element_type3A_71, %cond3A_72 : i32
    scf.if %cond3A_73 {
      %add3A_304 = arith.constant 160 : i32
      %add3A_305 = arith.addi %add3A_8, %add3A_304 : i32
      "tpu.region"() ({
        %run_scoped3A = tpu.sem_alloc : memref<!tpu.dma_semaphore, #tpu.memory_space<semaphore_mem>>
        %dma_start3A_306 = arith.constant 0 : i32
        %dma_start3A_307 = tpu.memref_slice %arg4[%add3A_305, %dma_start3A_306] : memref<50000x128xf32, #tpu.memory_space<hbm>> -> memref<80x128xf32, #tpu.memory_space<hbm>>
        %dma_start3A_308 = arith.constant 0 : i32
        %dma_start3A_309 = tpu.memref_slice %arg4[%add3A_305, %dma_start3A_308] : memref<50000x128xf32, #tpu.memory_space<hbm>> -> memref<80x128xf32, #tpu.memory_space<hbm>>
        tpu.enqueue_dma source(%arg8 : memref<80x128xf32, #tpu.memory_space<vmem>>) target(%dma_start3A_309 : memref<80x128xf32, #tpu.memory_space<hbm>>) target_semaphore(%run_scoped3A : memref<!tpu.dma_semaphore, #tpu.memory_space<semaphore_mem>>)
        %dma_wait3A_310 = arith.constant 0 : i32
        %dma_wait3A_311 = tpu.memref_slice %arg4[%add3A_305, %dma_wait3A_310] : memref<50000x128xf32, #tpu.memory_space<hbm>> -> memref<80x128xf32, #tpu.memory_space<hbm>>
        %dma_wait3A_312 = arith.constant 0 : i32
        %dma_wait3A_313 = tpu.memref_slice %arg4[%add3A_305, %dma_wait3A_312] : memref<50000x128xf32, #tpu.memory_space<hbm>> -> memref<80x128xf32, #tpu.memory_space<hbm>>
        tpu.wait_dma2 semaphore(%run_scoped3A : memref<!tpu.dma_semaphore, #tpu.memory_space<semaphore_mem>>) src(%arg8 : memref<80x128xf32, #tpu.memory_space<vmem>>) dst(%dma_wait3A_313 : memref<80x128xf32, #tpu.memory_space<hbm>>)
        tpu.yield
      }) : () -> ()
    } else {
    }
    %dma_start3A_74 = arith.constant 640 : i32
    %dma_start3A_75 = tpu.memref_slice %arg5[%dma_start3A_74] : memref<1600xi32, #tpu.memory_space<vmem>> -> memref<80xi32, #tpu.memory_space<vmem>>
    %dma_start3A_76 = arith.constant 0 : i32
    %dma_start3A_77 = arith.constant 0 : i32
    %dma_start3A_78 = tpu.memref_slice %arg2[%dma_start3A_76, %dma_start3A_77] : memref<100000x128xf32, #tpu.memory_space<hbm>> -> memref<100000x128xf32, #tpu.memory_space<hbm>>
    tpu.enqueue_indirect_dma source(%dma_start3A_78 : memref<100000x128xf32, #tpu.memory_space<hbm>>) target(%arg8 : memref<80x128xf32, #tpu.memory_space<vmem>>) offsets(%dma_start3A_75 : memref<80xi32, #tpu.memory_space<vmem>>) semaphore(%arg14 : memref<!tpu.dma_semaphore, #tpu.memory_space<semaphore_mem>>)
    %dma_wait3A_79 = arith.constant 240 : i32
    %dma_wait3A_80 = tpu.memref_slice %arg5[%dma_wait3A_79] : memref<1600xi32, #tpu.memory_space<vmem>> -> memref<80xi32, #tpu.memory_space<vmem>>
    %dma_wait3A_81 = arith.constant 0 : i32
    %dma_wait3A_82 = arith.constant 0 : i32
    %dma_wait3A_83 = tpu.memref_slice %arg2[%dma_wait3A_81, %dma_wait3A_82] : memref<100000x128xf32, #tpu.memory_space<hbm>> -> memref<100000x128xf32, #tpu.memory_space<hbm>>
    tpu.wait_indirect_dma semaphore(%arg15 : memref<!tpu.dma_semaphore, #tpu.memory_space<semaphore_mem>>) src(%dma_wait3A_83 : memref<100000x128xf32, #tpu.memory_space<hbm>>) dst(%arg9 : memref<80x128xf32, #tpu.memory_space<vmem>>)
    %gt3A_84 = arith.constant 3 : i32
    %gt3A_85 = arith.cmpi sgt, %select_n3A, %gt3A_84 : i32
    %convert_element_type3A_86 = arith.extui %gt3A_85 : i1 to i32
    %cond3A_87 = arith.constant 0 : i32
    %cond3A_88 = arith.cmpi ne, %convert_element_type3A_86, %cond3A_87 : i32
    scf.if %cond3A_88 {
      %add3A_304 = arith.constant 240 : i32
      %add3A_305 = arith.addi %add3A_8, %add3A_304 : i32
      "tpu.region"() ({
        %run_scoped3A = tpu.sem_alloc : memref<!tpu.dma_semaphore, #tpu.memory_space<semaphore_mem>>
        %dma_start3A_306 = arith.constant 0 : i32
        %dma_start3A_307 = tpu.memref_slice %arg4[%add3A_305, %dma_start3A_306] : memref<50000x128xf32, #tpu.memory_space<hbm>> -> memref<80x128xf32, #tpu.memory_space<hbm>>
        %dma_start3A_308 = arith.constant 0 : i32
        %dma_start3A_309 = tpu.memref_slice %arg4[%add3A_305, %dma_start3A_308] : memref<50000x128xf32, #tpu.memory_space<hbm>> -> memref<80x128xf32, #tpu.memory_space<hbm>>
        tpu.enqueue_dma source(%arg9 : memref<80x128xf32, #tpu.memory_space<vmem>>) target(%dma_start3A_309 : memref<80x128xf32, #tpu.memory_space<hbm>>) target_semaphore(%run_scoped3A : memref<!tpu.dma_semaphore, #tpu.memory_space<semaphore_mem>>)
        %dma_wait3A_310 = arith.constant 0 : i32
        %dma_wait3A_311 = tpu.memref_slice %arg4[%add3A_305, %dma_wait3A_310] : memref<50000x128xf32, #tpu.memory_space<hbm>> -> memref<80x128xf32, #tpu.memory_space<hbm>>
        %dma_wait3A_312 = arith.constant 0 : i32
        %dma_wait3A_313 = tpu.memref_slice %arg4[%add3A_305, %dma_wait3A_312] : memref<50000x128xf32, #tpu.memory_space<hbm>> -> memref<80x128xf32, #tpu.memory_space<hbm>>
        tpu.wait_dma2 semaphore(%run_scoped3A : memref<!tpu.dma_semaphore, #tpu.memory_space<semaphore_mem>>) src(%arg9 : memref<80x128xf32, #tpu.memory_space<vmem>>) dst(%dma_wait3A_313 : memref<80x128xf32, #tpu.memory_space<hbm>>)
        tpu.yield
      }) : () -> ()
    } else {
    }
    %dma_start3A_89 = arith.constant 720 : i32
    %dma_start3A_90 = tpu.memref_slice %arg5[%dma_start3A_89] : memref<1600xi32, #tpu.memory_space<vmem>> -> memref<80xi32, #tpu.memory_space<vmem>>
    %dma_start3A_91 = arith.constant 0 : i32
    %dma_start3A_92 = arith.constant 0 : i32
    %dma_start3A_93 = tpu.memref_slice %arg2[%dma_start3A_91, %dma_start3A_92] : memref<100000x128xf32, #tpu.memory_space<hbm>> -> memref<100000x128xf32, #tpu.memory_space<hbm>>
    tpu.enqueue_indirect_dma source(%dma_start3A_93 : memref<100000x128xf32, #tpu.memory_space<hbm>>) target(%arg9 : memref<80x128xf32, #tpu.memory_space<vmem>>) offsets(%dma_start3A_90 : memref<80xi32, #tpu.memory_space<vmem>>) semaphore(%arg15 : memref<!tpu.dma_semaphore, #tpu.memory_space<semaphore_mem>>)
    %dma_wait3A_94 = arith.constant 320 : i32
    %dma_wait3A_95 = tpu.memref_slice %arg5[%dma_wait3A_94] : memref<1600xi32, #tpu.memory_space<vmem>> -> memref<80xi32, #tpu.memory_space<vmem>>
    %dma_wait3A_96 = arith.constant 0 : i32
    %dma_wait3A_97 = arith.constant 0 : i32
    %dma_wait3A_98 = tpu.memref_slice %arg2[%dma_wait3A_96, %dma_wait3A_97] : memref<100000x128xf32, #tpu.memory_space<hbm>> -> memref<100000x128xf32, #tpu.memory_space<hbm>>
    tpu.wait_indirect_dma semaphore(%arg16 : memref<!tpu.dma_semaphore, #tpu.memory_space<semaphore_mem>>) src(%dma_wait3A_98 : memref<100000x128xf32, #tpu.memory_space<hbm>>) dst(%arg10 : memref<80x128xf32, #tpu.memory_space<vmem>>)
    %gt3A_99 = arith.constant 4 : i32
    %gt3A_100 = arith.cmpi sgt, %select_n3A, %gt3A_99 : i32
    %convert_element_type3A_101 = arith.extui %gt3A_100 : i1 to i32
    %cond3A_102 = arith.constant 0 : i32
    %cond3A_103 = arith.cmpi ne, %convert_element_type3A_101, %cond3A_102 : i32
    scf.if %cond3A_103 {
      %add3A_304 = arith.constant 320 : i32
      %add3A_305 = arith.addi %add3A_8, %add3A_304 : i32
      "tpu.region"() ({
        %run_scoped3A = tpu.sem_alloc : memref<!tpu.dma_semaphore, #tpu.memory_space<semaphore_mem>>
        %dma_start3A_306 = arith.constant 0 : i32
        %dma_start3A_307 = tpu.memref_slice %arg4[%add3A_305, %dma_start3A_306] : memref<50000x128xf32, #tpu.memory_space<hbm>> -> memref<80x128xf32, #tpu.memory_space<hbm>>
        %dma_start3A_308 = arith.constant 0 : i32
        %dma_start3A_309 = tpu.memref_slice %arg4[%add3A_305, %dma_start3A_308] : memref<50000x128xf32, #tpu.memory_space<hbm>> -> memref<80x128xf32, #tpu.memory_space<hbm>>
        tpu.enqueue_dma source(%arg10 : memref<80x128xf32, #tpu.memory_space<vmem>>) target(%dma_start3A_309 : memref<80x128xf32, #tpu.memory_space<hbm>>) target_semaphore(%run_scoped3A : memref<!tpu.dma_semaphore, #tpu.memory_space<semaphore_mem>>)
        %dma_wait3A_310 = arith.constant 0 : i32
        %dma_wait3A_311 = tpu.memref_slice %arg4[%add3A_305, %dma_wait3A_310] : memref<50000x128xf32, #tpu.memory_space<hbm>> -> memref<80x128xf32, #tpu.memory_space<hbm>>
        %dma_wait3A_312 = arith.constant 0 : i32
        %dma_wait3A_313 = tpu.memref_slice %arg4[%add3A_305, %dma_wait3A_312] : memref<50000x128xf32, #tpu.memory_space<hbm>> -> memref<80x128xf32, #tpu.memory_space<hbm>>
        tpu.wait_dma2 semaphore(%run_scoped3A : memref<!tpu.dma_semaphore, #tpu.memory_space<semaphore_mem>>) src(%arg10 : memref<80x128xf32, #tpu.memory_space<vmem>>) dst(%dma_wait3A_313 : memref<80x128xf32, #tpu.memory_space<hbm>>)
        tpu.yield
      }) : () -> ()
    } else {
    }
    %dma_start3A_104 = arith.constant 800 : i32
    %dma_start3A_105 = tpu.memref_slice %arg5[%dma_start3A_104] : memref<1600xi32, #tpu.memory_space<vmem>> -> memref<80xi32, #tpu.memory_space<vmem>>
    %dma_start3A_106 = arith.constant 0 : i32
    %dma_start3A_107 = arith.constant 0 : i32
    %dma_start3A_108 = tpu.memref_slice %arg2[%dma_start3A_106, %dma_start3A_107] : memref<100000x128xf32, #tpu.memory_space<hbm>> -> memref<100000x128xf32, #tpu.memory_space<hbm>>
    tpu.enqueue_indirect_dma source(%dma_start3A_108 : memref<100000x128xf32, #tpu.memory_space<hbm>>) target(%arg10 : memref<80x128xf32, #tpu.memory_space<vmem>>) offsets(%dma_start3A_105 : memref<80xi32, #tpu.memory_space<vmem>>) semaphore(%arg16 : memref<!tpu.dma_semaphore, #tpu.memory_space<semaphore_mem>>)
    %dma_wait3A_109 = arith.constant 400 : i32
    %dma_wait3A_110 = tpu.memref_slice %arg5[%dma_wait3A_109] : memref<1600xi32, #tpu.memory_space<vmem>> -> memref<80xi32, #tpu.memory_space<vmem>>
    %dma_wait3A_111 = arith.constant 0 : i32
    %dma_wait3A_112 = arith.constant 0 : i32
    %dma_wait3A_113 = tpu.memref_slice %arg2[%dma_wait3A_111, %dma_wait3A_112] : memref<100000x128xf32, #tpu.memory_space<hbm>> -> memref<100000x128xf32, #tpu.memory_space<hbm>>
    tpu.wait_indirect_dma semaphore(%arg17 : memref<!tpu.dma_semaphore, #tpu.memory_space<semaphore_mem>>) src(%dma_wait3A_113 : memref<100000x128xf32, #tpu.memory_space<hbm>>) dst(%arg11 : memref<80x128xf32, #tpu.memory_space<vmem>>)
    %gt3A_114 = arith.constant 5 : i32
    %gt3A_115 = arith.cmpi sgt, %select_n3A, %gt3A_114 : i32
    %convert_element_type3A_116 = arith.extui %gt3A_115 : i1 to i32
    %cond3A_117 = arith.constant 0 : i32
    %cond3A_118 = arith.cmpi ne, %convert_element_type3A_116, %cond3A_117 : i32
    scf.if %cond3A_118 {
      %add3A_304 = arith.constant 400 : i32
      %add3A_305 = arith.addi %add3A_8, %add3A_304 : i32
      "tpu.region"() ({
        %run_scoped3A = tpu.sem_alloc : memref<!tpu.dma_semaphore, #tpu.memory_space<semaphore_mem>>
        %dma_start3A_306 = arith.constant 0 : i32
        %dma_start3A_307 = tpu.memref_slice %arg4[%add3A_305, %dma_start3A_306] : memref<50000x128xf32, #tpu.memory_space<hbm>> -> memref<80x128xf32, #tpu.memory_space<hbm>>
        %dma_start3A_308 = arith.constant 0 : i32
        %dma_start3A_309 = tpu.memref_slice %arg4[%add3A_305, %dma_start3A_308] : memref<50000x128xf32, #tpu.memory_space<hbm>> -> memref<80x128xf32, #tpu.memory_space<hbm>>
        tpu.enqueue_dma source(%arg11 : memref<80x128xf32, #tpu.memory_space<vmem>>) target(%dma_start3A_309 : memref<80x128xf32, #tpu.memory_space<hbm>>) target_semaphore(%run_scoped3A : memref<!tpu.dma_semaphore, #tpu.memory_space<semaphore_mem>>)
        %dma_wait3A_310 = arith.constant 0 : i32
        %dma_wait3A_311 = tpu.memref_slice %arg4[%add3A_305, %dma_wait3A_310] : memref<50000x128xf32, #tpu.memory_space<hbm>> -> memref<80x128xf32, #tpu.memory_space<hbm>>
        %dma_wait3A_312 = arith.constant 0 : i32
        %dma_wait3A_313 = tpu.memref_slice %arg4[%add3A_305, %dma_wait3A_312] : memref<50000x128xf32, #tpu.memory_space<hbm>> -> memref<80x128xf32, #tpu.memory_space<hbm>>
        tpu.wait_dma2 semaphore(%run_scoped3A : memref<!tpu.dma_semaphore, #tpu.memory_space<semaphore_mem>>) src(%arg11 : memref<80x128xf32, #tpu.memory_space<vmem>>) dst(%dma_wait3A_313 : memref<80x128xf32, #tpu.memory_space<hbm>>)
        tpu.yield
      }) : () -> ()
    } else {
    }
    %dma_start3A_119 = arith.constant 880 : i32
    %dma_start3A_120 = tpu.memref_slice %arg5[%dma_start3A_119] : memref<1600xi32, #tpu.memory_space<vmem>> -> memref<80xi32, #tpu.memory_space<vmem>>
    %dma_start3A_121 = arith.constant 0 : i32
    %dma_start3A_122 = arith.constant 0 : i32
    %dma_start3A_123 = tpu.memref_slice %arg2[%dma_start3A_121, %dma_start3A_122] : memref<100000x128xf32, #tpu.memory_space<hbm>> -> memref<100000x128xf32, #tpu.memory_space<hbm>>
    tpu.enqueue_indirect_dma source(%dma_start3A_123 : memref<100000x128xf32, #tpu.memory_space<hbm>>) target(%arg11 : memref<80x128xf32, #tpu.memory_space<vmem>>) offsets(%dma_start3A_120 : memref<80xi32, #tpu.memory_space<vmem>>) semaphore(%arg17 : memref<!tpu.dma_semaphore, #tpu.memory_space<semaphore_mem>>)
    %dma_wait3A_124 = arith.constant 480 : i32
    %dma_wait3A_125 = tpu.memref_slice %arg5[%dma_wait3A_124] : memref<1600xi32, #tpu.memory_space<vmem>> -> memref<80xi32, #tpu.memory_space<vmem>>
    %dma_wait3A_126 = arith.constant 0 : i32
    %dma_wait3A_127 = arith.constant 0 : i32
    %dma_wait3A_128 = tpu.memref_slice %arg2[%dma_wait3A_126, %dma_wait3A_127] : memref<100000x128xf32, #tpu.memory_space<hbm>> -> memref<100000x128xf32, #tpu.memory_space<hbm>>
    tpu.wait_indirect_dma semaphore(%arg12 : memref<!tpu.dma_semaphore, #tpu.memory_space<semaphore_mem>>) src(%dma_wait3A_128 : memref<100000x128xf32, #tpu.memory_space<hbm>>) dst(%arg6 : memref<80x128xf32, #tpu.memory_space<vmem>>)
    %gt3A_129 = arith.constant 6 : i32
    %gt3A_130 = arith.cmpi sgt, %select_n3A, %gt3A_129 : i32
    %convert_element_type3A_131 = arith.extui %gt3A_130 : i1 to i32
    %cond3A_132 = arith.constant 0 : i32
    %cond3A_133 = arith.cmpi ne, %convert_element_type3A_131, %cond3A_132 : i32
    scf.if %cond3A_133 {
      %add3A_304 = arith.constant 480 : i32
      %add3A_305 = arith.addi %add3A_8, %add3A_304 : i32
      "tpu.region"() ({
        %run_scoped3A = tpu.sem_alloc : memref<!tpu.dma_semaphore, #tpu.memory_space<semaphore_mem>>
        %dma_start3A_306 = arith.constant 0 : i32
        %dma_start3A_307 = tpu.memref_slice %arg4[%add3A_305, %dma_start3A_306] : memref<50000x128xf32, #tpu.memory_space<hbm>> -> memref<80x128xf32, #tpu.memory_space<hbm>>
        %dma_start3A_308 = arith.constant 0 : i32
        %dma_start3A_309 = tpu.memref_slice %arg4[%add3A_305, %dma_start3A_308] : memref<50000x128xf32, #tpu.memory_space<hbm>> -> memref<80x128xf32, #tpu.memory_space<hbm>>
        tpu.enqueue_dma source(%arg6 : memref<80x128xf32, #tpu.memory_space<vmem>>) target(%dma_start3A_309 : memref<80x128xf32, #tpu.memory_space<hbm>>) target_semaphore(%run_scoped3A : memref<!tpu.dma_semaphore, #tpu.memory_space<semaphore_mem>>)
        %dma_wait3A_310 = arith.constant 0 : i32
        %dma_wait3A_311 = tpu.memref_slice %arg4[%add3A_305, %dma_wait3A_310] : memref<50000x128xf32, #tpu.memory_space<hbm>> -> memref<80x128xf32, #tpu.memory_space<hbm>>
        %dma_wait3A_312 = arith.constant 0 : i32
        %dma_wait3A_313 = tpu.memref_slice %arg4[%add3A_305, %dma_wait3A_312] : memref<50000x128xf32, #tpu.memory_space<hbm>> -> memref<80x128xf32, #tpu.memory_space<hbm>>
        tpu.wait_dma2 semaphore(%run_scoped3A : memref<!tpu.dma_semaphore, #tpu.memory_space<semaphore_mem>>) src(%arg6 : memref<80x128xf32, #tpu.memory_space<vmem>>) dst(%dma_wait3A_313 : memref<80x128xf32, #tpu.memory_space<hbm>>)
        tpu.yield
      }) : () -> ()
    } else {
    }
    %dma_start3A_134 = arith.constant 960 : i32
    %dma_start3A_135 = tpu.memref_slice %arg5[%dma_start3A_134] : memref<1600xi32, #tpu.memory_space<vmem>> -> memref<80xi32, #tpu.memory_space<vmem>>
    %dma_start3A_136 = arith.constant 0 : i32
    %dma_start3A_137 = arith.constant 0 : i32
    %dma_start3A_138 = tpu.memref_slice %arg2[%dma_start3A_136, %dma_start3A_137] : memref<100000x128xf32, #tpu.memory_space<hbm>> -> memref<100000x128xf32, #tpu.memory_space<hbm>>
    tpu.enqueue_indirect_dma source(%dma_start3A_138 : memref<100000x128xf32, #tpu.memory_space<hbm>>) target(%arg6 : memref<80x128xf32, #tpu.memory_space<vmem>>) offsets(%dma_start3A_135 : memref<80xi32, #tpu.memory_space<vmem>>) semaphore(%arg12 : memref<!tpu.dma_semaphore, #tpu.memory_space<semaphore_mem>>)
    %dma_wait3A_139 = arith.constant 560 : i32
    %dma_wait3A_140 = tpu.memref_slice %arg5[%dma_wait3A_139] : memref<1600xi32, #tpu.memory_space<vmem>> -> memref<80xi32, #tpu.memory_space<vmem>>
    %dma_wait3A_141 = arith.constant 0 : i32
    %dma_wait3A_142 = arith.constant 0 : i32
    %dma_wait3A_143 = tpu.memref_slice %arg2[%dma_wait3A_141, %dma_wait3A_142] : memref<100000x128xf32, #tpu.memory_space<hbm>> -> memref<100000x128xf32, #tpu.memory_space<hbm>>
    tpu.wait_indirect_dma semaphore(%arg13 : memref<!tpu.dma_semaphore, #tpu.memory_space<semaphore_mem>>) src(%dma_wait3A_143 : memref<100000x128xf32, #tpu.memory_space<hbm>>) dst(%arg7 : memref<80x128xf32, #tpu.memory_space<vmem>>)
    %gt3A_144 = arith.constant 7 : i32
    %gt3A_145 = arith.cmpi sgt, %select_n3A, %gt3A_144 : i32
    %convert_element_type3A_146 = arith.extui %gt3A_145 : i1 to i32
    %cond3A_147 = arith.constant 0 : i32
    %cond3A_148 = arith.cmpi ne, %convert_element_type3A_146, %cond3A_147 : i32
    scf.if %cond3A_148 {
      %add3A_304 = arith.constant 560 : i32
      %add3A_305 = arith.addi %add3A_8, %add3A_304 : i32
      "tpu.region"() ({
        %run_scoped3A = tpu.sem_alloc : memref<!tpu.dma_semaphore, #tpu.memory_space<semaphore_mem>>
        %dma_start3A_306 = arith.constant 0 : i32
        %dma_start3A_307 = tpu.memref_slice %arg4[%add3A_305, %dma_start3A_306] : memref<50000x128xf32, #tpu.memory_space<hbm>> -> memref<80x128xf32, #tpu.memory_space<hbm>>
        %dma_start3A_308 = arith.constant 0 : i32
        %dma_start3A_309 = tpu.memref_slice %arg4[%add3A_305, %dma_start3A_308] : memref<50000x128xf32, #tpu.memory_space<hbm>> -> memref<80x128xf32, #tpu.memory_space<hbm>>
        tpu.enqueue_dma source(%arg7 : memref<80x128xf32, #tpu.memory_space<vmem>>) target(%dma_start3A_309 : memref<80x128xf32, #tpu.memory_space<hbm>>) target_semaphore(%run_scoped3A : memref<!tpu.dma_semaphore, #tpu.memory_space<semaphore_mem>>)
        %dma_wait3A_310 = arith.constant 0 : i32
        %dma_wait3A_311 = tpu.memref_slice %arg4[%add3A_305, %dma_wait3A_310] : memref<50000x128xf32, #tpu.memory_space<hbm>> -> memref<80x128xf32, #tpu.memory_space<hbm>>
        %dma_wait3A_312 = arith.constant 0 : i32
        %dma_wait3A_313 = tpu.memref_slice %arg4[%add3A_305, %dma_wait3A_312] : memref<50000x128xf32, #tpu.memory_space<hbm>> -> memref<80x128xf32, #tpu.memory_space<hbm>>
        tpu.wait_dma2 semaphore(%run_scoped3A : memref<!tpu.dma_semaphore, #tpu.memory_space<semaphore_mem>>) src(%arg7 : memref<80x128xf32, #tpu.memory_space<vmem>>) dst(%dma_wait3A_313 : memref<80x128xf32, #tpu.memory_space<hbm>>)
        tpu.yield
      }) : () -> ()
    } else {
    }
    %dma_start3A_149 = arith.constant 1040 : i32
    %dma_start3A_150 = tpu.memref_slice %arg5[%dma_start3A_149] : memref<1600xi32, #tpu.memory_space<vmem>> -> memref<80xi32, #tpu.memory_space<vmem>>
    %dma_start3A_151 = arith.constant 0 : i32
    %dma_start3A_152 = arith.constant 0 : i32
    %dma_start3A_153 = tpu.memref_slice %arg2[%dma_start3A_151, %dma_start3A_152] : memref<100000x128xf32, #tpu.memory_space<hbm>> -> memref<100000x128xf32, #tpu.memory_space<hbm>>
    tpu.enqueue_indirect_dma source(%dma_start3A_153 : memref<100000x128xf32, #tpu.memory_space<hbm>>) target(%arg7 : memref<80x128xf32, #tpu.memory_space<vmem>>) offsets(%dma_start3A_150 : memref<80xi32, #tpu.memory_space<vmem>>) semaphore(%arg13 : memref<!tpu.dma_semaphore, #tpu.memory_space<semaphore_mem>>)
    %dma_wait3A_154 = arith.constant 640 : i32
    %dma_wait3A_155 = tpu.memref_slice %arg5[%dma_wait3A_154] : memref<1600xi32, #tpu.memory_space<vmem>> -> memref<80xi32, #tpu.memory_space<vmem>>
    %dma_wait3A_156 = arith.constant 0 : i32
    %dma_wait3A_157 = arith.constant 0 : i32
    %dma_wait3A_158 = tpu.memref_slice %arg2[%dma_wait3A_156, %dma_wait3A_157] : memref<100000x128xf32, #tpu.memory_space<hbm>> -> memref<100000x128xf32, #tpu.memory_space<hbm>>
    tpu.wait_indirect_dma semaphore(%arg14 : memref<!tpu.dma_semaphore, #tpu.memory_space<semaphore_mem>>) src(%dma_wait3A_158 : memref<100000x128xf32, #tpu.memory_space<hbm>>) dst(%arg8 : memref<80x128xf32, #tpu.memory_space<vmem>>)
    %gt3A_159 = arith.constant 8 : i32
    %gt3A_160 = arith.cmpi sgt, %select_n3A, %gt3A_159 : i32
    %convert_element_type3A_161 = arith.extui %gt3A_160 : i1 to i32
    %cond3A_162 = arith.constant 0 : i32
    %cond3A_163 = arith.cmpi ne, %convert_element_type3A_161, %cond3A_162 : i32
    scf.if %cond3A_163 {
      %add3A_304 = arith.constant 640 : i32
      %add3A_305 = arith.addi %add3A_8, %add3A_304 : i32
      "tpu.region"() ({
        %run_scoped3A = tpu.sem_alloc : memref<!tpu.dma_semaphore, #tpu.memory_space<semaphore_mem>>
        %dma_start3A_306 = arith.constant 0 : i32
        %dma_start3A_307 = tpu.memref_slice %arg4[%add3A_305, %dma_start3A_306] : memref<50000x128xf32, #tpu.memory_space<hbm>> -> memref<80x128xf32, #tpu.memory_space<hbm>>
        %dma_start3A_308 = arith.constant 0 : i32
        %dma_start3A_309 = tpu.memref_slice %arg4[%add3A_305, %dma_start3A_308] : memref<50000x128xf32, #tpu.memory_space<hbm>> -> memref<80x128xf32, #tpu.memory_space<hbm>>
        tpu.enqueue_dma source(%arg8 : memref<80x128xf32, #tpu.memory_space<vmem>>) target(%dma_start3A_309 : memref<80x128xf32, #tpu.memory_space<hbm>>) target_semaphore(%run_scoped3A : memref<!tpu.dma_semaphore, #tpu.memory_space<semaphore_mem>>)
        %dma_wait3A_310 = arith.constant 0 : i32
        %dma_wait3A_311 = tpu.memref_slice %arg4[%add3A_305, %dma_wait3A_310] : memref<50000x128xf32, #tpu.memory_space<hbm>> -> memref<80x128xf32, #tpu.memory_space<hbm>>
        %dma_wait3A_312 = arith.constant 0 : i32
        %dma_wait3A_313 = tpu.memref_slice %arg4[%add3A_305, %dma_wait3A_312] : memref<50000x128xf32, #tpu.memory_space<hbm>> -> memref<80x128xf32, #tpu.memory_space<hbm>>
        tpu.wait_dma2 semaphore(%run_scoped3A : memref<!tpu.dma_semaphore, #tpu.memory_space<semaphore_mem>>) src(%arg8 : memref<80x128xf32, #tpu.memory_space<vmem>>) dst(%dma_wait3A_313 : memref<80x128xf32, #tpu.memory_space<hbm>>)
        tpu.yield
      }) : () -> ()
    } else {
    }
    %dma_start3A_164 = arith.constant 1120 : i32
    %dma_start3A_165 = tpu.memref_slice %arg5[%dma_start3A_164] : memref<1600xi32, #tpu.memory_space<vmem>> -> memref<80xi32, #tpu.memory_space<vmem>>
    %dma_start3A_166 = arith.constant 0 : i32
    %dma_start3A_167 = arith.constant 0 : i32
    %dma_start3A_168 = tpu.memref_slice %arg2[%dma_start3A_166, %dma_start3A_167] : memref<100000x128xf32, #tpu.memory_space<hbm>> -> memref<100000x128xf32, #tpu.memory_space<hbm>>
    tpu.enqueue_indirect_dma source(%dma_start3A_168 : memref<100000x128xf32, #tpu.memory_space<hbm>>) target(%arg8 : memref<80x128xf32, #tpu.memory_space<vmem>>) offsets(%dma_start3A_165 : memref<80xi32, #tpu.memory_space<vmem>>) semaphore(%arg14 : memref<!tpu.dma_semaphore, #tpu.memory_space<semaphore_mem>>)
    %dma_wait3A_169 = arith.constant 720 : i32
    %dma_wait3A_170 = tpu.memref_slice %arg5[%dma_wait3A_169] : memref<1600xi32, #tpu.memory_space<vmem>> -> memref<80xi32, #tpu.memory_space<vmem>>
    %dma_wait3A_171 = arith.constant 0 : i32
    %dma_wait3A_172 = arith.constant 0 : i32
    %dma_wait3A_173 = tpu.memref_slice %arg2[%dma_wait3A_171, %dma_wait3A_172] : memref<100000x128xf32, #tpu.memory_space<hbm>> -> memref<100000x128xf32, #tpu.memory_space<hbm>>
    tpu.wait_indirect_dma semaphore(%arg15 : memref<!tpu.dma_semaphore, #tpu.memory_space<semaphore_mem>>) src(%dma_wait3A_173 : memref<100000x128xf32, #tpu.memory_space<hbm>>) dst(%arg9 : memref<80x128xf32, #tpu.memory_space<vmem>>)
    %gt3A_174 = arith.constant 9 : i32
    %gt3A_175 = arith.cmpi sgt, %select_n3A, %gt3A_174 : i32
    %convert_element_type3A_176 = arith.extui %gt3A_175 : i1 to i32
    %cond3A_177 = arith.constant 0 : i32
    %cond3A_178 = arith.cmpi ne, %convert_element_type3A_176, %cond3A_177 : i32
    scf.if %cond3A_178 {
      %add3A_304 = arith.constant 720 : i32
      %add3A_305 = arith.addi %add3A_8, %add3A_304 : i32
      "tpu.region"() ({
        %run_scoped3A = tpu.sem_alloc : memref<!tpu.dma_semaphore, #tpu.memory_space<semaphore_mem>>
        %dma_start3A_306 = arith.constant 0 : i32
        %dma_start3A_307 = tpu.memref_slice %arg4[%add3A_305, %dma_start3A_306] : memref<50000x128xf32, #tpu.memory_space<hbm>> -> memref<80x128xf32, #tpu.memory_space<hbm>>
        %dma_start3A_308 = arith.constant 0 : i32
        %dma_start3A_309 = tpu.memref_slice %arg4[%add3A_305, %dma_start3A_308] : memref<50000x128xf32, #tpu.memory_space<hbm>> -> memref<80x128xf32, #tpu.memory_space<hbm>>
        tpu.enqueue_dma source(%arg9 : memref<80x128xf32, #tpu.memory_space<vmem>>) target(%dma_start3A_309 : memref<80x128xf32, #tpu.memory_space<hbm>>) target_semaphore(%run_scoped3A : memref<!tpu.dma_semaphore, #tpu.memory_space<semaphore_mem>>)
        %dma_wait3A_310 = arith.constant 0 : i32
        %dma_wait3A_311 = tpu.memref_slice %arg4[%add3A_305, %dma_wait3A_310] : memref<50000x128xf32, #tpu.memory_space<hbm>> -> memref<80x128xf32, #tpu.memory_space<hbm>>
        %dma_wait3A_312 = arith.constant 0 : i32
        %dma_wait3A_313 = tpu.memref_slice %arg4[%add3A_305, %dma_wait3A_312] : memref<50000x128xf32, #tpu.memory_space<hbm>> -> memref<80x128xf32, #tpu.memory_space<hbm>>
        tpu.wait_dma2 semaphore(%run_scoped3A : memref<!tpu.dma_semaphore, #tpu.memory_space<semaphore_mem>>) src(%arg9 : memref<80x128xf32, #tpu.memory_space<vmem>>) dst(%dma_wait3A_313 : memref<80x128xf32, #tpu.memory_space<hbm>>)
        tpu.yield
      }) : () -> ()
    } else {
    }
    %dma_start3A_179 = arith.constant 1200 : i32
    %dma_start3A_180 = tpu.memref_slice %arg5[%dma_start3A_179] : memref<1600xi32, #tpu.memory_space<vmem>> -> memref<80xi32, #tpu.memory_space<vmem>>
    %dma_start3A_181 = arith.constant 0 : i32
    %dma_start3A_182 = arith.constant 0 : i32
    %dma_start3A_183 = tpu.memref_slice %arg2[%dma_start3A_181, %dma_start3A_182] : memref<100000x128xf32, #tpu.memory_space<hbm>> -> memref<100000x128xf32, #tpu.memory_space<hbm>>
    tpu.enqueue_indirect_dma source(%dma_start3A_183 : memref<100000x128xf32, #tpu.memory_space<hbm>>) target(%arg9 : memref<80x128xf32, #tpu.memory_space<vmem>>) offsets(%dma_start3A_180 : memref<80xi32, #tpu.memory_space<vmem>>) semaphore(%arg15 : memref<!tpu.dma_semaphore, #tpu.memory_space<semaphore_mem>>)
    %dma_wait3A_184 = arith.constant 800 : i32
    %dma_wait3A_185 = tpu.memref_slice %arg5[%dma_wait3A_184] : memref<1600xi32, #tpu.memory_space<vmem>> -> memref<80xi32, #tpu.memory_space<vmem>>
    %dma_wait3A_186 = arith.constant 0 : i32
    %dma_wait3A_187 = arith.constant 0 : i32
    %dma_wait3A_188 = tpu.memref_slice %arg2[%dma_wait3A_186, %dma_wait3A_187] : memref<100000x128xf32, #tpu.memory_space<hbm>> -> memref<100000x128xf32, #tpu.memory_space<hbm>>
    tpu.wait_indirect_dma semaphore(%arg16 : memref<!tpu.dma_semaphore, #tpu.memory_space<semaphore_mem>>) src(%dma_wait3A_188 : memref<100000x128xf32, #tpu.memory_space<hbm>>) dst(%arg10 : memref<80x128xf32, #tpu.memory_space<vmem>>)
    %gt3A_189 = arith.constant 10 : i32
    %gt3A_190 = arith.cmpi sgt, %select_n3A, %gt3A_189 : i32
    %convert_element_type3A_191 = arith.extui %gt3A_190 : i1 to i32
    %cond3A_192 = arith.constant 0 : i32
    %cond3A_193 = arith.cmpi ne, %convert_element_type3A_191, %cond3A_192 : i32
    scf.if %cond3A_193 {
      %add3A_304 = arith.constant 800 : i32
      %add3A_305 = arith.addi %add3A_8, %add3A_304 : i32
      "tpu.region"() ({
        %run_scoped3A = tpu.sem_alloc : memref<!tpu.dma_semaphore, #tpu.memory_space<semaphore_mem>>
        %dma_start3A_306 = arith.constant 0 : i32
        %dma_start3A_307 = tpu.memref_slice %arg4[%add3A_305, %dma_start3A_306] : memref<50000x128xf32, #tpu.memory_space<hbm>> -> memref<80x128xf32, #tpu.memory_space<hbm>>
        %dma_start3A_308 = arith.constant 0 : i32
        %dma_start3A_309 = tpu.memref_slice %arg4[%add3A_305, %dma_start3A_308] : memref<50000x128xf32, #tpu.memory_space<hbm>> -> memref<80x128xf32, #tpu.memory_space<hbm>>
        tpu.enqueue_dma source(%arg10 : memref<80x128xf32, #tpu.memory_space<vmem>>) target(%dma_start3A_309 : memref<80x128xf32, #tpu.memory_space<hbm>>) target_semaphore(%run_scoped3A : memref<!tpu.dma_semaphore, #tpu.memory_space<semaphore_mem>>)
        %dma_wait3A_310 = arith.constant 0 : i32
        %dma_wait3A_311 = tpu.memref_slice %arg4[%add3A_305, %dma_wait3A_310] : memref<50000x128xf32, #tpu.memory_space<hbm>> -> memref<80x128xf32, #tpu.memory_space<hbm>>
        %dma_wait3A_312 = arith.constant 0 : i32
        %dma_wait3A_313 = tpu.memref_slice %arg4[%add3A_305, %dma_wait3A_312] : memref<50000x128xf32, #tpu.memory_space<hbm>> -> memref<80x128xf32, #tpu.memory_space<hbm>>
        tpu.wait_dma2 semaphore(%run_scoped3A : memref<!tpu.dma_semaphore, #tpu.memory_space<semaphore_mem>>) src(%arg10 : memref<80x128xf32, #tpu.memory_space<vmem>>) dst(%dma_wait3A_313 : memref<80x128xf32, #tpu.memory_space<hbm>>)
        tpu.yield
      }) : () -> ()
    } else {
    }
    %dma_start3A_194 = arith.constant 1280 : i32
    %dma_start3A_195 = tpu.memref_slice %arg5[%dma_start3A_194] : memref<1600xi32, #tpu.memory_space<vmem>> -> memref<80xi32, #tpu.memory_space<vmem>>
    %dma_start3A_196 = arith.constant 0 : i32
    %dma_start3A_197 = arith.constant 0 : i32
    %dma_start3A_198 = tpu.memref_slice %arg2[%dma_start3A_196, %dma_start3A_197] : memref<100000x128xf32, #tpu.memory_space<hbm>> -> memref<100000x128xf32, #tpu.memory_space<hbm>>
    tpu.enqueue_indirect_dma source(%dma_start3A_198 : memref<100000x128xf32, #tpu.memory_space<hbm>>) target(%arg10 : memref<80x128xf32, #tpu.memory_space<vmem>>) offsets(%dma_start3A_195 : memref<80xi32, #tpu.memory_space<vmem>>) semaphore(%arg16 : memref<!tpu.dma_semaphore, #tpu.memory_space<semaphore_mem>>)
    %dma_wait3A_199 = arith.constant 880 : i32
    %dma_wait3A_200 = tpu.memref_slice %arg5[%dma_wait3A_199] : memref<1600xi32, #tpu.memory_space<vmem>> -> memref<80xi32, #tpu.memory_space<vmem>>
    %dma_wait3A_201 = arith.constant 0 : i32
    %dma_wait3A_202 = arith.constant 0 : i32
    %dma_wait3A_203 = tpu.memref_slice %arg2[%dma_wait3A_201, %dma_wait3A_202] : memref<100000x128xf32, #tpu.memory_space<hbm>> -> memref<100000x128xf32, #tpu.memory_space<hbm>>
    tpu.wait_indirect_dma semaphore(%arg17 : memref<!tpu.dma_semaphore, #tpu.memory_space<semaphore_mem>>) src(%dma_wait3A_203 : memref<100000x128xf32, #tpu.memory_space<hbm>>) dst(%arg11 : memref<80x128xf32, #tpu.memory_space<vmem>>)
    %gt3A_204 = arith.constant 11 : i32
    %gt3A_205 = arith.cmpi sgt, %select_n3A, %gt3A_204 : i32
    %convert_element_type3A_206 = arith.extui %gt3A_205 : i1 to i32
    %cond3A_207 = arith.constant 0 : i32
    %cond3A_208 = arith.cmpi ne, %convert_element_type3A_206, %cond3A_207 : i32
    scf.if %cond3A_208 {
      %add3A_304 = arith.constant 880 : i32
      %add3A_305 = arith.addi %add3A_8, %add3A_304 : i32
      "tpu.region"() ({
        %run_scoped3A = tpu.sem_alloc : memref<!tpu.dma_semaphore, #tpu.memory_space<semaphore_mem>>
        %dma_start3A_306 = arith.constant 0 : i32
        %dma_start3A_307 = tpu.memref_slice %arg4[%add3A_305, %dma_start3A_306] : memref<50000x128xf32, #tpu.memory_space<hbm>> -> memref<80x128xf32, #tpu.memory_space<hbm>>
        %dma_start3A_308 = arith.constant 0 : i32
        %dma_start3A_309 = tpu.memref_slice %arg4[%add3A_305, %dma_start3A_308] : memref<50000x128xf32, #tpu.memory_space<hbm>> -> memref<80x128xf32, #tpu.memory_space<hbm>>
        tpu.enqueue_dma source(%arg11 : memref<80x128xf32, #tpu.memory_space<vmem>>) target(%dma_start3A_309 : memref<80x128xf32, #tpu.memory_space<hbm>>) target_semaphore(%run_scoped3A : memref<!tpu.dma_semaphore, #tpu.memory_space<semaphore_mem>>)
        %dma_wait3A_310 = arith.constant 0 : i32
        %dma_wait3A_311 = tpu.memref_slice %arg4[%add3A_305, %dma_wait3A_310] : memref<50000x128xf32, #tpu.memory_space<hbm>> -> memref<80x128xf32, #tpu.memory_space<hbm>>
        %dma_wait3A_312 = arith.constant 0 : i32
        %dma_wait3A_313 = tpu.memref_slice %arg4[%add3A_305, %dma_wait3A_312] : memref<50000x128xf32, #tpu.memory_space<hbm>> -> memref<80x128xf32, #tpu.memory_space<hbm>>
        tpu.wait_dma2 semaphore(%run_scoped3A : memref<!tpu.dma_semaphore, #tpu.memory_space<semaphore_mem>>) src(%arg11 : memref<80x128xf32, #tpu.memory_space<vmem>>) dst(%dma_wait3A_313 : memref<80x128xf32, #tpu.memory_space<hbm>>)
        tpu.yield
      }) : () -> ()
    } else {
    }
    %dma_start3A_209 = arith.constant 1360 : i32
    %dma_start3A_210 = tpu.memref_slice %arg5[%dma_start3A_209] : memref<1600xi32, #tpu.memory_space<vmem>> -> memref<80xi32, #tpu.memory_space<vmem>>
    %dma_start3A_211 = arith.constant 0 : i32
    %dma_start3A_212 = arith.constant 0 : i32
    %dma_start3A_213 = tpu.memref_slice %arg2[%dma_start3A_211, %dma_start3A_212] : memref<100000x128xf32, #tpu.memory_space<hbm>> -> memref<100000x128xf32, #tpu.memory_space<hbm>>
    tpu.enqueue_indirect_dma source(%dma_start3A_213 : memref<100000x128xf32, #tpu.memory_space<hbm>>) target(%arg11 : memref<80x128xf32, #tpu.memory_space<vmem>>) offsets(%dma_start3A_210 : memref<80xi32, #tpu.memory_space<vmem>>) semaphore(%arg17 : memref<!tpu.dma_semaphore, #tpu.memory_space<semaphore_mem>>)
    %dma_wait3A_214 = arith.constant 960 : i32
    %dma_wait3A_215 = tpu.memref_slice %arg5[%dma_wait3A_214] : memref<1600xi32, #tpu.memory_space<vmem>> -> memref<80xi32, #tpu.memory_space<vmem>>
    %dma_wait3A_216 = arith.constant 0 : i32
    %dma_wait3A_217 = arith.constant 0 : i32
    %dma_wait3A_218 = tpu.memref_slice %arg2[%dma_wait3A_216, %dma_wait3A_217] : memref<100000x128xf32, #tpu.memory_space<hbm>> -> memref<100000x128xf32, #tpu.memory_space<hbm>>
    tpu.wait_indirect_dma semaphore(%arg12 : memref<!tpu.dma_semaphore, #tpu.memory_space<semaphore_mem>>) src(%dma_wait3A_218 : memref<100000x128xf32, #tpu.memory_space<hbm>>) dst(%arg6 : memref<80x128xf32, #tpu.memory_space<vmem>>)
    %gt3A_219 = arith.constant 12 : i32
    %gt3A_220 = arith.cmpi sgt, %select_n3A, %gt3A_219 : i32
    %convert_element_type3A_221 = arith.extui %gt3A_220 : i1 to i32
    %cond3A_222 = arith.constant 0 : i32
    %cond3A_223 = arith.cmpi ne, %convert_element_type3A_221, %cond3A_222 : i32
    scf.if %cond3A_223 {
      %add3A_304 = arith.constant 960 : i32
      %add3A_305 = arith.addi %add3A_8, %add3A_304 : i32
      "tpu.region"() ({
        %run_scoped3A = tpu.sem_alloc : memref<!tpu.dma_semaphore, #tpu.memory_space<semaphore_mem>>
        %dma_start3A_306 = arith.constant 0 : i32
        %dma_start3A_307 = tpu.memref_slice %arg4[%add3A_305, %dma_start3A_306] : memref<50000x128xf32, #tpu.memory_space<hbm>> -> memref<80x128xf32, #tpu.memory_space<hbm>>
        %dma_start3A_308 = arith.constant 0 : i32
        %dma_start3A_309 = tpu.memref_slice %arg4[%add3A_305, %dma_start3A_308] : memref<50000x128xf32, #tpu.memory_space<hbm>> -> memref<80x128xf32, #tpu.memory_space<hbm>>
        tpu.enqueue_dma source(%arg6 : memref<80x128xf32, #tpu.memory_space<vmem>>) target(%dma_start3A_309 : memref<80x128xf32, #tpu.memory_space<hbm>>) target_semaphore(%run_scoped3A : memref<!tpu.dma_semaphore, #tpu.memory_space<semaphore_mem>>)
        %dma_wait3A_310 = arith.constant 0 : i32
        %dma_wait3A_311 = tpu.memref_slice %arg4[%add3A_305, %dma_wait3A_310] : memref<50000x128xf32, #tpu.memory_space<hbm>> -> memref<80x128xf32, #tpu.memory_space<hbm>>
        %dma_wait3A_312 = arith.constant 0 : i32
        %dma_wait3A_313 = tpu.memref_slice %arg4[%add3A_305, %dma_wait3A_312] : memref<50000x128xf32, #tpu.memory_space<hbm>> -> memref<80x128xf32, #tpu.memory_space<hbm>>
        tpu.wait_dma2 semaphore(%run_scoped3A : memref<!tpu.dma_semaphore, #tpu.memory_space<semaphore_mem>>) src(%arg6 : memref<80x128xf32, #tpu.memory_space<vmem>>) dst(%dma_wait3A_313 : memref<80x128xf32, #tpu.memory_space<hbm>>)
        tpu.yield
      }) : () -> ()
    } else {
    }
    %dma_start3A_224 = arith.constant 1440 : i32
    %dma_start3A_225 = tpu.memref_slice %arg5[%dma_start3A_224] : memref<1600xi32, #tpu.memory_space<vmem>> -> memref<80xi32, #tpu.memory_space<vmem>>
    %dma_start3A_226 = arith.constant 0 : i32
    %dma_start3A_227 = arith.constant 0 : i32
    %dma_start3A_228 = tpu.memref_slice %arg2[%dma_start3A_226, %dma_start3A_227] : memref<100000x128xf32, #tpu.memory_space<hbm>> -> memref<100000x128xf32, #tpu.memory_space<hbm>>
    tpu.enqueue_indirect_dma source(%dma_start3A_228 : memref<100000x128xf32, #tpu.memory_space<hbm>>) target(%arg6 : memref<80x128xf32, #tpu.memory_space<vmem>>) offsets(%dma_start3A_225 : memref<80xi32, #tpu.memory_space<vmem>>) semaphore(%arg12 : memref<!tpu.dma_semaphore, #tpu.memory_space<semaphore_mem>>)
    %dma_wait3A_229 = arith.constant 1040 : i32
    %dma_wait3A_230 = tpu.memref_slice %arg5[%dma_wait3A_229] : memref<1600xi32, #tpu.memory_space<vmem>> -> memref<80xi32, #tpu.memory_space<vmem>>
    %dma_wait3A_231 = arith.constant 0 : i32
    %dma_wait3A_232 = arith.constant 0 : i32
    %dma_wait3A_233 = tpu.memref_slice %arg2[%dma_wait3A_231, %dma_wait3A_232] : memref<100000x128xf32, #tpu.memory_space<hbm>> -> memref<100000x128xf32, #tpu.memory_space<hbm>>
    tpu.wait_indirect_dma semaphore(%arg13 : memref<!tpu.dma_semaphore, #tpu.memory_space<semaphore_mem>>) src(%dma_wait3A_233 : memref<100000x128xf32, #tpu.memory_space<hbm>>) dst(%arg7 : memref<80x128xf32, #tpu.memory_space<vmem>>)
    %gt3A_234 = arith.constant 13 : i32
    %gt3A_235 = arith.cmpi sgt, %select_n3A, %gt3A_234 : i32
    %convert_element_type3A_236 = arith.extui %gt3A_235 : i1 to i32
    %cond3A_237 = arith.constant 0 : i32
    %cond3A_238 = arith.cmpi ne, %convert_element_type3A_236, %cond3A_237 : i32
    scf.if %cond3A_238 {
      %add3A_304 = arith.constant 1040 : i32
      %add3A_305 = arith.addi %add3A_8, %add3A_304 : i32
      "tpu.region"() ({
        %run_scoped3A = tpu.sem_alloc : memref<!tpu.dma_semaphore, #tpu.memory_space<semaphore_mem>>
        %dma_start3A_306 = arith.constant 0 : i32
        %dma_start3A_307 = tpu.memref_slice %arg4[%add3A_305, %dma_start3A_306] : memref<50000x128xf32, #tpu.memory_space<hbm>> -> memref<80x128xf32, #tpu.memory_space<hbm>>
        %dma_start3A_308 = arith.constant 0 : i32
        %dma_start3A_309 = tpu.memref_slice %arg4[%add3A_305, %dma_start3A_308] : memref<50000x128xf32, #tpu.memory_space<hbm>> -> memref<80x128xf32, #tpu.memory_space<hbm>>
        tpu.enqueue_dma source(%arg7 : memref<80x128xf32, #tpu.memory_space<vmem>>) target(%dma_start3A_309 : memref<80x128xf32, #tpu.memory_space<hbm>>) target_semaphore(%run_scoped3A : memref<!tpu.dma_semaphore, #tpu.memory_space<semaphore_mem>>)
        %dma_wait3A_310 = arith.constant 0 : i32
        %dma_wait3A_311 = tpu.memref_slice %arg4[%add3A_305, %dma_wait3A_310] : memref<50000x128xf32, #tpu.memory_space<hbm>> -> memref<80x128xf32, #tpu.memory_space<hbm>>
        %dma_wait3A_312 = arith.constant 0 : i32
        %dma_wait3A_313 = tpu.memref_slice %arg4[%add3A_305, %dma_wait3A_312] : memref<50000x128xf32, #tpu.memory_space<hbm>> -> memref<80x128xf32, #tpu.memory_space<hbm>>
        tpu.wait_dma2 semaphore(%run_scoped3A : memref<!tpu.dma_semaphore, #tpu.memory_space<semaphore_mem>>) src(%arg7 : memref<80x128xf32, #tpu.memory_space<vmem>>) dst(%dma_wait3A_313 : memref<80x128xf32, #tpu.memory_space<hbm>>)
        tpu.yield
      }) : () -> ()
    } else {
    }
    %dma_start3A_239 = arith.constant 1520 : i32
    %dma_start3A_240 = tpu.memref_slice %arg5[%dma_start3A_239] : memref<1600xi32, #tpu.memory_space<vmem>> -> memref<80xi32, #tpu.memory_space<vmem>>
    %dma_start3A_241 = arith.constant 0 : i32
    %dma_start3A_242 = arith.constant 0 : i32
    %dma_start3A_243 = tpu.memref_slice %arg2[%dma_start3A_241, %dma_start3A_242] : memref<100000x128xf32, #tpu.memory_space<hbm>> -> memref<100000x128xf32, #tpu.memory_space<hbm>>
    tpu.enqueue_indirect_dma source(%dma_start3A_243 : memref<100000x128xf32, #tpu.memory_space<hbm>>) target(%arg7 : memref<80x128xf32, #tpu.memory_space<vmem>>) offsets(%dma_start3A_240 : memref<80xi32, #tpu.memory_space<vmem>>) semaphore(%arg13 : memref<!tpu.dma_semaphore, #tpu.memory_space<semaphore_mem>>)
    %dma_wait3A_244 = arith.constant 1120 : i32
    %dma_wait3A_245 = tpu.memref_slice %arg5[%dma_wait3A_244] : memref<1600xi32, #tpu.memory_space<vmem>> -> memref<80xi32, #tpu.memory_space<vmem>>
    %dma_wait3A_246 = arith.constant 0 : i32
    %dma_wait3A_247 = arith.constant 0 : i32
    %dma_wait3A_248 = tpu.memref_slice %arg2[%dma_wait3A_246, %dma_wait3A_247] : memref<100000x128xf32, #tpu.memory_space<hbm>> -> memref<100000x128xf32, #tpu.memory_space<hbm>>
    tpu.wait_indirect_dma semaphore(%arg14 : memref<!tpu.dma_semaphore, #tpu.memory_space<semaphore_mem>>) src(%dma_wait3A_248 : memref<100000x128xf32, #tpu.memory_space<hbm>>) dst(%arg8 : memref<80x128xf32, #tpu.memory_space<vmem>>)
    %gt3A_249 = arith.constant 14 : i32
    %gt3A_250 = arith.cmpi sgt, %select_n3A, %gt3A_249 : i32
    %convert_element_type3A_251 = arith.extui %gt3A_250 : i1 to i32
    %cond3A_252 = arith.constant 0 : i32
    %cond3A_253 = arith.cmpi ne, %convert_element_type3A_251, %cond3A_252 : i32
    scf.if %cond3A_253 {
      %add3A_304 = arith.constant 1120 : i32
      %add3A_305 = arith.addi %add3A_8, %add3A_304 : i32
      "tpu.region"() ({
        %run_scoped3A = tpu.sem_alloc : memref<!tpu.dma_semaphore, #tpu.memory_space<semaphore_mem>>
        %dma_start3A_306 = arith.constant 0 : i32
        %dma_start3A_307 = tpu.memref_slice %arg4[%add3A_305, %dma_start3A_306] : memref<50000x128xf32, #tpu.memory_space<hbm>> -> memref<80x128xf32, #tpu.memory_space<hbm>>
        %dma_start3A_308 = arith.constant 0 : i32
        %dma_start3A_309 = tpu.memref_slice %arg4[%add3A_305, %dma_start3A_308] : memref<50000x128xf32, #tpu.memory_space<hbm>> -> memref<80x128xf32, #tpu.memory_space<hbm>>
        tpu.enqueue_dma source(%arg8 : memref<80x128xf32, #tpu.memory_space<vmem>>) target(%dma_start3A_309 : memref<80x128xf32, #tpu.memory_space<hbm>>) target_semaphore(%run_scoped3A : memref<!tpu.dma_semaphore, #tpu.memory_space<semaphore_mem>>)
        %dma_wait3A_310 = arith.constant 0 : i32
        %dma_wait3A_311 = tpu.memref_slice %arg4[%add3A_305, %dma_wait3A_310] : memref<50000x128xf32, #tpu.memory_space<hbm>> -> memref<80x128xf32, #tpu.memory_space<hbm>>
        %dma_wait3A_312 = arith.constant 0 : i32
        %dma_wait3A_313 = tpu.memref_slice %arg4[%add3A_305, %dma_wait3A_312] : memref<50000x128xf32, #tpu.memory_space<hbm>> -> memref<80x128xf32, #tpu.memory_space<hbm>>
        tpu.wait_dma2 semaphore(%run_scoped3A : memref<!tpu.dma_semaphore, #tpu.memory_space<semaphore_mem>>) src(%arg8 : memref<80x128xf32, #tpu.memory_space<vmem>>) dst(%dma_wait3A_313 : memref<80x128xf32, #tpu.memory_space<hbm>>)
        tpu.yield
      }) : () -> ()
    } else {
    }
    %dma_wait3A_254 = arith.constant 1200 : i32
    %dma_wait3A_255 = tpu.memref_slice %arg5[%dma_wait3A_254] : memref<1600xi32, #tpu.memory_space<vmem>> -> memref<80xi32, #tpu.memory_space<vmem>>
    %dma_wait3A_256 = arith.constant 0 : i32
    %dma_wait3A_257 = arith.constant 0 : i32
    %dma_wait3A_258 = tpu.memref_slice %arg2[%dma_wait3A_256, %dma_wait3A_257] : memref<100000x128xf32, #tpu.memory_space<hbm>> -> memref<100000x128xf32, #tpu.memory_space<hbm>>
    tpu.wait_indirect_dma semaphore(%arg15 : memref<!tpu.dma_semaphore, #tpu.memory_space<semaphore_mem>>) src(%dma_wait3A_258 : memref<100000x128xf32, #tpu.memory_space<hbm>>) dst(%arg9 : memref<80x128xf32, #tpu.memory_space<vmem>>)
    %gt3A_259 = arith.constant 15 : i32
    %gt3A_260 = arith.cmpi sgt, %select_n3A, %gt3A_259 : i32
    %convert_element_type3A_261 = arith.extui %gt3A_260 : i1 to i32
    %cond3A_262 = arith.constant 0 : i32
    %cond3A_263 = arith.cmpi ne, %convert_element_type3A_261, %cond3A_262 : i32
    scf.if %cond3A_263 {
      %add3A_304 = arith.constant 1200 : i32
      %add3A_305 = arith.addi %add3A_8, %add3A_304 : i32
      "tpu.region"() ({
        %run_scoped3A = tpu.sem_alloc : memref<!tpu.dma_semaphore, #tpu.memory_space<semaphore_mem>>
        %dma_start3A_306 = arith.constant 0 : i32
        %dma_start3A_307 = tpu.memref_slice %arg4[%add3A_305, %dma_start3A_306] : memref<50000x128xf32, #tpu.memory_space<hbm>> -> memref<80x128xf32, #tpu.memory_space<hbm>>
        %dma_start3A_308 = arith.constant 0 : i32
        %dma_start3A_309 = tpu.memref_slice %arg4[%add3A_305, %dma_start3A_308] : memref<50000x128xf32, #tpu.memory_space<hbm>> -> memref<80x128xf32, #tpu.memory_space<hbm>>
        tpu.enqueue_dma source(%arg9 : memref<80x128xf32, #tpu.memory_space<vmem>>) target(%dma_start3A_309 : memref<80x128xf32, #tpu.memory_space<hbm>>) target_semaphore(%run_scoped3A : memref<!tpu.dma_semaphore, #tpu.memory_space<semaphore_mem>>)
        %dma_wait3A_310 = arith.constant 0 : i32
        %dma_wait3A_311 = tpu.memref_slice %arg4[%add3A_305, %dma_wait3A_310] : memref<50000x128xf32, #tpu.memory_space<hbm>> -> memref<80x128xf32, #tpu.memory_space<hbm>>
        %dma_wait3A_312 = arith.constant 0 : i32
        %dma_wait3A_313 = tpu.memref_slice %arg4[%add3A_305, %dma_wait3A_312] : memref<50000x128xf32, #tpu.memory_space<hbm>> -> memref<80x128xf32, #tpu.memory_space<hbm>>
        tpu.wait_dma2 semaphore(%run_scoped3A : memref<!tpu.dma_semaphore, #tpu.memory_space<semaphore_mem>>) src(%arg9 : memref<80x128xf32, #tpu.memory_space<vmem>>) dst(%dma_wait3A_313 : memref<80x128xf32, #tpu.memory_space<hbm>>)
        tpu.yield
      }) : () -> ()
    } else {
    }
    %dma_wait3A_264 = arith.constant 1280 : i32
    %dma_wait3A_265 = tpu.memref_slice %arg5[%dma_wait3A_264] : memref<1600xi32, #tpu.memory_space<vmem>> -> memref<80xi32, #tpu.memory_space<vmem>>
    %dma_wait3A_266 = arith.constant 0 : i32
    %dma_wait3A_267 = arith.constant 0 : i32
    %dma_wait3A_268 = tpu.memref_slice %arg2[%dma_wait3A_266, %dma_wait3A_267] : memref<100000x128xf32, #tpu.memory_space<hbm>> -> memref<100000x128xf32, #tpu.memory_space<hbm>>
    tpu.wait_indirect_dma semaphore(%arg16 : memref<!tpu.dma_semaphore, #tpu.memory_space<semaphore_mem>>) src(%dma_wait3A_268 : memref<100000x128xf32, #tpu.memory_space<hbm>>) dst(%arg10 : memref<80x128xf32, #tpu.memory_space<vmem>>)
    %gt3A_269 = arith.constant 16 : i32
    %gt3A_270 = arith.cmpi sgt, %select_n3A, %gt3A_269 : i32
    %convert_element_type3A_271 = arith.extui %gt3A_270 : i1 to i32
    %cond3A_272 = arith.constant 0 : i32
    %cond3A_273 = arith.cmpi ne, %convert_element_type3A_271, %cond3A_272 : i32
    scf.if %cond3A_273 {
      %add3A_304 = arith.constant 1280 : i32
      %add3A_305 = arith.addi %add3A_8, %add3A_304 : i32
      "tpu.region"() ({
        %run_scoped3A = tpu.sem_alloc : memref<!tpu.dma_semaphore, #tpu.memory_space<semaphore_mem>>
        %dma_start3A_306 = arith.constant 0 : i32
        %dma_start3A_307 = tpu.memref_slice %arg4[%add3A_305, %dma_start3A_306] : memref<50000x128xf32, #tpu.memory_space<hbm>> -> memref<80x128xf32, #tpu.memory_space<hbm>>
        %dma_start3A_308 = arith.constant 0 : i32
        %dma_start3A_309 = tpu.memref_slice %arg4[%add3A_305, %dma_start3A_308] : memref<50000x128xf32, #tpu.memory_space<hbm>> -> memref<80x128xf32, #tpu.memory_space<hbm>>
        tpu.enqueue_dma source(%arg10 : memref<80x128xf32, #tpu.memory_space<vmem>>) target(%dma_start3A_309 : memref<80x128xf32, #tpu.memory_space<hbm>>) target_semaphore(%run_scoped3A : memref<!tpu.dma_semaphore, #tpu.memory_space<semaphore_mem>>)
        %dma_wait3A_310 = arith.constant 0 : i32
        %dma_wait3A_311 = tpu.memref_slice %arg4[%add3A_305, %dma_wait3A_310] : memref<50000x128xf32, #tpu.memory_space<hbm>> -> memref<80x128xf32, #tpu.memory_space<hbm>>
        %dma_wait3A_312 = arith.constant 0 : i32
        %dma_wait3A_313 = tpu.memref_slice %arg4[%add3A_305, %dma_wait3A_312] : memref<50000x128xf32, #tpu.memory_space<hbm>> -> memref<80x128xf32, #tpu.memory_space<hbm>>
        tpu.wait_dma2 semaphore(%run_scoped3A : memref<!tpu.dma_semaphore, #tpu.memory_space<semaphore_mem>>) src(%arg10 : memref<80x128xf32, #tpu.memory_space<vmem>>) dst(%dma_wait3A_313 : memref<80x128xf32, #tpu.memory_space<hbm>>)
        tpu.yield
      }) : () -> ()
    } else {
    }
    %dma_wait3A_274 = arith.constant 1360 : i32
    %dma_wait3A_275 = tpu.memref_slice %arg5[%dma_wait3A_274] : memref<1600xi32, #tpu.memory_space<vmem>> -> memref<80xi32, #tpu.memory_space<vmem>>
    %dma_wait3A_276 = arith.constant 0 : i32
    %dma_wait3A_277 = arith.constant 0 : i32
    %dma_wait3A_278 = tpu.memref_slice %arg2[%dma_wait3A_276, %dma_wait3A_277] : memref<100000x128xf32, #tpu.memory_space<hbm>> -> memref<100000x128xf32, #tpu.memory_space<hbm>>
    tpu.wait_indirect_dma semaphore(%arg17 : memref<!tpu.dma_semaphore, #tpu.memory_space<semaphore_mem>>) src(%dma_wait3A_278 : memref<100000x128xf32, #tpu.memory_space<hbm>>) dst(%arg11 : memref<80x128xf32, #tpu.memory_space<vmem>>)
    %gt3A_279 = arith.constant 17 : i32
    %gt3A_280 = arith.cmpi sgt, %select_n3A, %gt3A_279 : i32
    %convert_element_type3A_281 = arith.extui %gt3A_280 : i1 to i32
    %cond3A_282 = arith.constant 0 : i32
    %cond3A_283 = arith.cmpi ne, %convert_element_type3A_281, %cond3A_282 : i32
    scf.if %cond3A_283 {
      %add3A_304 = arith.constant 1360 : i32
      %add3A_305 = arith.addi %add3A_8, %add3A_304 : i32
      "tpu.region"() ({
        %run_scoped3A = tpu.sem_alloc : memref<!tpu.dma_semaphore, #tpu.memory_space<semaphore_mem>>
        %dma_start3A_306 = arith.constant 0 : i32
        %dma_start3A_307 = tpu.memref_slice %arg4[%add3A_305, %dma_start3A_306] : memref<50000x128xf32, #tpu.memory_space<hbm>> -> memref<80x128xf32, #tpu.memory_space<hbm>>
        %dma_start3A_308 = arith.constant 0 : i32
        %dma_start3A_309 = tpu.memref_slice %arg4[%add3A_305, %dma_start3A_308] : memref<50000x128xf32, #tpu.memory_space<hbm>> -> memref<80x128xf32, #tpu.memory_space<hbm>>
        tpu.enqueue_dma source(%arg11 : memref<80x128xf32, #tpu.memory_space<vmem>>) target(%dma_start3A_309 : memref<80x128xf32, #tpu.memory_space<hbm>>) target_semaphore(%run_scoped3A : memref<!tpu.dma_semaphore, #tpu.memory_space<semaphore_mem>>)
        %dma_wait3A_310 = arith.constant 0 : i32
        %dma_wait3A_311 = tpu.memref_slice %arg4[%add3A_305, %dma_wait3A_310] : memref<50000x128xf32, #tpu.memory_space<hbm>> -> memref<80x128xf32, #tpu.memory_space<hbm>>
        %dma_wait3A_312 = arith.constant 0 : i32
        %dma_wait3A_313 = tpu.memref_slice %arg4[%add3A_305, %dma_wait3A_312] : memref<50000x128xf32, #tpu.memory_space<hbm>> -> memref<80x128xf32, #tpu.memory_space<hbm>>
        tpu.wait_dma2 semaphore(%run_scoped3A : memref<!tpu.dma_semaphore, #tpu.memory_space<semaphore_mem>>) src(%arg11 : memref<80x128xf32, #tpu.memory_space<vmem>>) dst(%dma_wait3A_313 : memref<80x128xf32, #tpu.memory_space<hbm>>)
        tpu.yield
      }) : () -> ()
    } else {
    }
    %dma_wait3A_284 = arith.constant 1440 : i32
    %dma_wait3A_285 = tpu.memref_slice %arg5[%dma_wait3A_284] : memref<1600xi32, #tpu.memory_space<vmem>> -> memref<80xi32, #tpu.memory_space<vmem>>
    %dma_wait3A_286 = arith.constant 0 : i32
    %dma_wait3A_287 = arith.constant 0 : i32
    %dma_wait3A_288 = tpu.memref_slice %arg2[%dma_wait3A_286, %dma_wait3A_287] : memref<100000x128xf32, #tpu.memory_space<hbm>> -> memref<100000x128xf32, #tpu.memory_space<hbm>>
    tpu.wait_indirect_dma semaphore(%arg12 : memref<!tpu.dma_semaphore, #tpu.memory_space<semaphore_mem>>) src(%dma_wait3A_288 : memref<100000x128xf32, #tpu.memory_space<hbm>>) dst(%arg6 : memref<80x128xf32, #tpu.memory_space<vmem>>)
    %gt3A_289 = arith.constant 18 : i32
    %gt3A_290 = arith.cmpi sgt, %select_n3A, %gt3A_289 : i32
    %convert_element_type3A_291 = arith.extui %gt3A_290 : i1 to i32
    %cond3A_292 = arith.constant 0 : i32
    %cond3A_293 = arith.cmpi ne, %convert_element_type3A_291, %cond3A_292 : i32
    scf.if %cond3A_293 {
      %add3A_304 = arith.constant 1440 : i32
      %add3A_305 = arith.addi %add3A_8, %add3A_304 : i32
      "tpu.region"() ({
        %run_scoped3A = tpu.sem_alloc : memref<!tpu.dma_semaphore, #tpu.memory_space<semaphore_mem>>
        %dma_start3A_306 = arith.constant 0 : i32
        %dma_start3A_307 = tpu.memref_slice %arg4[%add3A_305, %dma_start3A_306] : memref<50000x128xf32, #tpu.memory_space<hbm>> -> memref<80x128xf32, #tpu.memory_space<hbm>>
        %dma_start3A_308 = arith.constant 0 : i32
        %dma_start3A_309 = tpu.memref_slice %arg4[%add3A_305, %dma_start3A_308] : memref<50000x128xf32, #tpu.memory_space<hbm>> -> memref<80x128xf32, #tpu.memory_space<hbm>>
        tpu.enqueue_dma source(%arg6 : memref<80x128xf32, #tpu.memory_space<vmem>>) target(%dma_start3A_309 : memref<80x128xf32, #tpu.memory_space<hbm>>) target_semaphore(%run_scoped3A : memref<!tpu.dma_semaphore, #tpu.memory_space<semaphore_mem>>)
        %dma_wait3A_310 = arith.constant 0 : i32
        %dma_wait3A_311 = tpu.memref_slice %arg4[%add3A_305, %dma_wait3A_310] : memref<50000x128xf32, #tpu.memory_space<hbm>> -> memref<80x128xf32, #tpu.memory_space<hbm>>
        %dma_wait3A_312 = arith.constant 0 : i32
        %dma_wait3A_313 = tpu.memref_slice %arg4[%add3A_305, %dma_wait3A_312] : memref<50000x128xf32, #tpu.memory_space<hbm>> -> memref<80x128xf32, #tpu.memory_space<hbm>>
        tpu.wait_dma2 semaphore(%run_scoped3A : memref<!tpu.dma_semaphore, #tpu.memory_space<semaphore_mem>>) src(%arg6 : memref<80x128xf32, #tpu.memory_space<vmem>>) dst(%dma_wait3A_313 : memref<80x128xf32, #tpu.memory_space<hbm>>)
        tpu.yield
      }) : () -> ()
    } else {
    }
    %dma_wait3A_294 = arith.constant 1520 : i32
    %dma_wait3A_295 = tpu.memref_slice %arg5[%dma_wait3A_294] : memref<1600xi32, #tpu.memory_space<vmem>> -> memref<80xi32, #tpu.memory_space<vmem>>
    %dma_wait3A_296 = arith.constant 0 : i32
    %dma_wait3A_297 = arith.constant 0 : i32
    %dma_wait3A_298 = tpu.memref_slice %arg2[%dma_wait3A_296, %dma_wait3A_297] : memref<100000x128xf32, #tpu.memory_space<hbm>> -> memref<100000x128xf32, #tpu.memory_space<hbm>>
    tpu.wait_indirect_dma semaphore(%arg13 : memref<!tpu.dma_semaphore, #tpu.memory_space<semaphore_mem>>) src(%dma_wait3A_298 : memref<100000x128xf32, #tpu.memory_space<hbm>>) dst(%arg7 : memref<80x128xf32, #tpu.memory_space<vmem>>)
    %gt3A_299 = arith.constant 19 : i32
    %gt3A_300 = arith.cmpi sgt, %select_n3A, %gt3A_299 : i32
    %convert_element_type3A_301 = arith.extui %gt3A_300 : i1 to i32
    %cond3A_302 = arith.constant 0 : i32
    %cond3A_303 = arith.cmpi ne, %convert_element_type3A_301, %cond3A_302 : i32
    scf.if %cond3A_303 {
      %add3A_304 = arith.constant 1520 : i32
      %add3A_305 = arith.addi %add3A_8, %add3A_304 : i32
      "tpu.region"() ({
        %run_scoped3A = tpu.sem_alloc : memref<!tpu.dma_semaphore, #tpu.memory_space<semaphore_mem>>
        %dma_start3A_306 = arith.constant 0 : i32
        %dma_start3A_307 = tpu.memref_slice %arg4[%add3A_305, %dma_start3A_306] : memref<50000x128xf32, #tpu.memory_space<hbm>> -> memref<80x128xf32, #tpu.memory_space<hbm>>
        %dma_start3A_308 = arith.constant 0 : i32
        %dma_start3A_309 = tpu.memref_slice %arg4[%add3A_305, %dma_start3A_308] : memref<50000x128xf32, #tpu.memory_space<hbm>> -> memref<80x128xf32, #tpu.memory_space<hbm>>
        tpu.enqueue_dma source(%arg7 : memref<80x128xf32, #tpu.memory_space<vmem>>) target(%dma_start3A_309 : memref<80x128xf32, #tpu.memory_space<hbm>>) target_semaphore(%run_scoped3A : memref<!tpu.dma_semaphore, #tpu.memory_space<semaphore_mem>>)
        %dma_wait3A_310 = arith.constant 0 : i32
        %dma_wait3A_311 = tpu.memref_slice %arg4[%add3A_305, %dma_wait3A_310] : memref<50000x128xf32, #tpu.memory_space<hbm>> -> memref<80x128xf32, #tpu.memory_space<hbm>>
        %dma_wait3A_312 = arith.constant 0 : i32
        %dma_wait3A_313 = tpu.memref_slice %arg4[%add3A_305, %dma_wait3A_312] : memref<50000x128xf32, #tpu.memory_space<hbm>> -> memref<80x128xf32, #tpu.memory_space<hbm>>
        tpu.wait_dma2 semaphore(%run_scoped3A : memref<!tpu.dma_semaphore, #tpu.memory_space<semaphore_mem>>) src(%arg7 : memref<80x128xf32, #tpu.memory_space<vmem>>) dst(%dma_wait3A_313 : memref<80x128xf32, #tpu.memory_space<hbm>>)
        tpu.yield
      }) : () -> ()
    } else {
    }
    return
  }
}

module attributes {stable_mosaic.version = 14 : i64} {
  func.func @_tc_body(%arg0: i32, %arg1: memref<1024x128xf32, #tpu.memory_space<vmem>>, %arg2: memref<64x128xf32, #tpu.memory_space<vmem>>, %arg3: memref<2048x128xf32, #tpu.memory_space<vmem>>, %arg4: memref<64x2048xf32, #tpu.memory_space<vmem>>, %arg5: memref<64x2048xf32, #tpu.memory_space<vmem>>) attributes {dimension_semantics = [#tpu.dimension_semantics<arbitrary>], iteration_bounds = array<i64: 25>, scalar_prefetch = 0 : i64, scratch_operands = 0 : i64, tpu.core_type = #tpu.core_type<tc>, window_params = [{transform_indices = @transform_0, window_bounds = array<i64: 1024, 128>}, {pipeline_mode = #tpu.pipeline_mode<synchronous>, transform_indices = @transform_1, window_bounds = array<i64: 64, 128>}, {transform_indices = @transform_2, window_bounds = array<i64: 2048, 128>}, {transform_indices = @transform_3, window_bounds = array<i64: 64, 2048>}, {transform_indices = @transform_4, window_bounds = array<i64: 64, 2048>}]} {
    %get3A = arith.constant 0 : index
    %get3A_0 = arith.constant 0 : index
    %get3A_1 = vector.load %arg1[%get3A, %get3A_0] : memref<1024x128xf32, #tpu.memory_space<vmem>>, vector<1024x128xf32>
    %transpose3A = tpu.transpose %get3A_1, [1, 0] : vector<1024x128xf32> -> vector<128x1024xf32>
    %slice3A = vector.extract_strided_slice %transpose3A {offsets = [0, 0], sizes = [64, 1024], strides = [1, 1]} : vector<128x1024xf32> to vector<64x1024xf32>
    %slice3A_2 = vector.extract_strided_slice %transpose3A {offsets = [64, 0], sizes = [64, 1024], strides = [1, 1]} : vector<128x1024xf32> to vector<64x1024xf32>
    %concatenate3A = tpu.concatenate %slice3A, %slice3A_2 in 1 : vector<64x1024xf32>, vector<64x1024xf32> -> vector<64x2048xf32>
    %swap3A = arith.constant 0 : index
    %swap3A_3 = arith.constant 0 : index
    %swap3A_4 = vector.load %arg4[%swap3A, %swap3A_3] : memref<64x2048xf32, #tpu.memory_space<vmem>>, vector<64x2048xf32>
    tpu.vector_store %arg4[%swap3A, %swap3A_3], %concatenate3A {strides = array<i32>} : memref<64x2048xf32, #tpu.memory_space<vmem>>, vector<64x2048xf32>,
    %get3A_5 = arith.constant 0 : index
    %get3A_6 = arith.constant 0 : index
    %get3A_7 = vector.load %arg2[%get3A_5, %get3A_6] : memref<64x128xf32, #tpu.memory_space<vmem>>, vector<64x128xf32>
    %get3A_8 = arith.constant 0 : index
    %get3A_9 = arith.constant 0 : index
    %get3A_10 = vector.load %arg3[%get3A_8, %get3A_9] : memref<2048x128xf32, #tpu.memory_space<vmem>>, vector<2048x128xf32>
    %dot_general3A = arith.constant dense<0.000000e+00> : vector<64x2048xf32>
    %dot_general3A_11 = tpu.matmul %get3A_7, %get3A_10, %dot_general3A {dimension_numbers = #tpu.dot_dimension_numbers<[1], [1], [0], [0], [0, 0, 1, 0], [], []>, transpose_lhs_hint = false} : vector<64x128xf32>, vector<2048x128xf32>, vector<64x2048xf32> -> vector<64x2048xf32>
    %swap3A_12 = arith.constant 0 : index
    %swap3A_13 = arith.constant 0 : index
    %swap3A_14 = vector.load %arg5[%swap3A_12, %swap3A_13] : memref<64x2048xf32, #tpu.memory_space<vmem>>, vector<64x2048xf32>
    tpu.vector_store %arg5[%swap3A_12, %swap3A_13], %dot_general3A_11 {strides = array<i32>} : memref<64x2048xf32, #tpu.memory_space<vmem>>, vector<64x2048xf32>,
    return
  }
  func.func @transform_0(%arg0: i32) -> (i32, i32) {
    %c0_i32 = arith.constant 0 : i32
    %c0_i32_0 = arith.constant 0 : i32
    return %arg0, %c0_i32 : i32, i32
  }
  func.func @transform_1(%arg0: i32) -> (i32, i32) {
    %c0_i32 = arith.constant 0 : i32
    %c0_i32_0 = arith.constant 0 : i32
    %c0_i32_1 = arith.constant 0 : i32
    return %c0_i32, %c0_i32_0 : i32, i32
  }
  func.func @transform_2(%arg0: i32) -> (i32, i32) {
    %c0_i32 = arith.constant 0 : i32
    %c0_i32_0 = arith.constant 0 : i32
    return %arg0, %c0_i32 : i32, i32
  }
  func.func @transform_3(%arg0: i32) -> (i32, i32) {
    %c0_i32 = arith.constant 0 : i32
    %c0_i32_0 = arith.constant 0 : i32
    return %c0_i32, %arg0 : i32, i32
  }
  func.func @transform_4(%arg0: i32) -> (i32, i32) {
    %c0_i32 = arith.constant 0 : i32
    %c0_i32_0 = arith.constant 0 : i32
    return %c0_i32, %arg0 : i32, i32
  }
}

</mosaic_0001>

<sc_bundles>
// kernel: kernel.5.cloned.1.call-start
scs
__scs_entry_jumppad:
0x0: {  	(pc) =	sbr.rel $0x88, $3  }
0x1: {  	(tag) =	ssettag $0x0;
	lr =	simm.s32 $0x1  }
0x2: {  	[smem:$0x3F9C] =	sst lr;
	_ =	strace $0xD0000000  }
0x3: {  	_ = 	snop  }
0x4: {  	_ = 	snop  }
0x5: {  	_ = 	snop  }
0x6: {  	_ = 	snop  }
0x7: {  	_ = 	snop  }
__scs_overlays_trampoline_lowered:
0x8: {  	[smem:$0x3FAB] =	sst s0  }
0x9: {  	[smem:$0x3FAC] =	sst s1  }
0xa: {  	[smem:$0x3FAD] =	sst s2  }
0xb: {  	[smem:$0x3FAE] =	sst s3  }
0xc: {  	[smem:$0x3FAF] =	sst s4  }
0xd: {  	[smem:$0x3FB0] =	sst s5  }
0xe: {  	[smem:$0x3FB1] =	sst s6  }
0xf: {  	[smem:$0x3FB2] =	sst s7  }
0x10: {  	[smem:$0x3FB3] =	sst s8  }
0x11: {  	[smem:$0x3FB4] =	sst s9;
	s0 =	simm.s32 @!p0 $0x0  }
0x12: {  	s1 =	sld [smem:$0x3F9A];
	s0 =	simm.s32 @p0 $0x1  }
0x13: {  	[smem:$0x3FB5] =	sst s0;
	s0 =	simm.s32 @!p1 $0x0  }
0x14: {  	s2 =	sld [smem:$0x3F99];
	s0 =	simm.s32 @p1 $0x1  }
0x15: {  	[smem:$0x3FB6] =	sst s0;
	s0 =	simm.s32 @!p2 $0x0  }
0x16: {  	s3 =	sld [smem:$0x3FDB];
	s0 =	simm.s32 @p2 $0x1  }
0x17: {  	s4 =	simm.s32 $0x1BF5;
	[smem:$0x3FB8] =	sst s0  }
0x18: {  	s0 =	sld [smem:$0x3F9B];
	_ =	swait.ge [sflag:s4], $0x0  }
0x19: {  	s7 =	sld [smem:$0x3F9C]  }
0x1a: {  	s8 =	sadd.s32 $0xFFFFE003, lr  }
0x1b: {  	s9 =	sadd.s32 $0xFFFFFEF7, lr;
	s5 =	simm.s32 $0xFFFFFFFF;
	p2 =	slt.u32 s8, $0xFFFFF086  }
0x1c: {  	p1 =	slt.u32 s9, $0xF7A;
	s5 =	simm.s32 @!p2 $0x0  }
0x1d: {  	s5 =	simm.s32 @p1 $0x1;
	p0 =	seq.s32 s7, s2  }
0x1e: {  	s7 =	smul.u32 @!p0 $0xF7A, s2;
	p2 =	seq.s32 @!p0 s5, $0x0  }
0x1f: {  	s9 =	smul.u32 $0xF7A, s1;
	s8 =	simm.s32 @!p0 $0x1BF5;
	p2 =	por !p2, p0  }
0x20: {  	[sflag:s8] =	ssyncset.s32 @!p0 $0xFFFFF086;
	s6 =	sadd.s32 @!p0 s3, s7;
	s7 =	simm.s32 @!p0 $0x108  }
0x21: {  	s3 =	sadd.s32 s3, s9;
	s6 =	sadd.s32 @!p0 $0x88, s6;
	s7 =	simm.s32 @p2 $0x1082  }
0x22: {  	[simem:s7], [sflag:s8] =	dma.local @!p0 [hbm:s6], $0xF7A  }
0x23: {  	s9 =	sor.u32 $0xD0000000, s2;
	s6 =	simm.s32 $0x108;
	_ =	swait.ge @!p0 [sflag:s8], $0x0  }
0x24: {  	s3 =	sadd.s32 $0x88, s3;
	s6 =	simm.s32 @!p1 $0x1082;
	[sflag:s4] =	ssyncset.s32 $0xFFFFF086  }
0x25: {  	[simem:s6], [sflag:s4] =	dma.local [hbm:s3], $0xF7A  }
0x26: {  	[smem:$0x3F9C] =	sst s1;
	(tag) =	ssettag s2;
	_ =	strace s9  }
0x27: {  	s1 =	sld [smem:$0x3FAC]  }
0x28: {  	s2 =	sld [smem:$0x3FAD]  }
0x29: {  	s4 =	sld [smem:$0x3FAF]  }
0x2a: {  	p0 =	seq.s32 s5, $0x0;
	s5 =	sld [smem:$0x3FB0]  }
0x2b: {  	s6 =	sld [smem:$0x3FB1]  }
0x2c: {  	s7 =	sld [smem:$0x3FB2]  }
0x2d: {  	s3 =	simm.s32 $0x108;
	s8 =	sld [smem:$0x3FB3]  }
0x2e: {  	s3 =	simm.s32 @!p0 $0x1082;
	s9 =	sld [smem:$0x3FB4]  }
0x2f: {  	lr =	sadd.s32 s0, s3;
	s0 =	sld [smem:$0x3FAB]  }
0x30: {  	s3 =	sld [smem:$0x3FAE]  }
0x31: {  	[smem:$0x3FB7] =	sst s10  }
0x32: {  	s10 =	sld [smem:$0x3FB5];
	_ =	sdelay $0x3  }
0x33: {  	p0 =	seq.s32 s10, $0x1;
	s10 =	sld [smem:$0x3FB7];
	_ =	sdelay $0x3  }
0x34: {  	[smem:$0x3FB7] =	sst s10  }
0x35: {  	s10 =	sld [smem:$0x3FB6];
	_ =	sdelay $0x3  }
0x36: {  	p1 =	seq.s32 s10, $0x1;
	s10 =	sld [smem:$0x3FB7];
	_ =	sdelay $0x3  }
0x37: {  	[smem:$0x3FB7] =	sst s10  }
0x38: {  	s10 =	sld [smem:$0x3FB8]  }
0x39: {  	_ = 	snop;
	(pc) =	sbr.ind lr, $3  }
0x3a: {  	_ = 	snop  }
0x3b: {  	_ = 	snop  }
0x3c: {  	p2 =	seq.s32 s10, $0x1;
	s10 =	sld [smem:$0x3FB7]  }
0x3d: {  	_ =	shalt  }
0x3e: {  	_ =	shalt  }
0x3f: {  	_ =	shalt  }
0x40: {  	_ =	shalt  }
0x41: {  	_ =	shalt  }
0x42: {  	_ =	shalt  }
0x43: {  	_ =	shalt  }
0x44: {  	_ =	shalt  }
0x45: {  	_ =	shalt  }
0x46: {  	_ =	shalt  }
0x47: {  	_ =	shalt  }
0x48: {  	_ =	shalt  }
0x49: {  	_ =	shalt  }
0x4a: {  	_ =	shalt  }
0x4b: {  	_ =	shalt  }
0x4c: {  	_ =	shalt  }
0x4d: {  	_ =	shalt  }
0x4e: {  	_ =	shalt  }
0x4f: {  	_ =	shalt  }
0x50: {  	_ =	shalt  }
0x51: {  	_ =	shalt  }
0x52: {  	_ =	shalt  }
0x53: {  	_ =	shalt  }
0x54: {  	_ =	shalt  }
0x55: {  	_ =	shalt  }
0x56: {  	_ =	shalt  }
0x57: {  	_ =	shalt  }
0x58: {  	_ =	shalt  }
0x59: {  	_ =	shalt  }
0x5a: {  	_ =	shalt  }
0x5b: {  	_ =	shalt  }
0x5c: {  	_ =	shalt  }
0x5d: {  	_ =	shalt  }
0x5e: {  	_ =	shalt  }
0x5f: {  	_ =	shalt  }
0x60: {  	_ =	shalt  }
0x61: {  	_ =	shalt  }
0x62: {  	_ =	shalt  }
0x63: {  	_ =	shalt  }
0x64: {  	_ =	shalt  }
0x65: {  	_ =	shalt  }
0x66: {  	_ =	shalt  }
0x67: {  	_ =	shalt  }
0x68: {  	_ =	shalt  }
0x69: {  	_ =	shalt  }
0x6a: {  	_ =	shalt  }
0x6b: {  	_ =	shalt  }
0x6c: {  	_ =	shalt  }
0x6d: {  	_ =	shalt  }
0x6e: {  	_ =	shalt  }
0x6f: {  	_ =	shalt  }
0x70: {  	_ =	shalt  }
0x71: {  	_ =	shalt  }
0x72: {  	_ =	shalt  }
0x73: {  	_ =	shalt  }
0x74: {  	_ =	shalt  }
0x75: {  	_ =	shalt  }
0x76: {  	_ =	shalt  }
0x77: {  	_ =	shalt  }
0x78: {  	_ =	shalt  }
0x79: {  	_ =	shalt  }
0x7a: {  	_ =	shalt  }
0x7b: {  	_ =	shalt  }
0x7c: {  	_ =	shalt  }
0x7d: {  	_ =	shalt  }
0x7e: {  	_ =	shalt  }
0x7f: {  	_ =	shalt  }
0x80: {  	_ =	shalt  }
0x81: {  	_ =	shalt  }
0x82: {  	_ =	shalt  }
0x83: {  	_ =	shalt  }
0x84: {  	_ =	shalt  }
0x85: {  	_ =	shalt  }
0x86: {  	_ =	shalt  }
0x87: {  	_ =	shalt  }
.Lfunc_end0:
.L_simem_size_0:
called_computation_lowered:
.L_overlay_start_0:
0x88: {  	s2 =	sld [smem:$0x3FD9]  }
0x89: {  	s3 =	sld [smem:$0x3FFE];
	_ =	sdelay $0x1  }
0x8a: {  	s1 =	srdreg.scid  }
0x8b: {  	s0 =	sand.u32 $0x1, s1  }
0x8c: {  	s15 =	sshll.u32 s0, $0xA;
	s2 =	sadd.s32 s3, s2  }
0x8d: {  	s2 =	sadd.s32 s2, s15  }
0x8e: {  	[smem:$0x3FC3] =	sst s2  }
0x8f: {  	_ = 	snop  }
0x90: {  	s16 =	sld [smem:$0x3FD0];
	_ =	sdelay $0x2  }
0x91: {  	s4 =	simm.s32 $0xB;
	s5 =	simm.s32 $0x10;
	s2 =	sld [smem:$0x3FC8]  }
0x92: {  	[smem:s5], [sflag:s4] =	dma.local [hbm:s16], $0x1  }
0x93: {  	_ =	swait.eq [sflag:s4], $0x1  }
0x94: {  	[sflag:s4] =	ssyncset.done $0x0  }
0x95: {  	[sflag:s4] =	ssyncadd.s32 $0xFFFFFFFF  }
0x96: {  	s17 =	sld [smem:$0x10];
	(tm) =	ssettm $0x1  }
0x97: {  	s18 =	sld [smem:$0x3FFB];
	_ =	sdelay $0x3  }
0x98: {  	_ =	strace s18  }
0x99: {  	s3 =	sld [smem:$0x3FFC];
	_ =	sdelay $0x3  }
0x9a: {  	_ =	strace s3  }
0x9b: {  	s3 =	sld [smem:$0x3FFD];
	_ =	sdelay $0x3  }
0x9c: {  	_ =	strace s3  }
0x9d: {  	_ =	strace $0x8FFFFFFF  }
0x9e: {  	s19 =	sld [smem:$0x3FDB];
	_ =	sdelay $0x1  }
0x9f: {  	s20 =	simm.s32 $_scs_section_size  }
0xa0: {  	s6 =	simm.s32 $_size__tile_overlayer_lowered;
	s7 =	simm.s32 $_tile_overlayer_lowered  }
0xa1: {  	s8 =	simm.s32 $0x1BFF;
	s21 =	sshll.u32 s7, $0x1;
	s5 =	sadd.s32 s20, s19  }
0xa2: {  	s22 =	simm.s32 $0x0;
	s6 =	sshll.u32 s6, $0x1;
	s7 =	sadd.s32 s21, s5  }
0xa3: {  	[timem:s22], [sflag:s8] =	dma.local [hbm:s7], s6  }
0xa4: {  	_ =	swait.ge [sflag:s8], s6  }
0xa5: {  	s6 =	ssub.s32 $0x0, s6;
	[sflag:s8] =	ssyncset.done $0x0  }
0xa6: {  	[sflag:s8] =	ssyncadd.s32 s6;
	_ =	sdelay $0x1  }
0xa7: {  	s23 =	simm.s32 $0x1B8B  }
0xa8: {  	_ =	swait.ge [sflag:s23], $0x1  }
0xa9: {  	[sflag:s23] =	ssyncset.done $0x0  }
0xaa: {  	[sflag:s23] =	ssyncadd.s32 $0xFFFFFFFF  }
0xab: {  	s6 =	sld [smem:$0x0]  }
0xac: {  	s7 =	sand.u32 $0xFFFFFFFE, s1  }
0xad: {  	p0 =	sne.s32 s1, s7  }
0xae: {  	s7 =	sshll.u32 @p0 s7, $0xE  }
0xaf: {  	s7 =	sadd.s32 @p0 $0x11B8D, s7;
	s8 =	sshll.u32 @p0 s6, $0x11  }
0xb0: {  	s7 =	sor.u32 @p0 s8, s7  }
0xb1: {  	[sflag:s7] =	ssyncadd.remote.s32 @p0 $0x1;
	_ =	sdelay $0x1  }
0xb2: {  	s7 =	simm.s32 @p0 $0x1B8D  }
0xb3: {  	_ =	swait.eq @p0 [sflag:s7], $0x1  }
0xb4: {  	[sflag:s7] =	ssyncadd.s32 @p0 $0xFFFFFFFF  }
0xb5: {  	s8 =	sshll.u32 @!p0 s1, $0xE  }
0xb6: {  	s8 =	sor.u32 @!p0 $0x4000, s8;
	s7 =	simm.s32 @!p0 $0x1B8D  }
0xb7: {  	s6 =	sshll.u32 @!p0 s6, $0x11;
	s8 =	sadd.s32 @!p0 $0x11B8D, s8;
	_ =	swait.eq @!p0 [sflag:s7], $0x1  }
0xb8: {  	s6 =	sor.u32 @!p0 s6, s8;
	[sflag:s7] =	ssyncadd.s32 @!p0 $0xFFFFFFFF  }
0xb9: {  	s25 =	simm.s32 $0x1B8E;
	s24 =	sld [smem:$0x3FFE];
	[sflag:s6] =	ssyncadd.remote.s32 @!p0 $0x1  }
0xba: {  	s26 =	simm.s32 $execute0_lowered;
	[smem:$0x3FD2] =	sst s25  }
0xbb: {  	s7 =	sshll.u32 s26, $0x1;
	_ =	strace $0x80000049;
	[dreg:$0x1] =	wrdreg $0xFFFFFFFF  }
0xbc: {  	s28 =	simm.s32 $_size_execute0_lowered;
	s5 =	sadd.s32 s5, s7;
	[dreg:$0x0] =	wrdreg $0x0  }
0xbd: {  	s7 =	sshll.u32 s28, $0x1;
	[dreg:$0x2] =	wrdreg s5  }
0xbe: {  	[dreg:$0x3] =	wrdreg s7  }
0xbf: {  	[dreg:$0x4] =	wrdreg $0xC0  }
0xc0: {  	_ =	task [dreg:s22], $0x5FFFF  }
0xc1: {  	[dreg:$0x1] =	wrdreg $0xFFFFFFFF  }
0xc2: {  	[dreg:$0x0] =	wrdreg $0x60  }
0xc3: {  	[dreg:$0x2] =	wrdreg s2  }
0xc4: {  	[dreg:$0x3] =	wrdreg s17  }
0xc5: {  	[dreg:$0x4] =	wrdreg s24  }
0xc6: {  	[dreg:$0x5] =	wrdreg $0x9  }
0xc7: {  	_ =	task.clear_ibuf [dreg:s22], $0x6FFFF;
	_ =	strace $0x90000049  }
0xc8: {  	s29 =	simm.s32 $0x9;
	_ =	strace $0x8000004B  }
0xc9: {  	_ =	swait.ge [sflag:s29], $0x1  }
0xca: {  	[sflag:s29] =	ssyncadd.s32 $0xFFFFFFFF  }
0xcb: {  	_ =	strace $0x9000004B  }
0xcc: {  	_ =	sfence  }
0xcd: {  	s30 =	sld [smem:$0x0];
	_ =	sdelay $0x2  }
0xce: {  	s31 =	sshll.u32 s1, $0xD;
	s1 =	sshrl.u32 s1, $0x2  }
0xcf: {  	s4 =	sand.u32 $0x4000, s31;
	s1 =	sadd.s32 s1, s30  }
0xd0: {  	s0 =	sor.u32 s4, s0;
	s1 =	sshll.u32 s1, $0x11  }
0xd1: {  	s0 =	sor.u32 s1, s0  }
0xd2: {  	s0 =	sadd.s32 $0x8F2B, s0  }
0xd3: {  	[sflag:s0] =	ssyncadd.remote.s32 $0x1  }
0xd4: {  	_ =	sfence.sel $0xFFFF  }
0xd5: {  	[dreg:$0x0] =	wrdreg $0xFFFFFFFF;
	(pc) =	sbr.abs _section_cstart, $3  }
0xd6: {  	[dreg:$0x1] =	wrdreg $0xFFFFFFFF  }
0xd7: {  	_ =	task.clear_ibuf [dreg:s22], $0x2FFFF;
	_ =	strace $0x9FFFFFFF  }
0xd8: {  	(tm) =	ssettm $0x7FFFFFFF  }
0xd9: {  	_ =	shalt  }
tec
execute0_lowered:
.L_overlay_start_1:
0x0: {  	(tag) =	ssettag $0x1  }
0x1: {  	s0 =	srdreg.scid;
	s18 =	stileid.u32  }
0x2: {  	s0 =	sand.u32 $0x1, s0;
	s1 =	sshll.u32 s18, $0x1  }
0x3: {  	s1 =	sor.u32 s0, s1  }
0x4: {  	s3 =	rddreg [dreg:$0x0];
	s4 =	smul.u32 $0x5F0, s1;
	s2 =	smin.u32 s1, $0x11  }
0x5: {  	s5 =	rddreg [dreg:$0x1];
	s6 =	smul.u32 $0x50, s2  }
0x6: {  	s7 =	rddreg [dreg:$0x2]  }
0x7: {  	s30 =	rddreg [dreg:$0x3];
	s4 =	sadd.s32 s4, s6  }
0x8: {  	s2 =	simm.s32 $0x0;
	s6 =	sshll.u32 s4, $0x4;
	s4 =	sshrl.u32 s4, $0x3  }
0x9: {  	[smem:$0x7FF] =	sst s2;
	s6 =	sadd.s32 s6, s7;
	s4 =	sadd.s32 s5, s4  }
0xa: {  	_ =	strace $0x8000004A;
	[dreg:$0x4] =	wrdreg s4;
	s20 =	sadd.s32 $0x65200, s6  }
0xb: {  	s21 =	sadd.s32 $0x65700, s6;
	[dreg:$0x5] =	wrdreg s20  }
0xc: {  	s22 =	sadd.s32 $0x65C00, s6;
	[dreg:$0x6] =	wrdreg s21  }
0xd: {  	s23 =	sadd.s32 $0x66100, s6;
	[dreg:$0x7] =	wrdreg s22  }
0xe: {  	s24 =	sadd.s32 $0x66600, s6;
	[dreg:$0x8] =	wrdreg s23  }
0xf: {  	s25 =	sadd.s32 $0x66B00, s6;
	[dreg:$0x9] =	wrdreg s24  }
0x10: {  	s26 =	sadd.s32 $0x67000, s6;
	[dreg:$0xa] =	wrdreg s25  }
0x11: {  	s29 =	sadd.s32 $0x67500, s6;
	[dreg:$0xb] =	wrdreg s26  }
0x12: {  	s31 =	simm.s32 $0x320;
	s5 =	sadd.s32 $0x67A00, s6;
	[dreg:$0xc] =	wrdreg s29  }
0x13: {  	s28 =	simm.s32 $0x370;
	s7 =	sadd.s32 $0x67F00, s6;
	[dreg:$0xd] =	wrdreg s5  }
0x14: {  	p1 =	por $0x0, $0x0;
	s8 =	sadd.s32 $0x68400, s6;
	[dreg:$0xe] =	wrdreg s7  }
0x15: {  	s0 =	ssub.s32 $0x2, s0;
	s9 =	sadd.s32 $0x68900, s6;
	[dreg:$0xf] =	wrdreg s8  }
0x16: {  	s16 =	sshrl.u32 s0, $0x1;
	s10 =	sadd.s32 $0x68E00, s6;
	[dreg:$0x10] =	wrdreg s9  }
0x17: {  	p0 =	sgt.u32 s1, $0x10;
	s11 =	sadd.s32 $0x69300, s6;
	[dreg:$0x11] =	wrdreg s10  }
0x18: {  	s0 =	ssub.s32 s0, s16;
	s12 =	sadd.s32 $0x69800, s6;
	[dreg:$0x12] =	wrdreg s11  }
0x19: {  	s16 =	simm.s32 $0x4;
	s13 =	sadd.s32 $0x69D00, s6;
	[dreg:$0x13] =	wrdreg s12  }
0x1a: {  	s0 =	smax.u32 s0, $0x1;
	s14 =	sadd.s32 $0x6A200, s6;
	[dreg:$0x14] =	wrdreg s13  }
0x1b: {  	s1 =	sadd.s32 $0xFFFFFFFF, s0;
	s15 =	sadd.s32 $0x6A700, s6;
	[dreg:$0x15] =	wrdreg s14  }
0x1c: {  	p2 =	sne.s32 s1, $0x0;
	s17 =	sadd.s32 $0x6AC00, s6;
	[dreg:$0x16] =	wrdreg s15  }
0x1d: {  	s19 =	sadd.s32 $0x6B100, s6;
	s4 =	simm.s32 $0x7;
	[dreg:$0x17] =	wrdreg s17  }
0x1e: {  	s6 =	simm.s32 $0x2;
	[dreg:$0x18] =	wrdreg s19;
	s11 =	simm.s32 $0x50  }
0x1f: {  	s5 =	simm.s32 $0x640;
	s14 =	simm.s32 $0x2E40;
	s20 =	simm.s32 $0xA0  }
0x20: {  	s12 =	simm.s32 $0x5640;
	s21 =	simm.s32 $0xF0;
	s0 =	rddreg [dreg:$0x4]  }
0x21: {  	s10 =	simm.s32 $0x7E40;
	s22 =	simm.s32 $0x140;
	[dreg:$0x19] =	wrdreg s20  }
0x22: {  	s9 =	simm.s32 $0xA640;
	s23 =	simm.s32 $0x190;
	[dreg:$0x1a] =	wrdreg s21  }
0x23: {  	s8 =	simm.s32 $0xCE40;
	s24 =	simm.s32 $0x1E0;
	[dreg:$0x1b] =	wrdreg s22  }
0x24: {  	s7 =	simm.s32 $0x1;
	s25 =	simm.s32 $0x230;
	[dreg:$0x1c] =	wrdreg s23  }
0x25: {  	s26 =	simm.s32 $0x280;
	s17 =	simm.s32 $0x3;
	[dreg:$0x1d] =	wrdreg s24  }
.Ltmp0:
0x26: {  	s29 =	simm.s32 $0x2D0;
	[dreg:$0x1e] =	wrdreg s25;
	(pc) =	sbr.rel @!p2 .LBB2_1-.Ltmp0, $4  }
0x27: {  	s15 =	simm.s32 $0x5;
	s13 =	simm.s32 $0x6;
	[dreg:$0x1f] =	wrdreg s26  }
0x28: {  	s19 =	simm.s32 $0x5F0;
	[smem:$0x7FD] =	sst s29;
	s26 =	simm.s32 $0x3C0  }
0x29: {  	s25 =	simm.s32 $0x410;
	s24 =	simm.s32 $0x460;
	s23 =	simm.s32 $0x4B0  }
0x2a: {  	s22 =	simm.s32 $0x500;
	s21 =	simm.s32 $0x550;
	s20 =	simm.s32 $0x5A0  }
0x2b: {  	[tilespmem:s2], [sflag:$0x7] =	stream.linear.gather [hbm4b:s0+s2], $0x640, $0x38;
	[tilespmem:$0xF640] =	vst v63  }
0x2c: {  	_ =	swait.ge [sflag:s4], $0x640  }
0x2d: {  	[sflag:s4] =	ssyncset.done $0x0  }
0x2e: {  	[sflag:s4] =	ssyncadd.s32 $0xFFFFF9C0  }
0x2f: {  	[tilespmem:s5], [sflag:$0x1] =	stream.indirect.gather [hbm4b:s3+s11], $0x80, s2, s11, $0xb8;
	[tilespmem:$0xF640] =	vst v63  }
0x30: {  	_ = 	snop  }
0x31: {  	[tilespmem:s14], [sflag:$0x2] =	stream.indirect.gather [hbm4b:s3+s11], $0x80, s11, s11, $0xb8;
	[tilespmem:$0xF640] =	vst v63  }
0x32: {  	s18 =	rddreg [dreg:$0x19]  }
0x33: {  	[tilespmem:s12], [sflag:$0x3] =	stream.indirect.gather [hbm4b:s3+s11], $0x80, s18, s11, $0xb8;
	[tilespmem:$0xF640] =	vst v63  }
0x34: {  	s29 =	rddreg [dreg:$0x1a]  }
0x35: {  	[tilespmem:s10], [sflag:$0x4] =	stream.indirect.gather [hbm4b:s3+s11], $0x80, s29, s11, $0xb8;
	[tilespmem:$0xF640] =	vst v63  }
0x36: {  	s18 =	rddreg [dreg:$0x1b]  }
0x37: {  	[tilespmem:s9], [sflag:$0x5] =	stream.indirect.gather [hbm4b:s3+s11], $0x80, s18, s11, $0xb8;
	[tilespmem:$0xF640] =	vst v63  }
0x38: {  	s29 =	rddreg [dreg:$0x1c]  }
0x39: {  	[tilespmem:s8], [sflag:$0x6] =	stream.indirect.gather [hbm4b:s3+s11], $0x80, s29, s11, $0xb8;
	[tilespmem:$0xF640] =	vst v63  }
0x3a: {  	_ =	swait.ge [sflag:s7], $0x2800  }
0x3b: {  	[sflag:s7] =	ssyncset.done $0x0  }
0x3c: {  	s18 =	rddreg [dreg:$0x5];
	[sflag:s7] =	ssyncadd.s32 $0xFFFFD800  }
0x3d: {  	[hbm4b:s18+s2] =	stream.linear.scatter [tilespmem:s5], [sflag:$0x7], $0x2800, $0x38;
	[tilespmem:$0xF640] =	vst v63  }
0x3e: {  	_ =	swait.ge [sflag:s4], $0x2800  }
0x3f: {  	[sflag:s4] =	ssyncset.done $0x0  }
0x40: {  	s18 =	rddreg [dreg:$0x1d];
	[sflag:s4] =	ssyncadd.s32 $0xFFFFD800  }
0x41: {  	[tilespmem:s5], [sflag:$0x1] =	stream.indirect.gather [hbm4b:s3+s11], $0x80, s18, s11, $0xb8;
	[tilespmem:$0xF640] =	vst v63  }
0x42: {  	_ =	swait.ge [sflag:s6], $0x2800  }
0x43: {  	[sflag:s6] =	ssyncset.done $0x0  }
0x44: {  	s18 =	rddreg [dreg:$0x6];
	[sflag:s6] =	ssyncadd.s32 $0xFFFFD800  }
0x45: {  	[hbm4b:s18+s2] =	stream.linear.scatter [tilespmem:s14], [sflag:$0x7], $0x2800, $0x38;
	[tilespmem:$0xF640] =	vst v63  }
0x46: {  	_ =	swait.ge [sflag:s4], $0x2800  }
0x47: {  	[sflag:s4] =	ssyncset.done $0x0  }
0x48: {  	s18 =	rddreg [dreg:$0x1e];
	[sflag:s4] =	ssyncadd.s32 $0xFFFFD800  }
0x49: {  	[tilespmem:s14], [sflag:$0x2] =	stream.indirect.gather [hbm4b:s3+s11], $0x80, s18, s11, $0xb8;
	[tilespmem:$0xF640] =	vst v63  }
0x4a: {  	_ =	swait.ge [sflag:s17], $0x2800  }
0x4b: {  	[sflag:s17] =	ssyncset.done $0x0  }
0x4c: {  	s18 =	rddreg [dreg:$0x7];
	[sflag:s17] =	ssyncadd.s32 $0xFFFFD800  }
0x4d: {  	[hbm4b:s18+s2] =	stream.linear.scatter [tilespmem:s12], [sflag:$0x7], $0x2800, $0x38;
	[tilespmem:$0xF640] =	vst v63  }
0x4e: {  	_ =	swait.ge [sflag:s4], $0x2800  }
0x4f: {  	[sflag:s4] =	ssyncset.done $0x0  }
0x50: {  	s18 =	rddreg [dreg:$0x1f];
	[sflag:s4] =	ssyncadd.s32 $0xFFFFD800  }
0x51: {  	[tilespmem:s12], [sflag:$0x3] =	stream.indirect.gather [hbm4b:s3+s11], $0x80, s18, s11, $0xb8;
	[tilespmem:$0xF640] =	vst v63  }
0x52: {  	_ =	swait.ge [sflag:s16], $0x2800  }
0x53: {  	[sflag:s16] =	ssyncset.done $0x0  }
0x54: {  	s18 =	rddreg [dreg:$0x8];
	[sflag:s16] =	ssyncadd.s32 $0xFFFFD800  }
0x55: {  	[hbm4b:s18+s2] =	stream.linear.scatter [tilespmem:s10], [sflag:$0x7], $0x2800, $0x38;
	[tilespmem:$0xF640] =	vst v63  }
0x56: {  	_ =	swait.ge [sflag:s4], $0x2800  }
0x57: {  	s18 =	sld [smem:$0x7FD]  }
0x58: {  	[sflag:s4] =	ssyncset.done $0x0  }
0x59: {  	[sflag:s4] =	ssyncadd.s32 $0xFFFFD800  }
0x5a: {  	[tilespmem:s10], [sflag:$0x4] =	stream.indirect.gather [hbm4b:s3+s11], $0x80, s18, s11, $0xb8;
	[tilespmem:$0xF640] =	vst v63  }
0x5b: {  	_ =	swait.ge [sflag:s15], $0x2800  }
0x5c: {  	[sflag:s15] =	ssyncset.done $0x0  }
0x5d: {  	s18 =	rddreg [dreg:$0x9];
	[sflag:s15] =	ssyncadd.s32 $0xFFFFD800  }
0x5e: {  	[hbm4b:s18+s2] =	stream.linear.scatter [tilespmem:s9], [sflag:$0x7], $0x2800, $0x38;
	[tilespmem:$0xF640] =	vst v63  }
0x5f: {  	_ =	swait.ge [sflag:s4], $0x2800  }
0x60: {  	[sflag:s4] =	ssyncset.done $0x0  }
0x61: {  	[sflag:s4] =	ssyncadd.s32 $0xFFFFD800  }
0x62: {  	[tilespmem:s9], [sflag:$0x5] =	stream.indirect.gather [hbm4b:s3+s11], $0x80, s31, s11, $0xb8;
	[tilespmem:$0xF640] =	vst v63  }
0x63: {  	_ =	swait.ge [sflag:s13], $0x2800  }
0x64: {  	[sflag:s13] =	ssyncset.done $0x0  }
0x65: {  	s18 =	rddreg [dreg:$0xa];
	[sflag:s13] =	ssyncadd.s32 $0xFFFFD800  }
0x66: {  	[hbm4b:s18+s2] =	stream.linear.scatter [tilespmem:s8], [sflag:$0x7], $0x2800, $0x38;
	[tilespmem:$0xF640] =	vst v63  }
0x67: {  	_ =	swait.ge [sflag:s4], $0x2800  }
0x68: {  	[sflag:s4] =	ssyncset.done $0x0  }
0x69: {  	[sflag:s4] =	ssyncadd.s32 $0xFFFFD800  }
0x6a: {  	[tilespmem:s8], [sflag:$0x6] =	stream.indirect.gather [hbm4b:s3+s11], $0x80, s28, s11, $0xb8;
	[tilespmem:$0xF640] =	vst v63  }
0x6b: {  	_ =	swait.ge [sflag:s7], $0x2800  }
0x6c: {  	[sflag:s7] =	ssyncset.done $0x0  }
0x6d: {  	s18 =	rddreg [dreg:$0xb];
	[sflag:s7] =	ssyncadd.s32 $0xFFFFD800  }
0x6e: {  	[hbm4b:s18+s2] =	stream.linear.scatter [tilespmem:s5], [sflag:$0x7], $0x2800, $0x38;
	[tilespmem:$0xF640] =	vst v63  }
0x6f: {  	_ =	swait.ge [sflag:s4], $0x2800  }
0x70: {  	[sflag:s4] =	ssyncset.done $0x0  }
0x71: {  	[sflag:s4] =	ssyncadd.s32 $0xFFFFD800  }
0x72: {  	[tilespmem:s5], [sflag:$0x1] =	stream.indirect.gather [hbm4b:s3+s11], $0x80, s26, s11, $0xb8;
	[tilespmem:$0xF640] =	vst v63  }
0x73: {  	_ =	swait.ge [sflag:s6], $0x2800  }
0x74: {  	[sflag:s6] =	ssyncset.done $0x0  }
0x75: {  	s26 =	rddreg [dreg:$0xc];
	[sflag:s6] =	ssyncadd.s32 $0xFFFFD800  }
0x76: {  	[hbm4b:s26+s2] =	stream.linear.scatter [tilespmem:s14], [sflag:$0x7], $0x2800, $0x38;
	[tilespmem:$0xF640] =	vst v63  }
0x77: {  	_ =	swait.ge [sflag:s4], $0x2800  }
0x78: {  	[sflag:s4] =	ssyncset.done $0x0  }
0x79: {  	[sflag:s4] =	ssyncadd.s32 $0xFFFFD800  }
0x7a: {  	[tilespmem:s14], [sflag:$0x2] =	stream.indirect.gather [hbm4b:s3+s11], $0x80, s25, s11, $0xb8;
	[tilespmem:$0xF640] =	vst v63  }
0x7b: {  	_ =	swait.ge [sflag:s17], $0x2800  }
0x7c: {  	[sflag:s17] =	ssyncset.done $0x0  }
0x7d: {  	s18 =	rddreg [dreg:$0xd];
	[sflag:s17] =	ssyncadd.s32 $0xFFFFD800  }
0x7e: {  	[hbm4b:s18+s2] =	stream.linear.scatter [tilespmem:s12], [sflag:$0x7], $0x2800, $0x38;
	[tilespmem:$0xF640] =	vst v63  }
0x7f: {  	_ =	swait.ge [sflag:s4], $0x2800  }
0x80: {  	[sflag:s4] =	ssyncset.done $0x0  }
0x81: {  	[sflag:s4] =	ssyncadd.s32 $0xFFFFD800  }
0x82: {  	[tilespmem:s12], [sflag:$0x3] =	stream.indirect.gather [hbm4b:s3+s11], $0x80, s24, s11, $0xb8;
	[tilespmem:$0xF640] =	vst v63  }
0x83: {  	_ =	swait.ge [sflag:s16], $0x2800  }
0x84: {  	[sflag:s16] =	ssyncset.done $0x0  }
0x85: {  	s24 =	rddreg [dreg:$0xe];
	[sflag:s16] =	ssyncadd.s32 $0xFFFFD800  }
0x86: {  	[hbm4b:s24+s2] =	stream.linear.scatter [tilespmem:s10], [sflag:$0x7], $0x2800, $0x38;
	[tilespmem:$0xF640] =	vst v63  }
0x87: {  	_ =	swait.ge [sflag:s4], $0x2800  }
0x88: {  	[sflag:s4] =	ssyncset.done $0x0  }
0x89: {  	[sflag:s4] =	ssyncadd.s32 $0xFFFFD800  }
0x8a: {  	[tilespmem:s10], [sflag:$0x4] =	stream.indirect.gather [hbm4b:s3+s11], $0x80, s23, s11, $0xb8;
	[tilespmem:$0xF640] =	vst v63  }
0x8b: {  	_ =	swait.ge [sflag:s15], $0x2800  }
0x8c: {  	[sflag:s15] =	ssyncset.done $0x0  }
0x8d: {  	s25 =	rddreg [dreg:$0xf];
	[sflag:s15] =	ssyncadd.s32 $0xFFFFD800  }
0x8e: {  	[hbm4b:s25+s2] =	stream.linear.scatter [tilespmem:s9], [sflag:$0x7], $0x2800, $0x38;
	[tilespmem:$0xF640] =	vst v63  }
0x8f: {  	_ =	swait.ge [sflag:s4], $0x2800  }
0x90: {  	[sflag:s4] =	ssyncset.done $0x0  }
0x91: {  	[sflag:s4] =	ssyncadd.s32 $0xFFFFD800  }
0x92: {  	[tilespmem:s9], [sflag:$0x5] =	stream.indirect.gather [hbm4b:s3+s11], $0x80, s22, s11, $0xb8;
	[tilespmem:$0xF640] =	vst v63  }
0x93: {  	_ =	swait.ge [sflag:s13], $0x2800  }
0x94: {  	[sflag:s13] =	ssyncset.done $0x0  }
0x95: {  	s26 =	rddreg [dreg:$0x10];
	[sflag:s13] =	ssyncadd.s32 $0xFFFFD800  }
0x96: {  	[hbm4b:s26+s2] =	stream.linear.scatter [tilespmem:s8], [sflag:$0x7], $0x2800, $0x38;
	[tilespmem:$0xF640] =	vst v63  }
0x97: {  	_ =	swait.ge [sflag:s4], $0x2800  }
0x98: {  	[sflag:s4] =	ssyncset.done $0x0  }
0x99: {  	[sflag:s4] =	ssyncadd.s32 $0xFFFFD800  }
0x9a: {  	[tilespmem:s8], [sflag:$0x6] =	stream.indirect.gather [hbm4b:s3+s11], $0x80, s21, s11, $0xb8;
	[tilespmem:$0xF640] =	vst v63  }
0x9b: {  	_ =	swait.ge [sflag:s7], $0x2800  }
0x9c: {  	[sflag:s7] =	ssyncset.done $0x0  }
0x9d: {  	s18 =	rddreg [dreg:$0x11];
	[sflag:s7] =	ssyncadd.s32 $0xFFFFD800  }
0x9e: {  	[hbm4b:s18+s2] =	stream.linear.scatter [tilespmem:s5], [sflag:$0x7], $0x2800, $0x38;
	[tilespmem:$0xF640] =	vst v63  }
0x9f: {  	_ =	swait.ge [sflag:s4], $0x2800  }
0xa0: {  	[sflag:s4] =	ssyncset.done $0x0  }
0xa1: {  	[sflag:s4] =	ssyncadd.s32 $0xFFFFD800  }
0xa2: {  	[tilespmem:s5], [sflag:$0x1] =	stream.indirect.gather [hbm4b:s3+s11], $0x80, s20, s11, $0xb8;
	[tilespmem:$0xF640] =	vst v63  }
0xa3: {  	_ =	swait.ge [sflag:s6], $0x2800  }
0xa4: {  	[sflag:s6] =	ssyncset.done $0x0  }
0xa5: {  	s21 =	rddreg [dreg:$0x12];
	[sflag:s6] =	ssyncadd.s32 $0xFFFFD800  }
0xa6: {  	[hbm4b:s21+s2] =	stream.linear.scatter [tilespmem:s14], [sflag:$0x7], $0x2800, $0x38;
	[tilespmem:$0xF640] =	vst v63  }
0xa7: {  	_ =	swait.ge [sflag:s4], $0x2800  }
0xa8: {  	[sflag:s4] =	ssyncset.done $0x0  }
0xa9: {  	[sflag:s4] =	ssyncadd.s32 $0xFFFFD800  }
0xaa: {  	[tilespmem:s14], [sflag:$0x2] =	stream.indirect.gather [hbm4b:s3+s11], $0x80, s19, s11, $0xb8;
	[tilespmem:$0xF640] =	vst v63  }
0xab: {  	_ =	swait.ge [sflag:s17], $0x2800  }
0xac: {  	[sflag:s17] =	ssyncset.done $0x0  }
0xad: {  	s22 =	rddreg [dreg:$0x13];
	[sflag:s17] =	ssyncadd.s32 $0xFFFFD800  }
0xae: {  	[hbm4b:s22+s2] =	stream.linear.scatter [tilespmem:s12], [sflag:$0x7], $0x2800, $0x38;
	[tilespmem:$0xF640] =	vst v63  }
0xaf: {  	_ =	swait.ge [sflag:s4], $0x2800  }
0xb0: {  	[sflag:s4] =	ssyncset.done $0x0  }
0xb1: {  	[sflag:s4] =	ssyncadd.s32 $0xFFFFD800  }
0xb2: {  	_ =	swait.ge [sflag:s16], $0x2800  }
0xb3: {  	[sflag:s16] =	ssyncset.done $0x0  }
0xb4: {  	s23 =	rddreg [dreg:$0x14];
	[sflag:s16] =	ssyncadd.s32 $0xFFFFD800  }
0xb5: {  	[hbm4b:s23+s2] =	stream.linear.scatter [tilespmem:s10], [sflag:$0x7], $0x2800, $0x38;
	[tilespmem:$0xF640] =	vst v63  }
0xb6: {  	_ =	swait.ge [sflag:s4], $0x2800  }
0xb7: {  	[sflag:s4] =	ssyncset.done $0x0  }
0xb8: {  	[sflag:s4] =	ssyncadd.s32 $0xFFFFD800  }
0xb9: {  	_ =	swait.ge [sflag:s15], $0x2800  }
0xba: {  	[sflag:s15] =	ssyncset.done $0x0  }
0xbb: {  	s24 =	rddreg [dreg:$0x15];
	[sflag:s15] =	ssyncadd.s32 $0xFFFFD800  }
0xbc: {  	[hbm4b:s24+s2] =	stream.linear.scatter [tilespmem:s9], [sflag:$0x7], $0x2800, $0x38;
	[tilespmem:$0xF640] =	vst v63  }
0xbd: {  	_ =	swait.ge [sflag:s4], $0x2800  }
0xbe: {  	[sflag:s4] =	ssyncset.done $0x0  }
0xbf: {  	[sflag:s4] =	ssyncadd.s32 $0xFFFFD800  }
0xc0: {  	_ =	swait.ge [sflag:s13], $0x2800  }
0xc1: {  	[sflag:s13] =	ssyncset.done $0x0  }
0xc2: {  	s25 =	rddreg [dreg:$0x16];
	[sflag:s13] =	ssyncadd.s32 $0xFFFFD800  }
0xc3: {  	[hbm4b:s25+s2] =	stream.linear.scatter [tilespmem:s8], [sflag:$0x7], $0x2800, $0x38;
	[tilespmem:$0xF640] =	vst v63  }
0xc4: {  	_ =	swait.ge [sflag:s4], $0x2800  }
0xc5: {  	[sflag:s4] =	ssyncset.done $0x0  }
0xc6: {  	[sflag:s4] =	ssyncadd.s32 $0xFFFFD800  }
0xc7: {  	_ =	swait.ge [sflag:s7], $0x2800  }
0xc8: {  	s30 =	sadd.s32 $0xFFFFFFFF, s1;
	[sflag:s7] =	ssyncset.done $0x0  }
0xc9: {  	s1 =	simm.s32 @!p0 $0x2E40;
	s26 =	rddreg [dreg:$0x17];
	[sflag:s7] =	ssyncadd.s32 $0xFFFFD800  }
0xca: {  	[hbm4b:s26+s2] =	stream.linear.scatter [tilespmem:s5], [sflag:$0x7], $0x2800, $0x38;
	[tilespmem:$0xF640] =	vst v63  }
0xcb: {  	p1 =	por $0x1, $0x1;
	p2 =	sne.s32 s30, $0x0;
	_ =	swait.ge [sflag:s4], $0x2800  }
0xcc: {  	s29 =	simm.s32 @!p0 $0x7;
	s31 =	simm.s32 @!p0 $0x0;
	[sflag:s4] =	ssyncset.done $0x0  }
0xcd: {  	s28 =	simm.s32 $0x370;
	s20 =	simm.s32 $0x5A0;
	[sflag:s4] =	ssyncadd.s32 $0xFFFFD800  }
0xce: {  	s21 =	simm.s32 $0x550;
	s19 =	simm.s32 $0x320;
	_ =	swait.ge [sflag:s6], $0x2800  }
.Ltmp1:
0xcf: {  	s22 =	simm.s32 $0x500;
	[sflag:s6] =	ssyncset.done $0x0;
	(pc) =	sbr.rel @!p2 .LBB2_3-.Ltmp1, $4  }
0xd0: {  	s23 =	simm.s32 $0x4B0;
	s0 =	rddreg [dreg:$0x18];
	[sflag:s6] =	ssyncadd.s32 $0xFFFFD800  }
0xd1: {  	[hbm4b:s0+s31] =	stream.linear.scatter @!p0 [tilespmem:s1], [sflag:$0x7], $0x2800, $0x38;
	[tilespmem:$0xF640] =	vst v63  }
0xd2: {  	s24 =	simm.s32 $0x460;
	s25 =	simm.s32 $0x410;
	_ =	swait.ge @!p0 [sflag:s29], $0x2800  }
0xd3: {  	s26 =	simm.s32 $0x3C0;
	s0 =	rddreg [dreg:$0x4];
	[sflag:s29] =	ssyncset.done @!p0 $0x0  }
.LBB2_4:
0xd4: {  	[sflag:s29] =	ssyncadd.s32 @!p0 $0xFFFFD800  }
0xd5: {  	[tilespmem:s2], [sflag:$0x7] =	stream.linear.gather [hbm4b:s0+s2], $0x640, $0x38;
	[tilespmem:$0xF640] =	vst v63  }
0xd6: {  	_ =	swait.ge [sflag:s4], $0x640  }
0xd7: {  	[sflag:s4] =	ssyncset.done $0x0  }
0xd8: {  	[sflag:s4] =	ssyncadd.s32 $0xFFFFF9C0  }
0xd9: {  	[tilespmem:s5], [sflag:$0x1] =	stream.indirect.gather [hbm4b:s3+s11], $0x80, s2, s11, $0xb8;
	[tilespmem:$0xF640] =	vst v63  }
0xda: {  	_ = 	snop  }
0xdb: {  	[tilespmem:s14], [sflag:$0x2] =	stream.indirect.gather [hbm4b:s3+s11], $0x80, s11, s11, $0xb8;
	[tilespmem:$0xF640] =	vst v63  }
0xdc: {  	s0 =	rddreg [dreg:$0x19]  }
0xdd: {  	[tilespmem:s12], [sflag:$0x3] =	stream.indirect.gather [hbm4b:s3+s11], $0x80, s0, s11, $0xb8;
	[tilespmem:$0xF640] =	vst v63  }
0xde: {  	s18 =	rddreg [dreg:$0x1a]  }
0xdf: {  	[tilespmem:s10], [sflag:$0x4] =	stream.indirect.gather [hbm4b:s3+s11], $0x80, s18, s11, $0xb8;
	[tilespmem:$0xF640] =	vst v63  }
0xe0: {  	s0 =	rddreg [dreg:$0x1b]  }
0xe1: {  	[tilespmem:s9], [sflag:$0x5] =	stream.indirect.gather [hbm4b:s3+s11], $0x80, s0, s11, $0xb8;
	[tilespmem:$0xF640] =	vst v63  }
0xe2: {  	s18 =	rddreg [dreg:$0x1c]  }
0xe3: {  	[tilespmem:s8], [sflag:$0x6] =	stream.indirect.gather [hbm4b:s3+s11], $0x80, s18, s11, $0xb8;
	[tilespmem:$0xF640] =	vst v63  }
0xe4: {  	_ =	swait.ge [sflag:s7], $0x2800  }
0xe5: {  	[sflag:s7] =	ssyncset.done $0x0  }
0xe6: {  	s18 =	rddreg [dreg:$0x5];
	[sflag:s7] =	ssyncadd.s32 $0xFFFFD800  }
0xe7: {  	[hbm4b:s18+s2] =	stream.linear.scatter [tilespmem:s5], [sflag:$0x7], $0x2800, $0x38;
	[tilespmem:$0xF640] =	vst v63  }
0xe8: {  	_ =	swait.ge [sflag:s4], $0x2800  }
0xe9: {  	[sflag:s4] =	ssyncset.done $0x0  }
0xea: {  	s18 =	rddreg [dreg:$0x1d];
	[sflag:s4] =	ssyncadd.s32 $0xFFFFD800  }
0xeb: {  	[tilespmem:s5], [sflag:$0x1] =	stream.indirect.gather [hbm4b:s3+s11], $0x80, s18, s11, $0xb8;
	[tilespmem:$0xF640] =	vst v63  }
0xec: {  	_ =	swait.ge [sflag:s6], $0x2800  }
0xed: {  	[sflag:s6] =	ssyncset.done $0x0  }
0xee: {  	s18 =	rddreg [dreg:$0x6];
	[sflag:s6] =	ssyncadd.s32 $0xFFFFD800  }
0xef: {  	[hbm4b:s18+s2] =	stream.linear.scatter [tilespmem:s14], [sflag:$0x7], $0x2800, $0x38;
	[tilespmem:$0xF640] =	vst v63  }
0xf0: {  	_ =	swait.ge [sflag:s4], $0x2800  }
0xf1: {  	[sflag:s4] =	ssyncset.done $0x0  }
0xf2: {  	s18 =	rddreg [dreg:$0x1e];
	[sflag:s4] =	ssyncadd.s32 $0xFFFFD800  }
0xf3: {  	[tilespmem:s14], [sflag:$0x2] =	stream.indirect.gather [hbm4b:s3+s11], $0x80, s18, s11, $0xb8;
	[tilespmem:$0xF640] =	vst v63  }
0xf4: {  	_ =	swait.ge [sflag:s17], $0x2800  }
0xf5: {  	[sflag:s17] =	ssyncset.done $0x0  }
0xf6: {  	s18 =	rddreg [dreg:$0x7];
	[sflag:s17] =	ssyncadd.s32 $0xFFFFD800  }
0xf7: {  	[hbm4b:s18+s2] =	stream.linear.scatter [tilespmem:s12], [sflag:$0x7], $0x2800, $0x38;
	[tilespmem:$0xF640] =	vst v63  }
0xf8: {  	_ =	swait.ge [sflag:s4], $0x2800  }
0xf9: {  	[sflag:s4] =	ssyncset.done $0x0  }
0xfa: {  	s18 =	rddreg [dreg:$0x1f];
	[sflag:s4] =	ssyncadd.s32 $0xFFFFD800  }
0xfb: {  	[tilespmem:s12], [sflag:$0x3] =	stream.indirect.gather [hbm4b:s3+s11], $0x80, s18, s11, $0xb8;
	[tilespmem:$0xF640] =	vst v63  }
0xfc: {  	_ =	swait.ge [sflag:s16], $0x2800  }
0xfd: {  	[sflag:s16] =	ssyncset.done $0x0  }
0xfe: {  	s18 =	rddreg [dreg:$0x8];
	[sflag:s16] =	ssyncadd.s32 $0xFFFFD800  }
0xff: {  	[hbm4b:s18+s2] =	stream.linear.scatter [tilespmem:s10], [sflag:$0x7], $0x2800, $0x38;
	[tilespmem:$0xF640] =	vst v63  }
0x100: {  	_ =	swait.ge [sflag:s4], $0x2800  }
0x101: {  	s18 =	sld [smem:$0x7FD]  }
0x102: {  	[sflag:s4] =	ssyncset.done $0x0  }
0x103: {  	[sflag:s4] =	ssyncadd.s32 $0xFFFFD800  }
0x104: {  	[tilespmem:s10], [sflag:$0x4] =	stream.indirect.gather [hbm4b:s3+s11], $0x80, s18, s11, $0xb8;
	[tilespmem:$0xF640] =	vst v63  }
0x105: {  	_ =	swait.ge [sflag:s15], $0x2800  }
0x106: {  	[sflag:s15] =	ssyncset.done $0x0  }
0x107: {  	s18 =	rddreg [dreg:$0x9];
	[sflag:s15] =	ssyncadd.s32 $0xFFFFD800  }
0x108: {  	[hbm4b:s18+s2] =	stream.linear.scatter [tilespmem:s9], [sflag:$0x7], $0x2800, $0x38;
	[tilespmem:$0xF640] =	vst v63  }
0x109: {  	_ =	swait.ge [sflag:s4], $0x2800  }
0x10a: {  	[sflag:s4] =	ssyncset.done $0x0  }
0x10b: {  	[sflag:s4] =	ssyncadd.s32 $0xFFFFD800  }
0x10c: {  	[tilespmem:s9], [sflag:$0x5] =	stream.indirect.gather [hbm4b:s3+s11], $0x80, s19, s11, $0xb8;
	[tilespmem:$0xF640] =	vst v63  }
0x10d: {  	_ =	swait.ge [sflag:s13], $0x2800  }
0x10e: {  	[sflag:s13] =	ssyncset.done $0x0  }
0x10f: {  	s18 =	rddreg [dreg:$0xa];
	[sflag:s13] =	ssyncadd.s32 $0xFFFFD800  }
0x110: {  	[hbm4b:s18+s2] =	stream.linear.scatter [tilespmem:s8], [sflag:$0x7], $0x2800, $0x38;
	[tilespmem:$0xF640] =	vst v63  }
0x111: {  	_ =	swait.ge [sflag:s4], $0x2800  }
0x112: {  	[sflag:s4] =	ssyncset.done $0x0  }
0x113: {  	[sflag:s4] =	ssyncadd.s32 $0xFFFFD800  }
0x114: {  	[tilespmem:s8], [sflag:$0x6] =	stream.indirect.gather [hbm4b:s3+s11], $0x80, s28, s11, $0xb8;
	[tilespmem:$0xF640] =	vst v63  }
0x115: {  	_ =	swait.ge [sflag:s7], $0x2800  }
0x116: {  	[sflag:s7] =	ssyncset.done $0x0  }
0x117: {  	s18 =	rddreg [dreg:$0xb];
	[sflag:s7] =	ssyncadd.s32 $0xFFFFD800  }
0x118: {  	[hbm4b:s18+s2] =	stream.linear.scatter [tilespmem:s5], [sflag:$0x7], $0x2800, $0x38;
	[tilespmem:$0xF640] =	vst v63  }
0x119: {  	_ =	swait.ge [sflag:s4], $0x2800  }
0x11a: {  	[sflag:s4] =	ssyncset.done $0x0  }
0x11b: {  	[sflag:s4] =	ssyncadd.s32 $0xFFFFD800  }
0x11c: {  	[tilespmem:s5], [sflag:$0x1] =	stream.indirect.gather [hbm4b:s3+s11], $0x80, s26, s11, $0xb8;
	[tilespmem:$0xF640] =	vst v63  }
0x11d: {  	_ =	swait.ge [sflag:s6], $0x2800  }
0x11e: {  	[sflag:s6] =	ssyncset.done $0x0  }
0x11f: {  	s18 =	rddreg [dreg:$0xc];
	[sflag:s6] =	ssyncadd.s32 $0xFFFFD800  }
0x120: {  	[hbm4b:s18+s2] =	stream.linear.scatter [tilespmem:s14], [sflag:$0x7], $0x2800, $0x38;
	[tilespmem:$0xF640] =	vst v63  }
0x121: {  	_ =	swait.ge [sflag:s4], $0x2800  }
0x122: {  	[sflag:s4] =	ssyncset.done $0x0  }
0x123: {  	[sflag:s4] =	ssyncadd.s32 $0xFFFFD800  }
0x124: {  	[tilespmem:s14], [sflag:$0x2] =	stream.indirect.gather [hbm4b:s3+s11], $0x80, s25, s11, $0xb8;
	[tilespmem:$0xF640] =	vst v63  }
0x125: {  	_ =	swait.ge [sflag:s17], $0x2800  }
0x126: {  	[sflag:s17] =	ssyncset.done $0x0  }
0x127: {  	s18 =	rddreg [dreg:$0xd];
	[sflag:s17] =	ssyncadd.s32 $0xFFFFD800  }
0x128: {  	[hbm4b:s18+s2] =	stream.linear.scatter [tilespmem:s12], [sflag:$0x7], $0x2800, $0x38;
	[tilespmem:$0xF640] =	vst v63  }
0x129: {  	_ =	swait.ge [sflag:s4], $0x2800  }
0x12a: {  	[sflag:s4] =	ssyncset.done $0x0  }
0x12b: {  	[sflag:s4] =	ssyncadd.s32 $0xFFFFD800  }
0x12c: {  	[tilespmem:s12], [sflag:$0x3] =	stream.indirect.gather [hbm4b:s3+s11], $0x80, s24, s11, $0xb8;
	[tilespmem:$0xF640] =	vst v63  }
0x12d: {  	_ =	swait.ge [sflag:s16], $0x2800  }
0x12e: {  	[sflag:s16] =	ssyncset.done $0x0  }
0x12f: {  	s18 =	rddreg [dreg:$0xe];
	[sflag:s16] =	ssyncadd.s32 $0xFFFFD800  }
0x130: {  	[hbm4b:s18+s2] =	stream.linear.scatter [tilespmem:s10], [sflag:$0x7], $0x2800, $0x38;
	[tilespmem:$0xF640] =	vst v63  }
0x131: {  	_ =	swait.ge [sflag:s4], $0x2800  }
0x132: {  	[sflag:s4] =	ssyncset.done $0x0  }
0x133: {  	[sflag:s4] =	ssyncadd.s32 $0xFFFFD800  }
0x134: {  	[tilespmem:s10], [sflag:$0x4] =	stream.indirect.gather [hbm4b:s3+s11], $0x80, s23, s11, $0xb8;
	[tilespmem:$0xF640] =	vst v63  }
0x135: {  	_ =	swait.ge [sflag:s15], $0x2800  }
0x136: {  	[sflag:s15] =	ssyncset.done $0x0  }
0x137: {  	s18 =	rddreg [dreg:$0xf];
	[sflag:s15] =	ssyncadd.s32 $0xFFFFD800  }
0x138: {  	[hbm4b:s18+s2] =	stream.linear.scatter [tilespmem:s9], [sflag:$0x7], $0x2800, $0x38;
	[tilespmem:$0xF640] =	vst v63  }
0x139: {  	_ =	swait.ge [sflag:s4], $0x2800  }
0x13a: {  	[sflag:s4] =	ssyncset.done $0x0  }
0x13b: {  	[sflag:s4] =	ssyncadd.s32 $0xFFFFD800  }
0x13c: {  	[tilespmem:s9], [sflag:$0x5] =	stream.indirect.gather [hbm4b:s3+s11], $0x80, s22, s11, $0xb8;
	[tilespmem:$0xF640] =	vst v63  }
0x13d: {  	_ =	swait.ge [sflag:s13], $0x2800  }
0x13e: {  	[sflag:s13] =	ssyncset.done $0x0  }
0x13f: {  	s18 =	rddreg [dreg:$0x10];
	[sflag:s13] =	ssyncadd.s32 $0xFFFFD800  }
0x140: {  	[hbm4b:s18+s2] =	stream.linear.scatter [tilespmem:s8], [sflag:$0x7], $0x2800, $0x38;
	[tilespmem:$0xF640] =	vst v63  }
0x141: {  	_ =	swait.ge [sflag:s4], $0x2800  }
0x142: {  	[sflag:s4] =	ssyncset.done $0x0  }
0x143: {  	[sflag:s4] =	ssyncadd.s32 $0xFFFFD800  }
0x144: {  	[tilespmem:s8], [sflag:$0x6] =	stream.indirect.gather [hbm4b:s3+s11], $0x80, s21, s11, $0xb8;
	[tilespmem:$0xF640] =	vst v63  }
0x145: {  	_ =	swait.ge [sflag:s7], $0x2800  }
0x146: {  	[sflag:s7] =	ssyncset.done $0x0  }
0x147: {  	s18 =	rddreg [dreg:$0x11];
	[sflag:s7] =	ssyncadd.s32 $0xFFFFD800  }
0x148: {  	[hbm4b:s18+s2] =	stream.linear.scatter [tilespmem:s5], [sflag:$0x7], $0x2800, $0x38;
	[tilespmem:$0xF640] =	vst v63  }
0x149: {  	_ =	swait.ge [sflag:s4], $0x2800  }
0x14a: {  	[sflag:s4] =	ssyncset.done $0x0  }
0x14b: {  	[sflag:s4] =	ssyncadd.s32 $0xFFFFD800  }
0x14c: {  	[tilespmem:s5], [sflag:$0x1] =	stream.indirect.gather [hbm4b:s3+s11], $0x80, s20, s11, $0xb8;
	[tilespmem:$0xF640] =	vst v63  }
0x14d: {  	_ =	swait.ge [sflag:s6], $0x2800  }
0x14e: {  	[sflag:s6] =	ssyncset.done $0x0  }
0x14f: {  	s18 =	rddreg [dreg:$0x12];
	[sflag:s6] =	ssyncadd.s32 $0xFFFFD800  }
0x150: {  	[hbm4b:s18+s2] =	stream.linear.scatter [tilespmem:s14], [sflag:$0x7], $0x2800, $0x38;
	[tilespmem:$0xF640] =	vst v63  }
0x151: {  	_ =	swait.ge [sflag:s4], $0x2800  }
0x152: {  	[sflag:s4] =	ssyncset.done $0x0  }
0x153: {  	s18 =	simm.s32 $0x5F0;
	[sflag:s4] =	ssyncadd.s32 $0xFFFFD800  }
0x154: {  	[tilespmem:s14], [sflag:$0x2] =	stream.indirect.gather [hbm4b:s3+s11], $0x80, s18, s11, $0xb8;
	[tilespmem:$0xF640] =	vst v63  }
0x155: {  	_ =	swait.ge [sflag:s17], $0x2800  }
0x156: {  	[sflag:s17] =	ssyncset.done $0x0  }
0x157: {  	s18 =	rddreg [dreg:$0x13];
	[sflag:s17] =	ssyncadd.s32 $0xFFFFD800  }
0x158: {  	[hbm4b:s18+s2] =	stream.linear.scatter [tilespmem:s12], [sflag:$0x7], $0x2800, $0x38;
	[tilespmem:$0xF640] =	vst v63  }
0x159: {  	_ =	swait.ge [sflag:s4], $0x2800  }
0x15a: {  	[sflag:s4] =	ssyncset.done $0x0  }
0x15b: {  	[sflag:s4] =	ssyncadd.s32 $0xFFFFD800  }
0x15c: {  	_ =	swait.ge [sflag:s16], $0x2800  }
0x15d: {  	[sflag:s16] =	ssyncset.done $0x0  }
0x15e: {  	s18 =	rddreg [dreg:$0x14];
	[sflag:s16] =	ssyncadd.s32 $0xFFFFD800  }
0x15f: {  	[hbm4b:s18+s2] =	stream.linear.scatter [tilespmem:s10], [sflag:$0x7], $0x2800, $0x38;
	[tilespmem:$0xF640] =	vst v63  }
0x160: {  	_ =	swait.ge [sflag:s4], $0x2800  }
0x161: {  	[sflag:s4] =	ssyncset.done $0x0  }
0x162: {  	[sflag:s4] =	ssyncadd.s32 $0xFFFFD800  }
0x163: {  	_ =	swait.ge [sflag:s15], $0x2800  }
0x164: {  	[sflag:s15] =	ssyncset.done $0x0  }
0x165: {  	s18 =	rddreg [dreg:$0x15];
	[sflag:s15] =	ssyncadd.s32 $0xFFFFD800  }
0x166: {  	[hbm4b:s18+s2] =	stream.linear.scatter [tilespmem:s9], [sflag:$0x7], $0x2800, $0x38;
	[tilespmem:$0xF640] =	vst v63  }
0x167: {  	_ =	swait.ge [sflag:s4], $0x2800  }
0x168: {  	[sflag:s4] =	ssyncset.done $0x0  }
0x169: {  	[sflag:s4] =	ssyncadd.s32 $0xFFFFD800  }
0x16a: {  	_ =	swait.ge [sflag:s13], $0x2800  }
0x16b: {  	[sflag:s13] =	ssyncset.done $0x0  }
0x16c: {  	s18 =	rddreg [dreg:$0x16];
	[sflag:s13] =	ssyncadd.s32 $0xFFFFD800  }
0x16d: {  	[hbm4b:s18+s2] =	stream.linear.scatter [tilespmem:s8], [sflag:$0x7], $0x2800, $0x38;
	[tilespmem:$0xF640] =	vst v63  }
0x16e: {  	_ =	swait.ge [sflag:s4], $0x2800  }
0x16f: {  	[sflag:s4] =	ssyncset.done $0x0  }
0x170: {  	[sflag:s4] =	ssyncadd.s32 $0xFFFFD800  }
0x171: {  	_ =	swait.ge [sflag:s7], $0x2800  }
0x172: {  	[sflag:s7] =	ssyncset.done $0x0  }
0x173: {  	s18 =	rddreg [dreg:$0x17];
	[sflag:s7] =	ssyncadd.s32 $0xFFFFD800  }
0x174: {  	[hbm4b:s18+s2] =	stream.linear.scatter [tilespmem:s5], [sflag:$0x7], $0x2800, $0x38;
	[tilespmem:$0xF640] =	vst v63  }
0x175: {  	_ =	swait.ge [sflag:s4], $0x2800  }
0x176: {  	[sflag:s4] =	ssyncset.done $0x0  }
0x177: {  	s30 =	sadd.s32 $0xFFFFFFFF, s30;
	[sflag:s4] =	ssyncadd.s32 $0xFFFFD800  }
0x178: {  	p2 =	sne.s32 s30, $0x0;
	_ =	swait.ge [sflag:s6], $0x2800  }
.Ltmp2:
0x179: {  	[sflag:s6] =	ssyncset.done $0x0;
	(pc) =	sbr.rel @p2 .LBB2_4-.Ltmp2, $4  }
0x17a: {  	s0 =	rddreg [dreg:$0x18];
	[sflag:s6] =	ssyncadd.s32 $0xFFFFD800  }
0x17b: {  	[hbm4b:s0+s31] =	stream.linear.scatter @!p0 [tilespmem:s1], [sflag:$0x7], $0x2800, $0x38;
	[tilespmem:$0xF640] =	vst v63  }
0x17c: {  	_ =	swait.ge @!p0 [sflag:s29], $0x2800  }
0x17d: {  	s0 =	rddreg [dreg:$0x4];
	[sflag:s29] =	ssyncset.done @!p0 $0x0  }
0x17e: {  	s18 =	stileid.u32;
	s30 =	rddreg [dreg:$0x3];
	s19 =	simm.s32 $0x5F0  }
0x17f: {  	s20 =	simm.s32 $0x5A0;
	s21 =	simm.s32 $0x550;
	s22 =	simm.s32 $0x500  }
0x180: {  	s23 =	simm.s32 $0x4B0;
	s24 =	simm.s32 $0x460;
	s25 =	simm.s32 $0x410  }
0x181: {  	s26 =	simm.s32 $0x3C0;
	s28 =	simm.s32 $0x370;
	s31 =	simm.s32 $0x320  }
.LBB2_6:
0x182: {  	p1 =	por p0, !p1  }
0x183: {  	[sflag:s29] =	ssyncadd.s32 @!p1 $0xFFFFD800  }
0x184: {  	[tilespmem:s2], [sflag:$0x7] =	stream.linear.gather [hbm4b:s0+s2], $0x640, $0x38;
	[tilespmem:$0xF640] =	vst v63  }
0x185: {  	_ =	swait.ge [sflag:s4], $0x640  }
0x186: {  	[sflag:s4] =	ssyncset.done $0x0  }
0x187: {  	[sflag:s4] =	ssyncadd.s32 $0xFFFFF9C0  }
0x188: {  	[tilespmem:s5], [sflag:$0x1] =	stream.indirect.gather [hbm4b:s3+s11], $0x80, s2, s11, $0xb8;
	[tilespmem:$0xF640] =	vst v63  }
0x189: {  	_ = 	snop  }
0x18a: {  	[tilespmem:s14], [sflag:$0x2] =	stream.indirect.gather [hbm4b:s3+s11], $0x80, s11, s11, $0xb8;
	[tilespmem:$0xF640] =	vst v63  }
0x18b: {  	s29 =	rddreg [dreg:$0x19]  }
0x18c: {  	[tilespmem:s12], [sflag:$0x3] =	stream.indirect.gather [hbm4b:s3+s11], $0x80, s29, s11, $0xb8;
	[tilespmem:$0xF640] =	vst v63  }
0x18d: {  	s1 =	rddreg [dreg:$0x1a]  }
0x18e: {  	[tilespmem:s10], [sflag:$0x4] =	stream.indirect.gather [hbm4b:s3+s11], $0x80, s1, s11, $0xb8;
	[tilespmem:$0xF640] =	vst v63  }
0x18f: {  	s0 =	rddreg [dreg:$0x1b]  }
0x190: {  	[tilespmem:s9], [sflag:$0x5] =	stream.indirect.gather [hbm4b:s3+s11], $0x80, s0, s11, $0xb8;
	[tilespmem:$0xF640] =	vst v63  }
0x191: {  	s29 =	rddreg [dreg:$0x1c]  }
0x192: {  	[tilespmem:s8], [sflag:$0x6] =	stream.indirect.gather [hbm4b:s3+s11], $0x80, s29, s11, $0xb8;
	[tilespmem:$0xF640] =	vst v63  }
0x193: {  	_ =	swait.ge [sflag:s7], $0x2800  }
0x194: {  	[sflag:s7] =	ssyncset.done $0x0  }
0x195: {  	s29 =	rddreg [dreg:$0x5];
	[sflag:s7] =	ssyncadd.s32 $0xFFFFD800  }
0x196: {  	[hbm4b:s29+s2] =	stream.linear.scatter [tilespmem:s5], [sflag:$0x7], $0x2800, $0x38;
	[tilespmem:$0xF640] =	vst v63  }
0x197: {  	_ =	swait.ge [sflag:s4], $0x2800  }
0x198: {  	[sflag:s4] =	ssyncset.done $0x0  }
0x199: {  	s1 =	rddreg [dreg:$0x1d];
	[sflag:s4] =	ssyncadd.s32 $0xFFFFD800  }
0x19a: {  	[tilespmem:s5], [sflag:$0x1] =	stream.indirect.gather [hbm4b:s3+s11], $0x80, s1, s11, $0xb8;
	[tilespmem:$0xF640] =	vst v63  }
0x19b: {  	_ =	swait.ge [sflag:s6], $0x2800  }
0x19c: {  	[sflag:s6] =	ssyncset.done $0x0  }
0x19d: {  	s29 =	rddreg [dreg:$0x6];
	[sflag:s6] =	ssyncadd.s32 $0xFFFFD800  }
0x19e: {  	[hbm4b:s29+s2] =	stream.linear.scatter [tilespmem:s14], [sflag:$0x7], $0x2800, $0x38;
	[tilespmem:$0xF640] =	vst v63  }
0x19f: {  	_ =	swait.ge [sflag:s4], $0x2800  }
0x1a0: {  	[sflag:s4] =	ssyncset.done $0x0  }
0x1a1: {  	s1 =	rddreg [dreg:$0x1e];
	[sflag:s4] =	ssyncadd.s32 $0xFFFFD800  }
0x1a2: {  	[tilespmem:s14], [sflag:$0x2] =	stream.indirect.gather [hbm4b:s3+s11], $0x80, s1, s11, $0xb8;
	[tilespmem:$0xF640] =	vst v63  }
0x1a3: {  	_ =	swait.ge [sflag:s17], $0x2800  }
0x1a4: {  	[sflag:s17] =	ssyncset.done $0x0  }
0x1a5: {  	s29 =	rddreg [dreg:$0x7];
	[sflag:s17] =	ssyncadd.s32 $0xFFFFD800  }
0x1a6: {  	[hbm4b:s29+s2] =	stream.linear.scatter [tilespmem:s12], [sflag:$0x7], $0x2800, $0x38;
	[tilespmem:$0xF640] =	vst v63  }
0x1a7: {  	_ =	swait.ge [sflag:s4], $0x2800  }
0x1a8: {  	[sflag:s4] =	ssyncset.done $0x0  }
0x1a9: {  	s1 =	rddreg [dreg:$0x1f];
	[sflag:s4] =	ssyncadd.s32 $0xFFFFD800  }
0x1aa: {  	[tilespmem:s12], [sflag:$0x3] =	stream.indirect.gather [hbm4b:s3+s11], $0x80, s1, s11, $0xb8;
	[tilespmem:$0xF640] =	vst v63  }
0x1ab: {  	_ =	swait.ge [sflag:s16], $0x2800  }
0x1ac: {  	[sflag:s16] =	ssyncset.done $0x0  }
0x1ad: {  	s29 =	rddreg [dreg:$0x8];
	[sflag:s16] =	ssyncadd.s32 $0xFFFFD800  }
0x1ae: {  	[hbm4b:s29+s2] =	stream.linear.scatter [tilespmem:s10], [sflag:$0x7], $0x2800, $0x38;
	[tilespmem:$0xF640] =	vst v63  }
0x1af: {  	_ =	swait.ge [sflag:s4], $0x2800  }
0x1b0: {  	s1 =	sld [smem:$0x7FD]  }
0x1b1: {  	[sflag:s4] =	ssyncset.done $0x0  }
0x1b2: {  	[sflag:s4] =	ssyncadd.s32 $0xFFFFD800  }
0x1b3: {  	[tilespmem:s10], [sflag:$0x4] =	stream.indirect.gather [hbm4b:s3+s11], $0x80, s1, s11, $0xb8;
	[tilespmem:$0xF640] =	vst v63  }
0x1b4: {  	_ =	swait.ge [sflag:s15], $0x2800  }
0x1b5: {  	[sflag:s15] =	ssyncset.done $0x0  }
0x1b6: {  	s29 =	rddreg [dreg:$0x9];
	[sflag:s15] =	ssyncadd.s32 $0xFFFFD800  }
0x1b7: {  	[hbm4b:s29+s2] =	stream.linear.scatter [tilespmem:s9], [sflag:$0x7], $0x2800, $0x38;
	[tilespmem:$0xF640] =	vst v63  }
0x1b8: {  	_ =	swait.ge [sflag:s4], $0x2800  }
0x1b9: {  	[sflag:s4] =	ssyncset.done $0x0  }
0x1ba: {  	[sflag:s4] =	ssyncadd.s32 $0xFFFFD800  }
0x1bb: {  	[tilespmem:s9], [sflag:$0x5] =	stream.indirect.gather [hbm4b:s3+s11], $0x80, s31, s11, $0xb8;
	[tilespmem:$0xF640] =	vst v63  }
0x1bc: {  	_ =	swait.ge [sflag:s13], $0x2800  }
0x1bd: {  	[sflag:s13] =	ssyncset.done $0x0  }
0x1be: {  	s31 =	rddreg [dreg:$0xa];
	[sflag:s13] =	ssyncadd.s32 $0xFFFFD800  }
0x1bf: {  	[hbm4b:s31+s2] =	stream.linear.scatter [tilespmem:s8], [sflag:$0x7], $0x2800, $0x38;
	[tilespmem:$0xF640] =	vst v63  }
0x1c0: {  	_ =	swait.ge [sflag:s4], $0x2800  }
0x1c1: {  	[sflag:s4] =	ssyncset.done $0x0  }
0x1c2: {  	[sflag:s4] =	ssyncadd.s32 $0xFFFFD800  }
0x1c3: {  	[tilespmem:s8], [sflag:$0x6] =	stream.indirect.gather [hbm4b:s3+s11], $0x80, s28, s11, $0xb8;
	[tilespmem:$0xF640] =	vst v63  }
0x1c4: {  	_ =	swait.ge [sflag:s7], $0x2800  }
0x1c5: {  	[sflag:s7] =	ssyncset.done $0x0  }
0x1c6: {  	s1 =	rddreg [dreg:$0xb];
	[sflag:s7] =	ssyncadd.s32 $0xFFFFD800  }
0x1c7: {  	[hbm4b:s1+s2] =	stream.linear.scatter [tilespmem:s5], [sflag:$0x7], $0x2800, $0x38;
	[tilespmem:$0xF640] =	vst v63  }
0x1c8: {  	_ =	swait.ge [sflag:s4], $0x2800  }
0x1c9: {  	[sflag:s4] =	ssyncset.done $0x0  }
0x1ca: {  	[sflag:s4] =	ssyncadd.s32 $0xFFFFD800  }
0x1cb: {  	[tilespmem:s5], [sflag:$0x1] =	stream.indirect.gather [hbm4b:s3+s11], $0x80, s26, s11, $0xb8;
	[tilespmem:$0xF640] =	vst v63  }
0x1cc: {  	_ =	swait.ge [sflag:s6], $0x2800  }
0x1cd: {  	[sflag:s6] =	ssyncset.done $0x0  }
0x1ce: {  	s28 =	rddreg [dreg:$0xc];
	[sflag:s6] =	ssyncadd.s32 $0xFFFFD800  }
0x1cf: {  	[hbm4b:s28+s2] =	stream.linear.scatter [tilespmem:s14], [sflag:$0x7], $0x2800, $0x38;
	[tilespmem:$0xF640] =	vst v63  }
0x1d0: {  	_ =	swait.ge [sflag:s4], $0x2800  }
0x1d1: {  	[sflag:s4] =	ssyncset.done $0x0  }
0x1d2: {  	[sflag:s4] =	ssyncadd.s32 $0xFFFFD800  }
0x1d3: {  	[tilespmem:s14], [sflag:$0x2] =	stream.indirect.gather [hbm4b:s3+s11], $0x80, s25, s11, $0xb8;
	[tilespmem:$0xF640] =	vst v63  }
0x1d4: {  	_ =	swait.ge [sflag:s17], $0x2800  }
0x1d5: {  	[sflag:s17] =	ssyncset.done $0x0  }
0x1d6: {  	s29 =	rddreg [dreg:$0xd];
	[sflag:s17] =	ssyncadd.s32 $0xFFFFD800  }
0x1d7: {  	[hbm4b:s29+s2] =	stream.linear.scatter [tilespmem:s12], [sflag:$0x7], $0x2800, $0x38;
	[tilespmem:$0xF640] =	vst v63  }
0x1d8: {  	_ =	swait.ge [sflag:s4], $0x2800  }
0x1d9: {  	[sflag:s4] =	ssyncset.done $0x0  }
0x1da: {  	[sflag:s4] =	ssyncadd.s32 $0xFFFFD800  }
0x1db: {  	[tilespmem:s12], [sflag:$0x3] =	stream.indirect.gather [hbm4b:s3+s11], $0x80, s24, s11, $0xb8;
	[tilespmem:$0xF640] =	vst v63  }
0x1dc: {  	_ =	swait.ge [sflag:s16], $0x2800  }
0x1dd: {  	[sflag:s16] =	ssyncset.done $0x0  }
0x1de: {  	s31 =	rddreg [dreg:$0xe];
	[sflag:s16] =	ssyncadd.s32 $0xFFFFD800  }
0x1df: {  	[hbm4b:s31+s2] =	stream.linear.scatter [tilespmem:s10], [sflag:$0x7], $0x2800, $0x38;
	[tilespmem:$0xF640] =	vst v63  }
0x1e0: {  	_ =	swait.ge [sflag:s4], $0x2800  }
0x1e1: {  	[sflag:s4] =	ssyncset.done $0x0  }
0x1e2: {  	[sflag:s4] =	ssyncadd.s32 $0xFFFFD800  }
0x1e3: {  	[tilespmem:s10], [sflag:$0x4] =	stream.indirect.gather [hbm4b:s3+s11], $0x80, s23, s11, $0xb8;
	[tilespmem:$0xF640] =	vst v63  }
0x1e4: {  	_ =	swait.ge [sflag:s15], $0x2800  }
0x1e5: {  	[sflag:s15] =	ssyncset.done $0x0  }
0x1e6: {  	s1 =	rddreg [dreg:$0xf];
	[sflag:s15] =	ssyncadd.s32 $0xFFFFD800  }
0x1e7: {  	[hbm4b:s1+s2] =	stream.linear.scatter [tilespmem:s9], [sflag:$0x7], $0x2800, $0x38;
	[tilespmem:$0xF640] =	vst v63  }
0x1e8: {  	_ =	swait.ge [sflag:s4], $0x2800  }
0x1e9: {  	[sflag:s4] =	ssyncset.done $0x0  }
0x1ea: {  	[sflag:s4] =	ssyncadd.s32 $0xFFFFD800  }
0x1eb: {  	[tilespmem:s9], [sflag:$0x5] =	stream.indirect.gather [hbm4b:s3+s11], $0x80, s22, s11, $0xb8;
	[tilespmem:$0xF640] =	vst v63  }
0x1ec: {  	_ =	swait.ge [sflag:s13], $0x2800  }
0x1ed: {  	[sflag:s13] =	ssyncset.done $0x0  }
0x1ee: {  	s22 =	rddreg [dreg:$0x10];
	[sflag:s13] =	ssyncadd.s32 $0xFFFFD800  }
0x1ef: {  	[hbm4b:s22+s2] =	stream.linear.scatter [tilespmem:s8], [sflag:$0x7], $0x2800, $0x38;
	[tilespmem:$0xF640] =	vst v63  }
0x1f0: {  	_ =	swait.ge [sflag:s4], $0x2800  }
0x1f1: {  	[sflag:s4] =	ssyncset.done $0x0  }
0x1f2: {  	[sflag:s4] =	ssyncadd.s32 $0xFFFFD800  }
0x1f3: {  	[tilespmem:s8], [sflag:$0x6] =	stream.indirect.gather [hbm4b:s3+s11], $0x80, s21, s11, $0xb8;
	[tilespmem:$0xF640] =	vst v63  }
0x1f4: {  	_ =	swait.ge [sflag:s7], $0x2800  }
0x1f5: {  	[sflag:s7] =	ssyncset.done $0x0  }
0x1f6: {  	s23 =	rddreg [dreg:$0x11];
	[sflag:s7] =	ssyncadd.s32 $0xFFFFD800  }
0x1f7: {  	[hbm4b:s23+s2] =	stream.linear.scatter [tilespmem:s5], [sflag:$0x7], $0x2800, $0x38;
	[tilespmem:$0xF640] =	vst v63  }
0x1f8: {  	_ =	swait.ge [sflag:s4], $0x2800  }
0x1f9: {  	[sflag:s4] =	ssyncset.done $0x0  }
0x1fa: {  	[sflag:s4] =	ssyncadd.s32 $0xFFFFD800  }
0x1fb: {  	[tilespmem:s5], [sflag:$0x1] =	stream.indirect.gather [hbm4b:s3+s11], $0x80, s20, s11, $0xb8;
	[tilespmem:$0xF640] =	vst v63  }
0x1fc: {  	_ =	swait.ge [sflag:s6], $0x2800  }
0x1fd: {  	[sflag:s6] =	ssyncset.done $0x0  }
0x1fe: {  	s24 =	rddreg [dreg:$0x12];
	[sflag:s6] =	ssyncadd.s32 $0xFFFFD800  }
0x1ff: {  	[hbm4b:s24+s2] =	stream.linear.scatter [tilespmem:s14], [sflag:$0x7], $0x2800, $0x38;
	[tilespmem:$0xF640] =	vst v63  }
0x200: {  	_ =	swait.ge [sflag:s4], $0x2800  }
0x201: {  	[sflag:s4] =	ssyncset.done $0x0  }
0x202: {  	[sflag:s4] =	ssyncadd.s32 $0xFFFFD800  }
0x203: {  	[tilespmem:s14], [sflag:$0x2] =	stream.indirect.gather [hbm4b:s3+s11], $0x80, s19, s11, $0xb8;
	[tilespmem:$0xF640] =	vst v63  }
0x204: {  	_ =	swait.ge [sflag:s17], $0x2800  }
0x205: {  	[sflag:s17] =	ssyncset.done $0x0  }
0x206: {  	s25 =	rddreg [dreg:$0x13];
	[sflag:s17] =	ssyncadd.s32 $0xFFFFD800  }
0x207: {  	[hbm4b:s25+s2] =	stream.linear.scatter [tilespmem:s12], [sflag:$0x7], $0x2800, $0x38;
	[tilespmem:$0xF640] =	vst v63  }
0x208: {  	_ =	swait.ge [sflag:s4], $0x2800  }
0x209: {  	[sflag:s4] =	ssyncset.done $0x0  }
0x20a: {  	[sflag:s4] =	ssyncadd.s32 $0xFFFFD800  }
0x20b: {  	_ =	swait.ge [sflag:s16], $0x2800  }
0x20c: {  	[sflag:s16] =	ssyncset.done $0x0  }
0x20d: {  	s26 =	rddreg [dreg:$0x14];
	[sflag:s16] =	ssyncadd.s32 $0xFFFFD800  }
0x20e: {  	[hbm4b:s26+s2] =	stream.linear.scatter [tilespmem:s10], [sflag:$0x7], $0x2800, $0x38;
	[tilespmem:$0xF640] =	vst v63  }
0x20f: {  	_ =	swait.ge [sflag:s4], $0x2800  }
0x210: {  	[sflag:s4] =	ssyncset.done $0x0  }
0x211: {  	[sflag:s4] =	ssyncadd.s32 $0xFFFFD800  }
0x212: {  	_ =	swait.ge [sflag:s15], $0x2800  }
0x213: {  	[sflag:s15] =	ssyncset.done $0x0  }
0x214: {  	s28 =	rddreg [dreg:$0x15];
	[sflag:s15] =	ssyncadd.s32 $0xFFFFD800  }
0x215: {  	[hbm4b:s28+s2] =	stream.linear.scatter [tilespmem:s9], [sflag:$0x7], $0x2800, $0x38;
	[tilespmem:$0xF640] =	vst v63  }
0x216: {  	_ =	swait.ge [sflag:s4], $0x2800  }
0x217: {  	[sflag:s4] =	ssyncset.done $0x0  }
0x218: {  	[sflag:s4] =	ssyncadd.s32 $0xFFFFD800  }
0x219: {  	_ =	swait.ge [sflag:s13], $0x2800  }
0x21a: {  	[sflag:s13] =	ssyncset.done $0x0  }
0x21b: {  	s29 =	rddreg [dreg:$0x16];
	[sflag:s13] =	ssyncadd.s32 $0xFFFFD800  }
0x21c: {  	[hbm4b:s29+s2] =	stream.linear.scatter [tilespmem:s8], [sflag:$0x7], $0x2800, $0x38;
	[tilespmem:$0xF640] =	vst v63  }
0x21d: {  	_ =	swait.ge [sflag:s4], $0x2800  }
0x21e: {  	[sflag:s4] =	ssyncset.done $0x0  }
0x21f: {  	[sflag:s4] =	ssyncadd.s32 $0xFFFFD800  }
0x220: {  	_ =	swait.ge [sflag:s7], $0x2800  }
0x221: {  	[sflag:s7] =	ssyncset.done $0x0  }
0x222: {  	s31 =	rddreg [dreg:$0x17];
	[sflag:s7] =	ssyncadd.s32 $0xFFFFD800  }
0x223: {  	[hbm4b:s31+s2] =	stream.linear.scatter [tilespmem:s5], [sflag:$0x7], $0x2800, $0x38;
	[tilespmem:$0xF640] =	vst v63  }
0x224: {  	_ =	swait.ge [sflag:s4], $0x2800  }
0x225: {  	[sflag:s4] =	ssyncset.done $0x0  }
0x226: {  	[sflag:s4] =	ssyncadd.s32 $0xFFFFD800  }
0x227: {  	_ =	swait.ge [sflag:s6], $0x2800  }
0x228: {  	s1 =	simm.s32 @!p0 $0x0;
	[sflag:s6] =	ssyncset.done $0x0  }
0x229: {  	s2 =	simm.s32 @!p0 $0x2E40;
	s0 =	rddreg [dreg:$0x18];
	[sflag:s6] =	ssyncadd.s32 $0xFFFFD800  }
0x22a: {  	[hbm4b:s0+s1] =	stream.linear.scatter @!p0 [tilespmem:s2], [sflag:$0x7], $0x2800, $0x38;
	[tilespmem:$0xF640] =	vst v63  }
0x22b: {  	s0 =	simm.s32 @!p0 $0x7  }
0x22c: {  	_ =	swait.ge @!p0 [sflag:s0], $0x2800  }
0x22d: {  	[sflag:s0] =	ssyncset.done @!p0 $0x0  }
0x22e: {  	[sflag:s0] =	ssyncadd.s32 @!p0 $0xFFFFD800  }
0x22f: {  	_ =	sfence.sel $0x180000  }
0x230: {  	[bflag:$0x0] =	sbarrier.arrive $0xFFFF  }
0x231: {  	p0 =	sne.s32 s18, $0x0;
	_ =	strace $0x9000004A  }
0x232: {  	s0 =	sadd.s32 @!p0 $0x100000, s30;
	[bflag:$0x2] =	sbarrier.arrive $0xFFFF  }
0x233: {  	[sflag:s0] =	ssyncadd.tile.s32 @!p0 $0x1;
	_ =	shalt  }
.LBB2_1:
.Ltmp3:
0x234: {  	(pc) =	sbr.rel .LBB2_6-.Ltmp3, $2  }
0x235: {  	_ =	sdelay $0x2  }
0x236: {  	_ = 	snop  }
.LBB2_3:
.Ltmp4:
0x237: {  	(pc) =	sbr.rel .LBB2_6-.Ltmp4, $4  }
0x238: {  	s18 =	stileid.u32;
	s30 =	rddreg [dreg:$0x3];
	s19 =	simm.s32 $0x5F0  }
0x239: {  	s20 =	simm.s32 $0x5A0;
	s21 =	simm.s32 $0x550;
	s22 =	simm.s32 $0x500  }
0x23a: {  	s23 =	simm.s32 $0x4B0;
	s24 =	simm.s32 $0x460;
	s25 =	simm.s32 $0x410  }
0x23b: {  	s26 =	simm.s32 $0x3C0;
	s28 =	simm.s32 $0x370;
	s31 =	simm.s32 $0x320  }
.Lfunc_end2:
_tile_overlayer_lowered:
.L_overlay_start_2:
0x23c: {  	(tag) =	ssettag $0x2  }
0x23d: {  	s0 =	rddreg [dreg:$0x0];
	s2 =	stileid.u32  }
0x23e: {  	s1 =	rddreg [dreg:$0x1];
	p0 =	sne.s32 s2, $0x0  }
0x23f: {  	s3 =	rddreg [dreg:$0x2];
	[bflag:$0x3] =	sbarrier.arrive $0xFFFF;
	s2 =	simm.s32 @!p0 $0x1C07  }
0x240: {  	[timem:s3], [sflag:s2] =	dma.local @!p0 [hbm:s0], s1  }
0x241: {  	s0 =	simm.s32 @!p0 $0x7  }
0x242: {  	_ =	swait.ge @!p0 [sflag:s0], s1  }
0x243: {  	s1 =	ssub.s32 @!p0 $0x0, s1;
	[sflag:s0] =	ssyncset.done @!p0 $0x0  }
0x244: {  	[sflag:s0] =	ssyncadd.s32 @!p0 s1  }
0x245: {  	[bflag:$0x3] =	sbarrier.arrive $0xFFFF  }
0x246: {  	_ =	shalt  }

// kernel: kernel.8.cloned.1.call-start
scs
__scs_entry_jumppad:
0x0: {  	(pc) =	sbr.rel $0x88, $3  }
0x1: {  	(tag) =	ssettag $0x0;
	lr =	simm.s32 $0x1  }
0x2: {  	[smem:$0x3F9C] =	sst lr;
	_ =	strace $0xD0000000  }
0x3: {  	_ = 	snop  }
0x4: {  	_ = 	snop  }
0x5: {  	_ = 	snop  }
0x6: {  	_ = 	snop  }
0x7: {  	_ = 	snop  }
__scs_overlays_trampoline_lowered:
0x8: {  	[smem:$0x3FAB] =	sst s0  }
0x9: {  	[smem:$0x3FAC] =	sst s1  }
0xa: {  	[smem:$0x3FAD] =	sst s2  }
0xb: {  	[smem:$0x3FAE] =	sst s3  }
0xc: {  	[smem:$0x3FAF] =	sst s4  }
0xd: {  	[smem:$0x3FB0] =	sst s5  }
0xe: {  	[smem:$0x3FB1] =	sst s6  }
0xf: {  	[smem:$0x3FB2] =	sst s7  }
0x10: {  	[smem:$0x3FB3] =	sst s8  }
0x11: {  	[smem:$0x3FB4] =	sst s9;
	s0 =	simm.s32 @!p0 $0x0  }
0x12: {  	s1 =	sld [smem:$0x3F9A];
	s0 =	simm.s32 @p0 $0x1  }
0x13: {  	[smem:$0x3FB5] =	sst s0;
	s0 =	simm.s32 @!p1 $0x0  }
0x14: {  	s2 =	sld [smem:$0x3F99];
	s0 =	simm.s32 @p1 $0x1  }
0x15: {  	[smem:$0x3FB6] =	sst s0;
	s0 =	simm.s32 @!p2 $0x0  }
0x16: {  	s3 =	sld [smem:$0x3FDB];
	s0 =	simm.s32 @p2 $0x1  }
0x17: {  	s4 =	simm.s32 $0x1BF5;
	[smem:$0x3FB8] =	sst s0  }
0x18: {  	s0 =	sld [smem:$0x3F9B];
	_ =	swait.ge [sflag:s4], $0x0  }
0x19: {  	s7 =	sld [smem:$0x3F9C]  }
0x1a: {  	s8 =	sadd.s32 $0xFFFFE003, lr  }
0x1b: {  	s9 =	sadd.s32 $0xFFFFFEF7, lr;
	s5 =	simm.s32 $0xFFFFFFFF;
	p2 =	slt.u32 s8, $0xFFFFF086  }
0x1c: {  	p1 =	slt.u32 s9, $0xF7A;
	s5 =	simm.s32 @!p2 $0x0  }
0x1d: {  	s5 =	simm.s32 @p1 $0x1;
	p0 =	seq.s32 s7, s2  }
0x1e: {  	s7 =	smul.u32 @!p0 $0xF7A, s2;
	p2 =	seq.s32 @!p0 s5, $0x0  }
0x1f: {  	s9 =	smul.u32 $0xF7A, s1;
	s8 =	simm.s32 @!p0 $0x1BF5;
	p2 =	por !p2, p0  }
0x20: {  	[sflag:s8] =	ssyncset.s32 @!p0 $0xFFFFF086;
	s6 =	sadd.s32 @!p0 s3, s7;
	s7 =	simm.s32 @!p0 $0x108  }
0x21: {  	s3 =	sadd.s32 s3, s9;
	s6 =	sadd.s32 @!p0 $0x88, s6;
	s7 =	simm.s32 @p2 $0x1082  }
0x22: {  	[simem:s7], [sflag:s8] =	dma.local @!p0 [hbm:s6], $0xF7A  }
0x23: {  	s9 =	sor.u32 $0xD0000000, s2;
	s6 =	simm.s32 $0x108;
	_ =	swait.ge @!p0 [sflag:s8], $0x0  }
0x24: {  	s3 =	sadd.s32 $0x88, s3;
	s6 =	simm.s32 @!p1 $0x1082;
	[sflag:s4] =	ssyncset.s32 $0xFFFFF086  }
0x25: {  	[simem:s6], [sflag:s4] =	dma.local [hbm:s3], $0xF7A  }
0x26: {  	[smem:$0x3F9C] =	sst s1;
	(tag) =	ssettag s2;
	_ =	strace s9  }
0x27: {  	s1 =	sld [smem:$0x3FAC]  }
0x28: {  	s2 =	sld [smem:$0x3FAD]  }
0x29: {  	s4 =	sld [smem:$0x3FAF]  }
0x2a: {  	p0 =	seq.s32 s5, $0x0;
	s5 =	sld [smem:$0x3FB0]  }
0x2b: {  	s6 =	sld [smem:$0x3FB1]  }
0x2c: {  	s7 =	sld [smem:$0x3FB2]  }
0x2d: {  	s3 =	simm.s32 $0x108;
	s8 =	sld [smem:$0x3FB3]  }
0x2e: {  	s3 =	simm.s32 @!p0 $0x1082;
	s9 =	sld [smem:$0x3FB4]  }
0x2f: {  	lr =	sadd.s32 s0, s3;
	s0 =	sld [smem:$0x3FAB]  }
0x30: {  	s3 =	sld [smem:$0x3FAE]  }
0x31: {  	[smem:$0x3FB7] =	sst s10  }
0x32: {  	s10 =	sld [smem:$0x3FB5];
	_ =	sdelay $0x3  }
0x33: {  	p0 =	seq.s32 s10, $0x1;
	s10 =	sld [smem:$0x3FB7];
	_ =	sdelay $0x3  }
0x34: {  	[smem:$0x3FB7] =	sst s10  }
0x35: {  	s10 =	sld [smem:$0x3FB6];
	_ =	sdelay $0x3  }
0x36: {  	p1 =	seq.s32 s10, $0x1;
	s10 =	sld [smem:$0x3FB7];
	_ =	sdelay $0x3  }
0x37: {  	[smem:$0x3FB7] =	sst s10  }
0x38: {  	s10 =	sld [smem:$0x3FB8]  }
0x39: {  	_ = 	snop;
	(pc) =	sbr.ind lr, $3  }
0x3a: {  	_ = 	snop  }
0x3b: {  	_ = 	snop  }
0x3c: {  	p2 =	seq.s32 s10, $0x1;
	s10 =	sld [smem:$0x3FB7]  }
0x3d: {  	_ =	shalt  }
0x3e: {  	_ =	shalt  }
0x3f: {  	_ =	shalt  }
0x40: {  	_ =	shalt  }
0x41: {  	_ =	shalt  }
0x42: {  	_ =	shalt  }
0x43: {  	_ =	shalt  }
0x44: {  	_ =	shalt  }
0x45: {  	_ =	shalt  }
0x46: {  	_ =	shalt  }
0x47: {  	_ =	shalt  }
0x48: {  	_ =	shalt  }
0x49: {  	_ =	shalt  }
0x4a: {  	_ =	shalt  }
0x4b: {  	_ =	shalt  }
0x4c: {  	_ =	shalt  }
0x4d: {  	_ =	shalt  }
0x4e: {  	_ =	shalt  }
0x4f: {  	_ =	shalt  }
0x50: {  	_ =	shalt  }
0x51: {  	_ =	shalt  }
0x52: {  	_ =	shalt  }
0x53: {  	_ =	shalt  }
0x54: {  	_ =	shalt  }
0x55: {  	_ =	shalt  }
0x56: {  	_ =	shalt  }
0x57: {  	_ =	shalt  }
0x58: {  	_ =	shalt  }
0x59: {  	_ =	shalt  }
0x5a: {  	_ =	shalt  }
0x5b: {  	_ =	shalt  }
0x5c: {  	_ =	shalt  }
0x5d: {  	_ =	shalt  }
0x5e: {  	_ =	shalt  }
0x5f: {  	_ =	shalt  }
0x60: {  	_ =	shalt  }
0x61: {  	_ =	shalt  }
0x62: {  	_ =	shalt  }
0x63: {  	_ =	shalt  }
0x64: {  	_ =	shalt  }
0x65: {  	_ =	shalt  }
0x66: {  	_ =	shalt  }
0x67: {  	_ =	shalt  }
0x68: {  	_ =	shalt  }
0x69: {  	_ =	shalt  }
0x6a: {  	_ =	shalt  }
0x6b: {  	_ =	shalt  }
0x6c: {  	_ =	shalt  }
0x6d: {  	_ =	shalt  }
0x6e: {  	_ =	shalt  }
0x6f: {  	_ =	shalt  }
0x70: {  	_ =	shalt  }
0x71: {  	_ =	shalt  }
0x72: {  	_ =	shalt  }
0x73: {  	_ =	shalt  }
0x74: {  	_ =	shalt  }
0x75: {  	_ =	shalt  }
0x76: {  	_ =	shalt  }
0x77: {  	_ =	shalt  }
0x78: {  	_ =	shalt  }
0x79: {  	_ =	shalt  }
0x7a: {  	_ =	shalt  }
0x7b: {  	_ =	shalt  }
0x7c: {  	_ =	shalt  }
0x7d: {  	_ =	shalt  }
0x7e: {  	_ =	shalt  }
0x7f: {  	_ =	shalt  }
0x80: {  	_ =	shalt  }
0x81: {  	_ =	shalt  }
0x82: {  	_ =	shalt  }
0x83: {  	_ =	shalt  }
0x84: {  	_ =	shalt  }
0x85: {  	_ =	shalt  }
0x86: {  	_ =	shalt  }
0x87: {  	_ =	shalt  }
.Lfunc_end0:
.L_simem_size_0:
called_computation.1_lowered:
.L_overlay_start_0:
0x88: {  	s2 =	sld [smem:$0x3FD9]  }
0x89: {  	s3 =	sld [smem:$0x3FFE];
	_ =	sdelay $0x1  }
0x8a: {  	s1 =	srdreg.scid  }
0x8b: {  	s0 =	sand.u32 $0x1, s1  }
0x8c: {  	s14 =	sshll.u32 s0, $0xA;
	s2 =	sadd.s32 s3, s2  }
0x8d: {  	s2 =	sadd.s32 s2, s14  }
0x8e: {  	[smem:$0x3FC3] =	sst s2  }
0x8f: {  	_ = 	snop  }
0x90: {  	s2 =	sld [smem:$0x3FD0];
	_ =	sdelay $0x2  }
0x91: {  	s15 =	simm.s32 $0xB;
	s4 =	simm.s32 $0x10  }
0x92: {  	[smem:s4], [sflag:s15] =	dma.local [hbm:s2], $0x1  }
0x93: {  	_ =	swait.eq [sflag:s15], $0x1  }
0x94: {  	[sflag:s15] =	ssyncset.done $0x0  }
0x95: {  	[sflag:s15] =	ssyncadd.s32 $0xFFFFFFFF  }
0x96: {  	s16 =	sld [smem:$0x11];
	(tm) =	ssettm $0x1  }
0x97: {  	s17 =	sld [smem:$0x3FFB];
	_ =	sdelay $0x3  }
0x98: {  	_ =	strace s17  }
0x99: {  	s3 =	sld [smem:$0x3FFC];
	_ =	sdelay $0x3  }
0x9a: {  	_ =	strace s3  }
0x9b: {  	s3 =	sld [smem:$0x3FFD];
	_ =	sdelay $0x3  }
0x9c: {  	_ =	strace s3  }
0x9d: {  	_ =	strace $0x8FFFFFFF  }
0x9e: {  	s18 =	sld [smem:$0x3FDB];
	_ =	sdelay $0x1  }
0x9f: {  	s19 =	simm.s32 $_scs_section_size  }
0xa0: {  	s5 =	simm.s32 $_size__tile_overlayer_lowered;
	s6 =	simm.s32 $_tile_overlayer_lowered  }
0xa1: {  	s22 =	simm.s32 $0x1BFF;
	s21 =	sshll.u32 s6, $0x1;
	s3 =	sadd.s32 s19, s18  }
0xa2: {  	s7 =	simm.s32 $0x0;
	s20 =	sshll.u32 s5, $0x1;
	s5 =	sadd.s32 s21, s3  }
0xa3: {  	[timem:s7], [sflag:s22] =	dma.local [hbm:s5], s20  }
0xa4: {  	_ =	swait.ge [sflag:s22], s20  }
0xa5: {  	s4 =	ssub.s32 $0x0, s20;
	[sflag:s22] =	ssyncset.done $0x0  }
0xa6: {  	[sflag:s22] =	ssyncadd.s32 s4;
	_ =	sdelay $0x1  }
0xa7: {  	s23 =	simm.s32 $0x1B8B  }
0xa8: {  	_ =	swait.ge [sflag:s23], $0x1  }
0xa9: {  	[sflag:s23] =	ssyncset.done $0x0  }
0xaa: {  	s25 =	simm.s32 $0x1B8E;
	s24 =	sld [smem:$0x3FFE];
	[sflag:s23] =	ssyncadd.s32 $0xFFFFFFFF  }
0xab: {  	s26 =	simm.s32 $execute0_lowered;
	[smem:$0x3FD2] =	sst s25  }
0xac: {  	s5 =	sshll.u32 s26, $0x1;
	_ =	strace $0x80000046;
	[dreg:$0x1] =	wrdreg $0xFFFFFFFF  }
0xad: {  	s28 =	simm.s32 $_size_execute0_lowered;
	s3 =	sadd.s32 s3, s5;
	[dreg:$0x0] =	wrdreg $0x0  }
0xae: {  	s5 =	sshll.u32 s28, $0x1;
	[dreg:$0x2] =	wrdreg s3  }
0xaf: {  	[dreg:$0x3] =	wrdreg s5  }
0xb0: {  	[dreg:$0x4] =	wrdreg $0xC0  }
0xb1: {  	_ =	task [dreg:s7], $0x5FFFF  }
0xb2: {  	[dreg:$0x1] =	wrdreg $0xFFFFFFFF  }
0xb3: {  	[dreg:$0x0] =	wrdreg $0x60  }
0xb4: {  	[dreg:$0x2] =	wrdreg s24  }
0xb5: {  	[dreg:$0x3] =	wrdreg s16  }
0xb6: {  	[dreg:$0x4] =	wrdreg $0xA  }
0xb7: {  	_ =	task.clear_ibuf [dreg:s7], $0x5FFFF;
	_ =	strace $0x90000046  }
0xb8: {  	s29 =	simm.s32 $0xA;
	_ =	strace $0x80000048  }
0xb9: {  	_ =	swait.ge [sflag:s29], $0x1  }
0xba: {  	[sflag:s29] =	ssyncadd.s32 $0xFFFFFFFF  }
0xbb: {  	_ =	strace $0x90000048  }
0xbc: {  	_ =	sfence  }
0xbd: {  	s30 =	sld [smem:$0x0];
	_ =	sdelay $0x2  }
0xbe: {  	s31 =	sshll.u32 s1, $0xD;
	s1 =	sshrl.u32 s1, $0x2  }
0xbf: {  	s3 =	sand.u32 $0x4000, s31;
	s1 =	sadd.s32 s1, s30  }
0xc0: {  	s0 =	sor.u32 s3, s0;
	s1 =	sshll.u32 s1, $0x11  }
0xc1: {  	s0 =	sor.u32 s1, s0  }
0xc2: {  	s0 =	sadd.s32 $0x8F2B, s0  }
0xc3: {  	[sflag:s0] =	ssyncadd.remote.s32 $0x1  }
0xc4: {  	_ =	sfence.sel $0xFFFF  }
0xc5: {  	[dreg:$0x0] =	wrdreg $0xFFFFFFFF;
	(pc) =	sbr.abs _section_cstart, $3  }
0xc6: {  	[dreg:$0x1] =	wrdreg $0xFFFFFFFF  }
0xc7: {  	_ =	task.clear_ibuf [dreg:s7], $0x2FFFF;
	_ =	strace $0x9FFFFFFF  }
0xc8: {  	(tm) =	ssettm $0x7FFFFFFF  }
0xc9: {  	_ =	shalt  }
tec
execute0_lowered:
.L_overlay_start_1:
0x0: {  	(tag) =	ssettag $0x1  }
0x1: {  	s0 =	srdreg.scid;
	s1 =	rddreg [dreg:$0x0]  }
0x2: {  	s2 =	stileid.u32;
	s3 =	rddreg [dreg:$0x1];
	s26 =	simm.s32 $0x40  }
0x3: {  	s28 =	simm.s32 $0x100;
	s0 =	sand.u32 $0x1, s0;
	s2 =	sshll.u32 s2, $0x1  }
0x4: {  	s29 =	simm.s32 $0x180;
	s8 =	simm.s32 $0x7640;
	s4 =	sor.u32 s0, s2  }
0x5: {  	s30 =	simm.s32 $0x200;
	s7 =	sadd.s32 $0x1200, s1;
	s5 =	smul.u32 $0xC8, s4  }
0x6: {  	s2 =	simm.s32 $0x0;
	s0 =	ssub.s32 $0x2, s0;
	s6 =	smul.u32 $0x19000, s4  }
0x7: {  	[smem:$0x7FF] =	sst s2;
	s4 =	smul.u32 $0x3200, s4;
	s24 =	sshrl.u32 s0, $0x1  }
0x8: {  	_ =	strace $0x80000047;
	s0 =	ssub.s32 s0, s24;
	[dreg:$0x11] =	wrdreg s26  }
0x9: {  	s3 =	sadd.s32 s3, s5;
	s10 =	sshrl.u32 s6, $0x3;
	s11 =	sadd.s32 s7, s4  }
0xa: {  	s0 =	smax.u32 s0, $0x1;
	[dreg:$0x3] =	wrdreg s3;
	s12 =	sadd.s32 s7, s10  }
0xb: {  	[dreg:$0x4] =	wrdreg s11;
	s10 =	sadd.s32 $0x187C00, s1;
	p1 =	sne.s32 s0, $0x1  }
0xc: {  	s1 =	sadd.s32 $0xFFFFFFFF, s0;
	s13 =	sadd.s32 $0x400, s12;
	s0 =	rddreg [dreg:$0x3]  }
0xd: {  	s31 =	simm.s32 $0x280;
	s14 =	sadd.s32 $0x800, s12;
	[dreg:$0x5] =	wrdreg s13  }
0xe: {  	p0 =	por $0x0, $0x0;
	s15 =	sadd.s32 $0xC00, s12;
	[dreg:$0x6] =	wrdreg s14  }
0xf: {  	s9 =	simm.s32 $0x6;
	s16 =	sadd.s32 $0x1000, s12;
	[dreg:$0x7] =	wrdreg s15  }
0x10: {  	s26 =	simm.s32 $0x600;
	s17 =	sadd.s32 $0x1400, s12;
	[dreg:$0x8] =	wrdreg s16  }
0x11: {  	s24 =	simm.s32 $0x380;
	s18 =	sadd.s32 $0x1800, s12;
	[dreg:$0x9] =	wrdreg s17  }
0x12: {  	s4 =	simm.s32 $0x640;
	s19 =	sadd.s32 $0x1C00, s12;
	[dreg:$0xa] =	wrdreg s18  }
0x13: {  	s6 =	simm.s32 $0x9640;
	s20 =	sadd.s32 $0x2000, s12;
	[dreg:$0xb] =	wrdreg s19  }
0x14: {  	s5 =	simm.s32 $0xB640;
	s21 =	sadd.s32 $0x2400, s12;
	[dreg:$0xc] =	wrdreg s20  }
0x15: {  	s3 =	simm.s32 $0x8;
	s22 =	sadd.s32 $0x2800, s12;
	[dreg:$0xd] =	wrdreg s21  }
0x16: {  	s11 =	simm.s32 $0x5640;
	s23 =	sadd.s32 $0x2C00, s12;
	[dreg:$0xe] =	wrdreg s22  }
0x17: {  	s7 =	simm.s32 $0x7;
	s25 =	sadd.s32 $0x3000, s12;
	[dreg:$0xf] =	wrdreg s23  }
.Ltmp0:
0x18: {  	s12 =	simm.s32 $0x5;
	[dreg:$0x10] =	wrdreg s25;
	(pc) =	sbr.rel @!p1 .LBB2_3-.Ltmp0, $4  }
0x19: {  	s17 =	simm.s32 $0x80;
	s16 =	simm.s32 $0x1640;
	s13 =	simm.s32 $0x3640  }
0x1a: {  	s19 =	simm.s32 $0x1;
	s25 =	simm.s32 $0x300;
	s18 =	simm.s32 $0x2  }
0x1b: {  	s15 =	simm.s32 $0x3;
	s23 =	simm.s32 $0x400;
	s14 =	simm.s32 $0x4  }
0x1c: {  	s22 =	simm.s32 $0x480;
	s21 =	simm.s32 $0x500;
	s20 =	simm.s32 $0x580  }
0x1d: {  	[tilespmem:s2], [sflag:$0x8] =	stream.linear.gather [hbm4b:s0+s2], $0x640, $0x38;
	[tilespmem:$0xD640] =	vst v63  }
0x1e: {  	_ =	swait.ge [sflag:s3], $0x640  }
0x1f: {  	[sflag:s3] =	ssyncset.done $0x0  }
0x20: {  	s0 =	rddreg [dreg:$0x11];
	[sflag:s3] =	ssyncadd.s32 $0xFFFFF9C0  }
0x21: {  	[tilespmem:s4], [sflag:$0x7] =	stream.indirect.gather [hbm4b:s10+s0], $0x40, s26, s0, $0xb8;
	[tilespmem:$0xD640] =	vst v63  }
0x22: {  	_ = 	snop  }
0x23: {  	[tilespmem:s16], [sflag:$0x1] =	stream.indirect.gather [hbm4b:s10+s17], $0x40, s2, s17, $0xb8;
	[tilespmem:$0xD640] =	vst v63  }
0x24: {  	_ = 	snop  }
0x25: {  	[tilespmem:s13], [sflag:$0x2] =	stream.indirect.gather [hbm4b:s10+s17], $0x40, s17, s17, $0xb8;
	[tilespmem:$0xD640] =	vst v63  }
0x26: {  	_ = 	snop  }
0x27: {  	[tilespmem:s11], [sflag:$0x3] =	stream.indirect.gather [hbm4b:s10+s17], $0x40, s28, s17, $0xb8;
	[tilespmem:$0xD640] =	vst v63  }
0x28: {  	_ = 	snop  }
0x29: {  	[tilespmem:s8], [sflag:$0x4] =	stream.indirect.gather [hbm4b:s10+s17], $0x40, s29, s17, $0xb8;
	[tilespmem:$0xD640] =	vst v63  }
0x2a: {  	_ = 	snop  }
0x2b: {  	[tilespmem:s6], [sflag:$0x5] =	stream.indirect.gather [hbm4b:s10+s17], $0x40, s30, s17, $0xb8;
	[tilespmem:$0xD640] =	vst v63  }
0x2c: {  	_ = 	snop  }
0x2d: {  	[tilespmem:s5], [sflag:$0x6] =	stream.indirect.gather [hbm4b:s10+s17], $0x40, s31, s17, $0xb8;
	[tilespmem:$0xD640] =	vst v63  }
0x2e: {  	_ =	swait.ge [sflag:s19], $0x2000  }
0x2f: {  	[sflag:s19] =	ssyncset.done $0x0  }
0x30: {  	s0 =	rddreg [dreg:$0x4];
	[sflag:s19] =	ssyncadd.s32 $0xFFFFE000  }
0x31: {  	[hbm4b:s0+s2] =	stream.linear.scatter [tilespmem:s16], [sflag:$0x8], $0x2000, $0x38;
	[tilespmem:$0xD640] =	vst v63  }
0x32: {  	_ =	swait.ge [sflag:s3], $0x2000  }
0x33: {  	[sflag:s3] =	ssyncset.done $0x0  }
0x34: {  	[sflag:s3] =	ssyncadd.s32 $0xFFFFE000  }
0x35: {  	[tilespmem:s16], [sflag:$0x1] =	stream.indirect.gather [hbm4b:s10+s17], $0x40, s25, s17, $0xb8;
	[tilespmem:$0xD640] =	vst v63  }
0x36: {  	_ =	swait.ge [sflag:s18], $0x2000  }
0x37: {  	[sflag:s18] =	ssyncset.done $0x0  }
0x38: {  	s0 =	rddreg [dreg:$0x5];
	[sflag:s18] =	ssyncadd.s32 $0xFFFFE000  }
0x39: {  	[hbm4b:s0+s2] =	stream.linear.scatter [tilespmem:s13], [sflag:$0x8], $0x2000, $0x38;
	[tilespmem:$0xD640] =	vst v63  }
0x3a: {  	_ =	swait.ge [sflag:s3], $0x2000  }
0x3b: {  	[sflag:s3] =	ssyncset.done $0x0  }
0x3c: {  	[sflag:s3] =	ssyncadd.s32 $0xFFFFE000  }
0x3d: {  	[tilespmem:s13], [sflag:$0x2] =	stream.indirect.gather [hbm4b:s10+s17], $0x40, s24, s17, $0xb8;
	[tilespmem:$0xD640] =	vst v63  }
0x3e: {  	_ =	swait.ge [sflag:s15], $0x2000  }
0x3f: {  	[sflag:s15] =	ssyncset.done $0x0  }
0x40: {  	s0 =	rddreg [dreg:$0x6];
	[sflag:s15] =	ssyncadd.s32 $0xFFFFE000  }
0x41: {  	[hbm4b:s0+s2] =	stream.linear.scatter [tilespmem:s11], [sflag:$0x8], $0x2000, $0x38;
	[tilespmem:$0xD640] =	vst v63  }
0x42: {  	_ =	swait.ge [sflag:s3], $0x2000  }
0x43: {  	[sflag:s3] =	ssyncset.done $0x0  }
0x44: {  	[sflag:s3] =	ssyncadd.s32 $0xFFFFE000  }
0x45: {  	[tilespmem:s11], [sflag:$0x3] =	stream.indirect.gather [hbm4b:s10+s17], $0x40, s23, s17, $0xb8;
	[tilespmem:$0xD640] =	vst v63  }
0x46: {  	_ =	swait.ge [sflag:s14], $0x2000  }
0x47: {  	[sflag:s14] =	ssyncset.done $0x0  }
0x48: {  	s0 =	rddreg [dreg:$0x7];
	[sflag:s14] =	ssyncadd.s32 $0xFFFFE000  }
0x49: {  	[hbm4b:s0+s2] =	stream.linear.scatter [tilespmem:s8], [sflag:$0x8], $0x2000, $0x38;
	[tilespmem:$0xD640] =	vst v63  }
0x4a: {  	_ =	swait.ge [sflag:s3], $0x2000  }
0x4b: {  	[sflag:s3] =	ssyncset.done $0x0  }
0x4c: {  	[sflag:s3] =	ssyncadd.s32 $0xFFFFE000  }
0x4d: {  	[tilespmem:s8], [sflag:$0x4] =	stream.indirect.gather [hbm4b:s10+s17], $0x40, s22, s17, $0xb8;
	[tilespmem:$0xD640] =	vst v63  }
0x4e: {  	_ =	swait.ge [sflag:s12], $0x2000  }
0x4f: {  	[sflag:s12] =	ssyncset.done $0x0  }
0x50: {  	s0 =	rddreg [dreg:$0x8];
	[sflag:s12] =	ssyncadd.s32 $0xFFFFE000  }
0x51: {  	[hbm4b:s0+s2] =	stream.linear.scatter [tilespmem:s6], [sflag:$0x8], $0x2000, $0x38;
	[tilespmem:$0xD640] =	vst v63  }
0x52: {  	_ =	swait.ge [sflag:s3], $0x2000  }
0x53: {  	[sflag:s3] =	ssyncset.done $0x0  }
0x54: {  	[sflag:s3] =	ssyncadd.s32 $0xFFFFE000  }
0x55: {  	[tilespmem:s6], [sflag:$0x5] =	stream.indirect.gather [hbm4b:s10+s17], $0x40, s21, s17, $0xb8;
	[tilespmem:$0xD640] =	vst v63  }
0x56: {  	_ =	swait.ge [sflag:s9], $0x2000  }
0x57: {  	[sflag:s9] =	ssyncset.done $0x0  }
0x58: {  	s0 =	rddreg [dreg:$0x9];
	[sflag:s9] =	ssyncadd.s32 $0xFFFFE000  }
0x59: {  	[hbm4b:s0+s2] =	stream.linear.scatter [tilespmem:s5], [sflag:$0x8], $0x2000, $0x38;
	[tilespmem:$0xD640] =	vst v63  }
0x5a: {  	_ =	swait.ge [sflag:s3], $0x2000  }
0x5b: {  	[sflag:s3] =	ssyncset.done $0x0  }
0x5c: {  	[sflag:s3] =	ssyncadd.s32 $0xFFFFE000  }
0x5d: {  	[tilespmem:s5], [sflag:$0x6] =	stream.indirect.gather [hbm4b:s10+s17], $0x40, s20, s17, $0xb8;
	[tilespmem:$0xD640] =	vst v63  }
0x5e: {  	_ =	swait.ge [sflag:s19], $0x2000  }
0x5f: {  	[sflag:s19] =	ssyncset.done $0x0  }
0x60: {  	s0 =	rddreg [dreg:$0xa];
	[sflag:s19] =	ssyncadd.s32 $0xFFFFE000  }
0x61: {  	[hbm4b:s0+s2] =	stream.linear.scatter [tilespmem:s16], [sflag:$0x8], $0x2000, $0x38;
	[tilespmem:$0xD640] =	vst v63  }
0x62: {  	_ =	swait.ge [sflag:s3], $0x2000  }
0x63: {  	[sflag:s3] =	ssyncset.done $0x0  }
0x64: {  	[sflag:s3] =	ssyncadd.s32 $0xFFFFE000  }
0x65: {  	_ =	swait.ge [sflag:s18], $0x2000  }
0x66: {  	[sflag:s18] =	ssyncset.done $0x0  }
0x67: {  	s0 =	rddreg [dreg:$0xb];
	[sflag:s18] =	ssyncadd.s32 $0xFFFFE000  }
0x68: {  	[hbm4b:s0+s2] =	stream.linear.scatter [tilespmem:s13], [sflag:$0x8], $0x2000, $0x38;
	[tilespmem:$0xD640] =	vst v63  }
0x69: {  	_ =	swait.ge [sflag:s3], $0x2000  }
0x6a: {  	[sflag:s3] =	ssyncset.done $0x0  }
0x6b: {  	[sflag:s3] =	ssyncadd.s32 $0xFFFFE000  }
0x6c: {  	_ =	swait.ge [sflag:s15], $0x2000  }
0x6d: {  	[sflag:s15] =	ssyncset.done $0x0  }
0x6e: {  	s0 =	rddreg [dreg:$0xc];
	[sflag:s15] =	ssyncadd.s32 $0xFFFFE000  }
0x6f: {  	[hbm4b:s0+s2] =	stream.linear.scatter [tilespmem:s11], [sflag:$0x8], $0x2000, $0x38;
	[tilespmem:$0xD640] =	vst v63  }
0x70: {  	_ =	swait.ge [sflag:s3], $0x2000  }
0x71: {  	[sflag:s3] =	ssyncset.done $0x0  }
0x72: {  	[sflag:s3] =	ssyncadd.s32 $0xFFFFE000  }
0x73: {  	_ =	swait.ge [sflag:s14], $0x2000  }
0x74: {  	[sflag:s14] =	ssyncset.done $0x0  }
0x75: {  	s0 =	rddreg [dreg:$0xd];
	[sflag:s14] =	ssyncadd.s32 $0xFFFFE000  }
0x76: {  	[hbm4b:s0+s2] =	stream.linear.scatter [tilespmem:s8], [sflag:$0x8], $0x2000, $0x38;
	[tilespmem:$0xD640] =	vst v63  }
0x77: {  	_ =	swait.ge [sflag:s3], $0x2000  }
0x78: {  	[sflag:s3] =	ssyncset.done $0x0  }
0x79: {  	[sflag:s3] =	ssyncadd.s32 $0xFFFFE000  }
0x7a: {  	_ =	swait.ge [sflag:s12], $0x2000  }
0x7b: {  	[sflag:s12] =	ssyncset.done $0x0  }
0x7c: {  	s0 =	rddreg [dreg:$0xe];
	[sflag:s12] =	ssyncadd.s32 $0xFFFFE000  }
0x7d: {  	[hbm4b:s0+s2] =	stream.linear.scatter [tilespmem:s6], [sflag:$0x8], $0x2000, $0x38;
	[tilespmem:$0xD640] =	vst v63  }
0x7e: {  	_ =	swait.ge [sflag:s3], $0x2000  }
0x7f: {  	[sflag:s3] =	ssyncset.done $0x0  }
0x80: {  	[sflag:s3] =	ssyncadd.s32 $0xFFFFE000  }
0x81: {  	_ =	swait.ge [sflag:s9], $0x2000  }
0x82: {  	[sflag:s9] =	ssyncset.done $0x0  }
0x83: {  	s0 =	rddreg [dreg:$0xf];
	[sflag:s9] =	ssyncadd.s32 $0xFFFFE000  }
0x84: {  	[hbm4b:s0+s2] =	stream.linear.scatter [tilespmem:s5], [sflag:$0x8], $0x2000, $0x38;
	[tilespmem:$0xD640] =	vst v63  }
0x85: {  	_ =	swait.ge [sflag:s3], $0x2000  }
0x86: {  	[sflag:s3] =	ssyncset.done $0x0  }
0x87: {  	[sflag:s3] =	ssyncadd.s32 $0xFFFFE000  }
0x88: {  	p1 =	sne.s32 s1, $0x1;
	_ =	swait.ge [sflag:s7], $0x1000  }
.Ltmp1:
0x89: {  	[sflag:s7] =	ssyncset.done $0x0;
	(pc) =	sbr.rel @!p1 .LBB2_3-.Ltmp1, $4  }
0x8a: {  	s0 =	rddreg [dreg:$0x10];
	[sflag:s7] =	ssyncadd.s32 $0xFFFFF000  }
0x8b: {  	[hbm4b:s0+s2] =	stream.linear.scatter [tilespmem:s4], [sflag:$0x8], $0x1000, $0x38;
	[tilespmem:$0xD640] =	vst v63  }
0x8c: {  	s1 =	sadd.s32 $0xFFFFFFFF, s1;
	_ =	swait.ge [sflag:s3], $0x1000  }
0x8d: {  	p0 =	por $0x1, $0x1;
	s0 =	rddreg [dreg:$0x3];
	[sflag:s3] =	ssyncset.done $0x0  }
.LBB2_2:
0x8e: {  	[sflag:s3] =	ssyncadd.s32 $0xFFFFF000  }
0x8f: {  	[tilespmem:s2], [sflag:$0x8] =	stream.linear.gather [hbm4b:s0+s2], $0x640, $0x38;
	[tilespmem:$0xD640] =	vst v63  }
0x90: {  	_ =	swait.ge [sflag:s3], $0x640  }
0x91: {  	[sflag:s3] =	ssyncset.done $0x0  }
0x92: {  	s0 =	rddreg [dreg:$0x11];
	[sflag:s3] =	ssyncadd.s32 $0xFFFFF9C0  }
0x93: {  	[tilespmem:s4], [sflag:$0x7] =	stream.indirect.gather [hbm4b:s10+s0], $0x40, s26, s0, $0xb8;
	[tilespmem:$0xD640] =	vst v63  }
0x94: {  	_ = 	snop  }
0x95: {  	[tilespmem:s16], [sflag:$0x1] =	stream.indirect.gather [hbm4b:s10+s17], $0x40, s2, s17, $0xb8;
	[tilespmem:$0xD640] =	vst v63  }
0x96: {  	_ = 	snop  }
0x97: {  	[tilespmem:s13], [sflag:$0x2] =	stream.indirect.gather [hbm4b:s10+s17], $0x40, s17, s17, $0xb8;
	[tilespmem:$0xD640] =	vst v63  }
0x98: {  	_ = 	snop  }
0x99: {  	[tilespmem:s11], [sflag:$0x3] =	stream.indirect.gather [hbm4b:s10+s17], $0x40, s28, s17, $0xb8;
	[tilespmem:$0xD640] =	vst v63  }
0x9a: {  	_ = 	snop  }
0x9b: {  	[tilespmem:s8], [sflag:$0x4] =	stream.indirect.gather [hbm4b:s10+s17], $0x40, s29, s17, $0xb8;
	[tilespmem:$0xD640] =	vst v63  }
0x9c: {  	_ = 	snop  }
0x9d: {  	[tilespmem:s6], [sflag:$0x5] =	stream.indirect.gather [hbm4b:s10+s17], $0x40, s30, s17, $0xb8;
	[tilespmem:$0xD640] =	vst v63  }
0x9e: {  	_ = 	snop  }
0x9f: {  	[tilespmem:s5], [sflag:$0x6] =	stream.indirect.gather [hbm4b:s10+s17], $0x40, s31, s17, $0xb8;
	[tilespmem:$0xD640] =	vst v63  }
0xa0: {  	_ =	swait.ge [sflag:s19], $0x2000  }
0xa1: {  	[sflag:s19] =	ssyncset.done $0x0  }
0xa2: {  	s0 =	rddreg [dreg:$0x4];
	[sflag:s19] =	ssyncadd.s32 $0xFFFFE000  }
0xa3: {  	[hbm4b:s0+s2] =	stream.linear.scatter [tilespmem:s16], [sflag:$0x8], $0x2000, $0x38;
	[tilespmem:$0xD640] =	vst v63  }
0xa4: {  	_ =	swait.ge [sflag:s3], $0x2000  }
0xa5: {  	[sflag:s3] =	ssyncset.done $0x0  }
0xa6: {  	[sflag:s3] =	ssyncadd.s32 $0xFFFFE000  }
0xa7: {  	[tilespmem:s16], [sflag:$0x1] =	stream.indirect.gather [hbm4b:s10+s17], $0x40, s25, s17, $0xb8;
	[tilespmem:$0xD640] =	vst v63  }
0xa8: {  	_ =	swait.ge [sflag:s18], $0x2000  }
0xa9: {  	[sflag:s18] =	ssyncset.done $0x0  }
0xaa: {  	s0 =	rddreg [dreg:$0x5];
	[sflag:s18] =	ssyncadd.s32 $0xFFFFE000  }
0xab: {  	[hbm4b:s0+s2] =	stream.linear.scatter [tilespmem:s13], [sflag:$0x8], $0x2000, $0x38;
	[tilespmem:$0xD640] =	vst v63  }
0xac: {  	_ =	swait.ge [sflag:s3], $0x2000  }
0xad: {  	[sflag:s3] =	ssyncset.done $0x0  }
0xae: {  	[sflag:s3] =	ssyncadd.s32 $0xFFFFE000  }
0xaf: {  	[tilespmem:s13], [sflag:$0x2] =	stream.indirect.gather [hbm4b:s10+s17], $0x40, s24, s17, $0xb8;
	[tilespmem:$0xD640] =	vst v63  }
0xb0: {  	_ =	swait.ge [sflag:s15], $0x2000  }
0xb1: {  	[sflag:s15] =	ssyncset.done $0x0  }
0xb2: {  	s0 =	rddreg [dreg:$0x6];
	[sflag:s15] =	ssyncadd.s32 $0xFFFFE000  }
0xb3: {  	[hbm4b:s0+s2] =	stream.linear.scatter [tilespmem:s11], [sflag:$0x8], $0x2000, $0x38;
	[tilespmem:$0xD640] =	vst v63  }
0xb4: {  	_ =	swait.ge [sflag:s3], $0x2000  }
0xb5: {  	[sflag:s3] =	ssyncset.done $0x0  }
0xb6: {  	[sflag:s3] =	ssyncadd.s32 $0xFFFFE000  }
0xb7: {  	[tilespmem:s11], [sflag:$0x3] =	stream.indirect.gather [hbm4b:s10+s17], $0x40, s23, s17, $0xb8;
	[tilespmem:$0xD640] =	vst v63  }
0xb8: {  	_ =	swait.ge [sflag:s14], $0x2000  }
0xb9: {  	[sflag:s14] =	ssyncset.done $0x0  }
0xba: {  	s0 =	rddreg [dreg:$0x7];
	[sflag:s14] =	ssyncadd.s32 $0xFFFFE000  }
0xbb: {  	[hbm4b:s0+s2] =	stream.linear.scatter [tilespmem:s8], [sflag:$0x8], $0x2000, $0x38;
	[tilespmem:$0xD640] =	vst v63  }
0xbc: {  	_ =	swait.ge [sflag:s3], $0x2000  }
0xbd: {  	[sflag:s3] =	ssyncset.done $0x0  }
0xbe: {  	[sflag:s3] =	ssyncadd.s32 $0xFFFFE000  }
0xbf: {  	[tilespmem:s8], [sflag:$0x4] =	stream.indirect.gather [hbm4b:s10+s17], $0x40, s22, s17, $0xb8;
	[tilespmem:$0xD640] =	vst v63  }
0xc0: {  	_ =	swait.ge [sflag:s12], $0x2000  }
0xc1: {  	[sflag:s12] =	ssyncset.done $0x0  }
0xc2: {  	s0 =	rddreg [dreg:$0x8];
	[sflag:s12] =	ssyncadd.s32 $0xFFFFE000  }
0xc3: {  	[hbm4b:s0+s2] =	stream.linear.scatter [tilespmem:s6], [sflag:$0x8], $0x2000, $0x38;
	[tilespmem:$0xD640] =	vst v63  }
0xc4: {  	_ =	swait.ge [sflag:s3], $0x2000  }
0xc5: {  	[sflag:s3] =	ssyncset.done $0x0  }
0xc6: {  	[sflag:s3] =	ssyncadd.s32 $0xFFFFE000  }
0xc7: {  	[tilespmem:s6], [sflag:$0x5] =	stream.indirect.gather [hbm4b:s10+s17], $0x40, s21, s17, $0xb8;
	[tilespmem:$0xD640] =	vst v63  }
0xc8: {  	_ =	swait.ge [sflag:s9], $0x2000  }
0xc9: {  	[sflag:s9] =	ssyncset.done $0x0  }
0xca: {  	s0 =	rddreg [dreg:$0x9];
	[sflag:s9] =	ssyncadd.s32 $0xFFFFE000  }
0xcb: {  	[hbm4b:s0+s2] =	stream.linear.scatter [tilespmem:s5], [sflag:$0x8], $0x2000, $0x38;
	[tilespmem:$0xD640] =	vst v63  }
0xcc: {  	_ =	swait.ge [sflag:s3], $0x2000  }
0xcd: {  	[sflag:s3] =	ssyncset.done $0x0  }
0xce: {  	[sflag:s3] =	ssyncadd.s32 $0xFFFFE000  }
0xcf: {  	[tilespmem:s5], [sflag:$0x6] =	stream.indirect.gather [hbm4b:s10+s17], $0x40, s20, s17, $0xb8;
	[tilespmem:$0xD640] =	vst v63  }
0xd0: {  	_ =	swait.ge [sflag:s19], $0x2000  }
0xd1: {  	[sflag:s19] =	ssyncset.done $0x0  }
0xd2: {  	s0 =	rddreg [dreg:$0xa];
	[sflag:s19] =	ssyncadd.s32 $0xFFFFE000  }
0xd3: {  	[hbm4b:s0+s2] =	stream.linear.scatter [tilespmem:s16], [sflag:$0x8], $0x2000, $0x38;
	[tilespmem:$0xD640] =	vst v63  }
0xd4: {  	_ =	swait.ge [sflag:s3], $0x2000  }
0xd5: {  	[sflag:s3] =	ssyncset.done $0x0  }
0xd6: {  	[sflag:s3] =	ssyncadd.s32 $0xFFFFE000  }
0xd7: {  	_ =	swait.ge [sflag:s18], $0x2000  }
0xd8: {  	[sflag:s18] =	ssyncset.done $0x0  }
0xd9: {  	s0 =	rddreg [dreg:$0xb];
	[sflag:s18] =	ssyncadd.s32 $0xFFFFE000  }
0xda: {  	[hbm4b:s0+s2] =	stream.linear.scatter [tilespmem:s13], [sflag:$0x8], $0x2000, $0x38;
	[tilespmem:$0xD640] =	vst v63  }
0xdb: {  	_ =	swait.ge [sflag:s3], $0x2000  }
0xdc: {  	[sflag:s3] =	ssyncset.done $0x0  }
0xdd: {  	[sflag:s3] =	ssyncadd.s32 $0xFFFFE000  }
0xde: {  	_ =	swait.ge [sflag:s15], $0x2000  }
0xdf: {  	[sflag:s15] =	ssyncset.done $0x0  }
0xe0: {  	s0 =	rddreg [dreg:$0xc];
	[sflag:s15] =	ssyncadd.s32 $0xFFFFE000  }
0xe1: {  	[hbm4b:s0+s2] =	stream.linear.scatter [tilespmem:s11], [sflag:$0x8], $0x2000, $0x38;
	[tilespmem:$0xD640] =	vst v63  }
0xe2: {  	_ =	swait.ge [sflag:s3], $0x2000  }
0xe3: {  	[sflag:s3] =	ssyncset.done $0x0  }
0xe4: {  	[sflag:s3] =	ssyncadd.s32 $0xFFFFE000  }
0xe5: {  	_ =	swait.ge [sflag:s14], $0x2000  }
0xe6: {  	[sflag:s14] =	ssyncset.done $0x0  }
0xe7: {  	s0 =	rddreg [dreg:$0xd];
	[sflag:s14] =	ssyncadd.s32 $0xFFFFE000  }
0xe8: {  	[hbm4b:s0+s2] =	stream.linear.scatter [tilespmem:s8], [sflag:$0x8], $0x2000, $0x38;
	[tilespmem:$0xD640] =	vst v63  }
0xe9: {  	_ =	swait.ge [sflag:s3], $0x2000  }
0xea: {  	[sflag:s3] =	ssyncset.done $0x0  }
0xeb: {  	[sflag:s3] =	ssyncadd.s32 $0xFFFFE000  }
0xec: {  	_ =	swait.ge [sflag:s12], $0x2000  }
0xed: {  	[sflag:s12] =	ssyncset.done $0x0  }
0xee: {  	s0 =	rddreg [dreg:$0xe];
	[sflag:s12] =	ssyncadd.s32 $0xFFFFE000  }
0xef: {  	[hbm4b:s0+s2] =	stream.linear.scatter [tilespmem:s6], [sflag:$0x8], $0x2000, $0x38;
	[tilespmem:$0xD640] =	vst v63  }
0xf0: {  	_ =	swait.ge [sflag:s3], $0x2000  }
0xf1: {  	[sflag:s3] =	ssyncset.done $0x0  }
0xf2: {  	[sflag:s3] =	ssyncadd.s32 $0xFFFFE000  }
0xf3: {  	_ =	swait.ge [sflag:s9], $0x2000  }
0xf4: {  	[sflag:s9] =	ssyncset.done $0x0  }
0xf5: {  	s0 =	rddreg [dreg:$0xf];
	[sflag:s9] =	ssyncadd.s32 $0xFFFFE000  }
0xf6: {  	[hbm4b:s0+s2] =	stream.linear.scatter [tilespmem:s5], [sflag:$0x8], $0x2000, $0x38;
	[tilespmem:$0xD640] =	vst v63  }
0xf7: {  	_ =	swait.ge [sflag:s3], $0x2000  }
0xf8: {  	[sflag:s3] =	ssyncset.done $0x0  }
0xf9: {  	[sflag:s3] =	ssyncadd.s32 $0xFFFFE000  }
0xfa: {  	p1 =	sne.s32 s1, $0x1;
	_ =	swait.ge [sflag:s7], $0x1000  }
.Ltmp2:
0xfb: {  	[sflag:s7] =	ssyncset.done $0x0;
	(pc) =	sbr.rel @p1 .LBB2_2-.Ltmp2, $4  }
0xfc: {  	s0 =	rddreg [dreg:$0x10];
	[sflag:s7] =	ssyncadd.s32 $0xFFFFF000  }
0xfd: {  	[hbm4b:s0+s2] =	stream.linear.scatter [tilespmem:s4], [sflag:$0x8], $0x1000, $0x38;
	[tilespmem:$0xD640] =	vst v63  }
0xfe: {  	_ =	swait.ge [sflag:s3], $0x1000  }
0xff: {  	s1 =	sadd.s32 $0xFFFFFFFF, s1;
	s0 =	rddreg [dreg:$0x3];
	[sflag:s3] =	ssyncset.done $0x0  }
.LBB2_3:
0x100: {  	[sflag:s3] =	ssyncadd.s32 @p0 $0xFFFFF000  }
0x101: {  	[tilespmem:s2], [sflag:$0x8] =	stream.linear.gather [hbm4b:s0+s2], $0x640, $0x38;
	[tilespmem:$0xD640] =	vst v63  }
0x102: {  	_ =	swait.ge [sflag:s3], $0x640  }
0x103: {  	[sflag:s3] =	ssyncset.done $0x0  }
0x104: {  	s1 =	rddreg [dreg:$0x11];
	[sflag:s3] =	ssyncadd.s32 $0xFFFFF9C0  }
0x105: {  	[tilespmem:s4], [sflag:$0x7] =	stream.indirect.gather [hbm4b:s10+s1], $0x40, s26, s1, $0xb8;
	[tilespmem:$0xD640] =	vst v63  }
0x106: {  	_ = 	snop  }
0x107: {  	[tilespmem:s16], [sflag:$0x1] =	stream.indirect.gather [hbm4b:s10+s17], $0x40, s2, s17, $0xb8;
	[tilespmem:$0xD640] =	vst v63  }
0x108: {  	_ = 	snop  }
0x109: {  	[tilespmem:s13], [sflag:$0x2] =	stream.indirect.gather [hbm4b:s10+s17], $0x40, s17, s17, $0xb8;
	[tilespmem:$0xD640] =	vst v63  }
0x10a: {  	_ = 	snop  }
0x10b: {  	[tilespmem:s11], [sflag:$0x3] =	stream.indirect.gather [hbm4b:s10+s17], $0x40, s28, s17, $0xb8;
	[tilespmem:$0xD640] =	vst v63  }
0x10c: {  	_ = 	snop  }
0x10d: {  	[tilespmem:s8], [sflag:$0x4] =	stream.indirect.gather [hbm4b:s10+s17], $0x40, s29, s17, $0xb8;
	[tilespmem:$0xD640] =	vst v63  }
0x10e: {  	_ = 	snop  }
0x10f: {  	[tilespmem:s6], [sflag:$0x5] =	stream.indirect.gather [hbm4b:s10+s17], $0x40, s30, s17, $0xb8;
	[tilespmem:$0xD640] =	vst v63  }
0x110: {  	_ = 	snop  }
0x111: {  	[tilespmem:s5], [sflag:$0x6] =	stream.indirect.gather [hbm4b:s10+s17], $0x40, s31, s17, $0xb8;
	[tilespmem:$0xD640] =	vst v63  }
0x112: {  	_ =	swait.ge [sflag:s19], $0x2000  }
0x113: {  	[sflag:s19] =	ssyncset.done $0x0  }
0x114: {  	s28 =	rddreg [dreg:$0x4];
	[sflag:s19] =	ssyncadd.s32 $0xFFFFE000  }
0x115: {  	[hbm4b:s28+s2] =	stream.linear.scatter [tilespmem:s16], [sflag:$0x8], $0x2000, $0x38;
	[tilespmem:$0xD640] =	vst v63  }
0x116: {  	_ =	swait.ge [sflag:s3], $0x2000  }
0x117: {  	[sflag:s3] =	ssyncset.done $0x0  }
0x118: {  	[sflag:s3] =	ssyncadd.s32 $0xFFFFE000  }
0x119: {  	[tilespmem:s16], [sflag:$0x1] =	stream.indirect.gather [hbm4b:s10+s17], $0x40, s25, s17, $0xb8;
	[tilespmem:$0xD640] =	vst v63  }
0x11a: {  	_ =	swait.ge [sflag:s18], $0x2000  }
0x11b: {  	[sflag:s18] =	ssyncset.done $0x0  }
0x11c: {  	s29 =	rddreg [dreg:$0x5];
	[sflag:s18] =	ssyncadd.s32 $0xFFFFE000  }
0x11d: {  	[hbm4b:s29+s2] =	stream.linear.scatter [tilespmem:s13], [sflag:$0x8], $0x2000, $0x38;
	[tilespmem:$0xD640] =	vst v63  }
0x11e: {  	_ =	swait.ge [sflag:s3], $0x2000  }
0x11f: {  	[sflag:s3] =	ssyncset.done $0x0  }
0x120: {  	[sflag:s3] =	ssyncadd.s32 $0xFFFFE000  }
0x121: {  	[tilespmem:s13], [sflag:$0x2] =	stream.indirect.gather [hbm4b:s10+s17], $0x40, s24, s17, $0xb8;
	[tilespmem:$0xD640] =	vst v63  }
0x122: {  	_ =	swait.ge [sflag:s15], $0x2000  }
0x123: {  	[sflag:s15] =	ssyncset.done $0x0  }
0x124: {  	s30 =	rddreg [dreg:$0x6];
	[sflag:s15] =	ssyncadd.s32 $0xFFFFE000  }
0x125: {  	[hbm4b:s30+s2] =	stream.linear.scatter [tilespmem:s11], [sflag:$0x8], $0x2000, $0x38;
	[tilespmem:$0xD640] =	vst v63  }
0x126: {  	_ =	swait.ge [sflag:s3], $0x2000  }
0x127: {  	[sflag:s3] =	ssyncset.done $0x0  }
0x128: {  	[sflag:s3] =	ssyncadd.s32 $0xFFFFE000  }
0x129: {  	[tilespmem:s11], [sflag:$0x3] =	stream.indirect.gather [hbm4b:s10+s17], $0x40, s23, s17, $0xb8;
	[tilespmem:$0xD640] =	vst v63  }
0x12a: {  	_ =	swait.ge [sflag:s14], $0x2000  }
0x12b: {  	[sflag:s14] =	ssyncset.done $0x0  }
0x12c: {  	s31 =	rddreg [dreg:$0x7];
	[sflag:s14] =	ssyncadd.s32 $0xFFFFE000  }
0x12d: {  	[hbm4b:s31+s2] =	stream.linear.scatter [tilespmem:s8], [sflag:$0x8], $0x2000, $0x38;
	[tilespmem:$0xD640] =	vst v63  }
0x12e: {  	_ =	swait.ge [sflag:s3], $0x2000  }
0x12f: {  	[sflag:s3] =	ssyncset.done $0x0  }
0x130: {  	[sflag:s3] =	ssyncadd.s32 $0xFFFFE000  }
0x131: {  	[tilespmem:s8], [sflag:$0x4] =	stream.indirect.gather [hbm4b:s10+s17], $0x40, s22, s17, $0xb8;
	[tilespmem:$0xD640] =	vst v63  }
0x132: {  	_ =	swait.ge [sflag:s12], $0x2000  }
0x133: {  	[sflag:s12] =	ssyncset.done $0x0  }
0x134: {  	s1 =	rddreg [dreg:$0x8];
	[sflag:s12] =	ssyncadd.s32 $0xFFFFE000  }
0x135: {  	[hbm4b:s1+s2] =	stream.linear.scatter [tilespmem:s6], [sflag:$0x8], $0x2000, $0x38;
	[tilespmem:$0xD640] =	vst v63  }
0x136: {  	_ =	swait.ge [sflag:s3], $0x2000  }
0x137: {  	[sflag:s3] =	ssyncset.done $0x0  }
0x138: {  	[sflag:s3] =	ssyncadd.s32 $0xFFFFE000  }
0x139: {  	[tilespmem:s6], [sflag:$0x5] =	stream.indirect.gather [hbm4b:s10+s17], $0x40, s21, s17, $0xb8;
	[tilespmem:$0xD640] =	vst v63  }
0x13a: {  	_ =	swait.ge [sflag:s9], $0x2000  }
0x13b: {  	[sflag:s9] =	ssyncset.done $0x0  }
0x13c: {  	s22 =	rddreg [dreg:$0x9];
	[sflag:s9] =	ssyncadd.s32 $0xFFFFE000  }
0x13d: {  	[hbm4b:s22+s2] =	stream.linear.scatter [tilespmem:s5], [sflag:$0x8], $0x2000, $0x38;
	[tilespmem:$0xD640] =	vst v63  }
0x13e: {  	_ =	swait.ge [sflag:s3], $0x2000  }
0x13f: {  	[sflag:s3] =	ssyncset.done $0x0  }
0x140: {  	[sflag:s3] =	ssyncadd.s32 $0xFFFFE000  }
0x141: {  	[tilespmem:s5], [sflag:$0x6] =	stream.indirect.gather [hbm4b:s10+s17], $0x40, s20, s17, $0xb8;
	[tilespmem:$0xD640] =	vst v63  }
0x142: {  	_ =	swait.ge [sflag:s19], $0x2000  }
0x143: {  	[sflag:s19] =	ssyncset.done $0x0  }
0x144: {  	s23 =	rddreg [dreg:$0xa];
	[sflag:s19] =	ssyncadd.s32 $0xFFFFE000  }
0x145: {  	[hbm4b:s23+s2] =	stream.linear.scatter [tilespmem:s16], [sflag:$0x8], $0x2000, $0x38;
	[tilespmem:$0xD640] =	vst v63  }
0x146: {  	_ =	swait.ge [sflag:s3], $0x2000  }
0x147: {  	[sflag:s3] =	ssyncset.done $0x0  }
0x148: {  	[sflag:s3] =	ssyncadd.s32 $0xFFFFE000  }
0x149: {  	_ =	swait.ge [sflag:s18], $0x2000  }
0x14a: {  	[sflag:s18] =	ssyncset.done $0x0  }
0x14b: {  	s24 =	rddreg [dreg:$0xb];
	[sflag:s18] =	ssyncadd.s32 $0xFFFFE000  }
0x14c: {  	[hbm4b:s24+s2] =	stream.linear.scatter [tilespmem:s13], [sflag:$0x8], $0x2000, $0x38;
	[tilespmem:$0xD640] =	vst v63  }
0x14d: {  	_ =	swait.ge [sflag:s3], $0x2000  }
0x14e: {  	[sflag:s3] =	ssyncset.done $0x0  }
0x14f: {  	[sflag:s3] =	ssyncadd.s32 $0xFFFFE000  }
0x150: {  	_ =	swait.ge [sflag:s15], $0x2000  }
0x151: {  	[sflag:s15] =	ssyncset.done $0x0  }
0x152: {  	s25 =	rddreg [dreg:$0xc];
	[sflag:s15] =	ssyncadd.s32 $0xFFFFE000  }
0x153: {  	[hbm4b:s25+s2] =	stream.linear.scatter [tilespmem:s11], [sflag:$0x8], $0x2000, $0x38;
	[tilespmem:$0xD640] =	vst v63  }
0x154: {  	_ =	swait.ge [sflag:s3], $0x2000  }
0x155: {  	[sflag:s3] =	ssyncset.done $0x0  }
0x156: {  	[sflag:s3] =	ssyncadd.s32 $0xFFFFE000  }
0x157: {  	_ =	swait.ge [sflag:s14], $0x2000  }
0x158: {  	[sflag:s14] =	ssyncset.done $0x0  }
0x159: {  	s26 =	rddreg [dreg:$0xd];
	[sflag:s14] =	ssyncadd.s32 $0xFFFFE000  }
0x15a: {  	[hbm4b:s26+s2] =	stream.linear.scatter [tilespmem:s8], [sflag:$0x8], $0x2000, $0x38;
	[tilespmem:$0xD640] =	vst v63  }
0x15b: {  	_ =	swait.ge [sflag:s3], $0x2000  }
0x15c: {  	[sflag:s3] =	ssyncset.done $0x0  }
0x15d: {  	[sflag:s3] =	ssyncadd.s32 $0xFFFFE000  }
0x15e: {  	_ =	swait.ge [sflag:s12], $0x2000  }
0x15f: {  	[sflag:s12] =	ssyncset.done $0x0  }
0x160: {  	s28 =	rddreg [dreg:$0xe];
	[sflag:s12] =	ssyncadd.s32 $0xFFFFE000  }
0x161: {  	[hbm4b:s28+s2] =	stream.linear.scatter [tilespmem:s6], [sflag:$0x8], $0x2000, $0x38;
	[tilespmem:$0xD640] =	vst v63  }
0x162: {  	_ =	swait.ge [sflag:s3], $0x2000  }
0x163: {  	[sflag:s3] =	ssyncset.done $0x0  }
0x164: {  	[sflag:s3] =	ssyncadd.s32 $0xFFFFE000  }
0x165: {  	_ =	swait.ge [sflag:s9], $0x2000  }
0x166: {  	[sflag:s9] =	ssyncset.done $0x0  }
0x167: {  	s29 =	rddreg [dreg:$0xf];
	[sflag:s9] =	ssyncadd.s32 $0xFFFFE000  }
0x168: {  	[hbm4b:s29+s2] =	stream.linear.scatter [tilespmem:s5], [sflag:$0x8], $0x2000, $0x38;
	[tilespmem:$0xD640] =	vst v63  }
0x169: {  	_ =	swait.ge [sflag:s3], $0x2000  }
0x16a: {  	[sflag:s3] =	ssyncset.done $0x0  }
0x16b: {  	[sflag:s3] =	ssyncadd.s32 $0xFFFFE000  }
0x16c: {  	_ =	swait.ge [sflag:s7], $0x1000  }
0x16d: {  	[sflag:s7] =	ssyncset.done $0x0  }
0x16e: {  	s30 =	rddreg [dreg:$0x10];
	[sflag:s7] =	ssyncadd.s32 $0xFFFFF000  }
0x16f: {  	[hbm4b:s30+s2] =	stream.linear.scatter [tilespmem:s4], [sflag:$0x8], $0x1000, $0x38;
	[tilespmem:$0xD640] =	vst v63  }
0x170: {  	_ =	swait.ge [sflag:s3], $0x1000  }
0x171: {  	[sflag:s3] =	ssyncset.done $0x0  }
0x172: {  	[sflag:s3] =	ssyncadd.s32 $0xFFFFF000  }
0x173: {  	_ =	sfence.sel $0x180000  }
0x174: {  	[bflag:$0x0] =	sbarrier.arrive $0xFFFF  }
0x175: {  	_ =	strace $0x90000047  }
0x176: {  	s31 =	stileid.u32;
	[bflag:$0x2] =	sbarrier.arrive $0xFFFF  }
0x177: {  	p0 =	sne.s32 s31, $0x0;
	s0 =	rddreg [dreg:$0x2]  }
0x178: {  	s0 =	sadd.s32 @!p0 $0x100000, s0  }
0x179: {  	[sflag:s0] =	ssyncadd.tile.s32 @!p0 $0x1;
	_ =	shalt  }
.Lfunc_end2:
_tile_overlayer_lowered:
.L_overlay_start_2:
0x17a: {  	(tag) =	ssettag $0x2  }
0x17b: {  	s0 =	rddreg [dreg:$0x0];
	s2 =	stileid.u32  }
0x17c: {  	s1 =	rddreg [dreg:$0x1];
	p0 =	sne.s32 s2, $0x0  }
0x17d: {  	s3 =	rddreg [dreg:$0x2];
	[bflag:$0x3] =	sbarrier.arrive $0xFFFF;
	s2 =	simm.s32 @!p0 $0x1C08  }
0x17e: {  	[timem:s3], [sflag:s2] =	dma.local @!p0 [hbm:s0], s1  }
0x17f: {  	s0 =	simm.s32 @!p0 $0x8  }
0x180: {  	_ =	swait.ge @!p0 [sflag:s0], s1  }
0x181: {  	s1 =	ssub.s32 @!p0 $0x0, s1;
	[sflag:s0] =	ssyncset.done @!p0 $0x0  }
0x182: {  	[sflag:s0] =	ssyncadd.s32 @!p0 s1  }
0x183: {  	[bflag:$0x3] =	sbarrier.arrive $0xFFFF  }
0x184: {  	_ =	shalt  }

</sc_bundles>
